<compile_context>
chip_gen: v7x
topology: tpu7x:2x2x1
jax: 0.10.2.dev20260603
libtpu: 0.0.44.dev20260713+nightly
codegen_flags: <defaults>
</compile_context>

<pallas_src>
import functools

import jax
import jax.numpy as jnp
from jax import lax
from jax.experimental import pallas as pl
from jax.experimental.pallas import tpu as pltpu
from jax.experimental.pallas import tpu_sc as plsc

_NUM_NODE = 5000
_EMBED = 128
_NUM_CLS = 20
_BZ, _SEQ, _NBR = 1024, 50, 8
_PAIRS = _SEQ * _NBR
_SEQ_PAD = 56
_IDXW = _PAIRS + _PAIRS + _SEQ_PAD
_LANES = 16
_NVEC = _EMBED // _LANES

_info = plsc.get_sparse_core_info()
_NC, _NS = _info.num_cores, _info.num_subcores
_NW = _NC * _NS
_B_PER_W = _BZ // _NW

_CHUNKS = ((0, 128), (128, 128), (256, 128), (384, 16))


@functools.partial(
    pl.kernel,
    out_type=jax.ShapeDtypeStruct((_BZ, _EMBED), jnp.float32),
    mesh=plsc.VectorSubcoreMesh(core_axis_name="c", subcore_axis_name="s"),
    scratch_types=[
        pltpu.VMEM((_IDXW,), jnp.int32),
        pltpu.VMEM((_IDXW,), jnp.int32),
        pltpu.VMEM((_PAIRS, _EMBED), jnp.float32),
        pltpu.VMEM((_PAIRS, _EMBED), jnp.float32),
        pltpu.VMEM((_PAIRS + _LANES,), jnp.float32),
        pltpu.VMEM((_PAIRS + _LANES,), jnp.float32),
        pltpu.VMEM((_SEQ_PAD, _EMBED), jnp.float32),
        pltpu.VMEM((_SEQ_PAD, _EMBED), jnp.float32),
        pltpu.VMEM((_SEQ_PAD + _LANES,), jnp.float32),
        pltpu.VMEM((_SEQ_PAD + _LANES,), jnp.float32),
        pltpu.VMEM((_B_PER_W, _EMBED), jnp.float32),
        pltpu.SemaphoreType.DMA,
        pltpu.SemaphoreType.DMA,
    ],
)
def _sc_pool(emb_hbm, ew_hbm, nw_hbm, idx_hbm, out_hbm,
             idx0, idx1, rows0, rows1, ewv0, ewv1, rn0, rn1, nn0, nn1,
             hblk, sem0, sem1):
    wid = lax.axis_index("s") * _NC + lax.axis_index("c")
    b0 = wid * _B_PER_W
    slots = ((idx0, rows0, ewv0, rn0, nn0, sem0),
             (idx1, rows1, ewv1, rn1, nn1, sem1))

    def copies(slot):
        idx, rows, ewv, rn, nn, sem = slots[slot]
        cs = []
        for off, sz in _CHUNKS:
            cs.append(pltpu.make_async_copy(
                emb_hbm.at[idx.at[pl.ds(off, sz)]],
                rows.at[pl.ds(off, sz)], sem))
            cs.append(pltpu.make_async_copy(
                ew_hbm.at[idx.at[pl.ds(_PAIRS + off, sz)]],
                ewv.at[pl.ds(off, sz)], sem))
        cs.append(pltpu.make_async_copy(
            emb_hbm.at[idx.at[pl.ds(2 * _PAIRS, _SEQ_PAD)]], rn, sem))
        cs.append(pltpu.make_async_copy(
            nw_hbm.at[idx.at[pl.ds(2 * _PAIRS, _SEQ_PAD)]],
            nn.at[pl.ds(0, _SEQ_PAD)], sem))
        return cs

    def fetch(slot, lb):
        pltpu.sync_copy(idx_hbm.at[b0 + lb], slots[slot][0])
        for c in copies(slot):
            c.start()

    def compute(slot, lb):
        _, rows, ewv, rn, nn, _ = slots[slot]
        for c in copies(slot):
            c.wait()

        def s_body(s, acc):
            base = s * _NBR
            wv = ewv[pl.ds(base, _LANES)]
            m = [None] * _NVEC
            for n in range(_NBR):
                wb = jnp.full((_LANES,), wv[n], jnp.float32)
                for e in range(_NVEC):
                    v = rows[base + n, pl.ds(e * _LANES, _LANES)] * wb
                    m[e] = v if n == 0 else jnp.maximum(m[e], v)
            nb = jnp.full((_LANES,), nn[pl.ds(s, _LANES)][0], jnp.float32)
            ob = 1.0 - nb
            return tuple(
                acc[e] + ob * m[e] + nb * rn[s, pl.ds(e * _LANES, _LANES)]
                for e in range(_NVEC))

        acc0 = tuple(jnp.zeros((_LANES,), jnp.float32) for _ in range(_NVEC))
        acc = lax.fori_loop(0, _SEQ, s_body, acc0)
        for e in range(_NVEC):
            hblk[lb, pl.ds(e * _LANES, _LANES)] = acc[e]

    fetch(0, 0)

    def step_body(step, carry):
        lb0 = 2 * step
        fetch(1, lb0 + 1)
        compute(0, lb0)

        @pl.when(step < _B_PER_W // 2 - 1)
        def _():
            fetch(0, lb0 + 2)

        compute(1, lb0 + 1)
        return carry

    lax.fori_loop(0, _B_PER_W // 2, step_body, 0)
    pltpu.sync_copy(hblk, out_hbm.at[pl.ds(b0, _B_PER_W)])


def _fc_body(h_ref, w_ref, b_ref, o_ref):
    z = jnp.dot(h_ref[...], w_ref[...], preferred_element_type=jnp.float32)
    z = jnp.maximum(z + b_ref[...], 0.0)
    mx = jnp.max(z, axis=1, keepdims=True)
    ez = jnp.exp(z - mx)
    lse = jnp.log(jnp.sum(ez, axis=1, keepdims=True)) + mx
    o_ref[...] = z - lse


def kernel(X, NX, EW, node_emb, edge_w, node_w, fc_W, fc_b):
    idx_all = jnp.concatenate([
        NX.reshape(_BZ, _PAIRS).astype(jnp.int32),
        EW.reshape(_BZ, _PAIRS).astype(jnp.int32),
        jnp.pad(X.astype(jnp.int32), ((0, 0), (0, _SEQ_PAD - _SEQ))),
    ], axis=1)
    ew_flat = edge_w.reshape(-1)
    h = _sc_pool(node_emb, ew_flat, node_w.reshape(-1), idx_all)
    return pl.pallas_call(
        _fc_body,
        out_shape=jax.ShapeDtypeStruct((_BZ, _NUM_CLS), jnp.float32),
    )(h, fc_W, fc_b.reshape(1, _NUM_CLS))

# --- scband reference (transcript-rebuilt; emitter-appended) ---
"""Pipeline reference for scband-gnnmodel-41832981463504 (READ-ONLY COPY).

The authoritative reference and input builder live on the scoring server;
editing this copy changes nothing except your own understanding.
"""

import jax, jax.numpy as jnp
import numpy as np

NUM_NODE = 5000
EMBED = 128
NUM_CLS = 20
EDGE_ROWS = (NUM_NODE - 1) * (NUM_NODE - 1) + 1  # 24990002
BZ, SEQ, NBR = 1024, 50, 8


def setup_inputs(seed: int = 0):
    key = jax.random.key(seed)
    ks = jax.random.split(key, 8)
    X = jax.random.randint(ks[0], (BZ, SEQ), 0, NUM_NODE)
    NX = jax.random.randint(ks[1], (BZ, SEQ, NBR), 0, NUM_NODE)
    EW = jax.random.randint(ks[2], (BZ, SEQ, NBR), 0, EDGE_ROWS)
    node_emb = jax.random.normal(ks[3], (NUM_NODE, EMBED), jnp.float32) * 0.02
    edge_w = jax.random.normal(ks[4], (EDGE_ROWS, 1), jnp.float32) * 0.02
    node_w = jax.random.normal(ks[5], (NUM_NODE, 1), jnp.float32) * 0.02
    fc_W = jax.random.normal(ks[6], (EMBED, NUM_CLS), jnp.float32) * 0.05
    fc_b = jnp.zeros((NUM_CLS,), jnp.float32)
    return {"X": X, "NX": NX, "EW": EW, "node_emb": node_emb,
            "edge_w": edge_w, "node_w": node_w, "fc_W": fc_W, "fc_b": fc_b}


def reference(X, NX, EW, node_emb, edge_w, node_w, fc_W, fc_b):
    # Ra: (bz, seq, nbr, embed) -- neighbor node embeddings (gather)
    Ra = jnp.take(node_emb, NX, axis=0)
    # Ean: (bz, seq, nbr, 1) -- edge weight embeddings (gather from huge table)
    Ean = jnp.take(edge_w, EW, axis=0)
    # max over neighbor dim
    Mn = jnp.max(Ra * Ean, axis=2)  # (bz, seq, embed)
    Rn = jnp.take(node_emb, X, axis=0)  # (bz, seq, embed)
    Nn = jnp.take(node_w, X, axis=0)    # (bz, seq, 1)
    y = (1.0 - Nn) * Mn + Nn * Rn       # (bz, seq, embed)
    h = jnp.sum(y, axis=1)              # (bz, embed)
    # fc: Linear -> ReLU -> Dropout(eval=identity) -> LogSoftmax
    z = jax.nn.relu(h @ fc_W + fc_b)
    out = jax.nn.log_softmax(z, axis=1)
    return out

if __name__ == "__main__":
    import jax
    _d = setup_inputs()
    print(jax.jit(kernel)(*tuple(_d.values())))

</pallas_src>

<mosaic_0001>
#map = affine_map<(d0, d1) -> (0, 0)>
#map1 = affine_map<(d0, d1) -> (0)>
module attributes {stable_mosaic.version = 14 : i64} {
  func.func @_sc_pool(%arg0: i32, %arg1: i32, %arg2: memref<5000x128xf32, #tpu.memory_space<hbm>>, %arg3: memref<24990002xf32, #tpu.memory_space<hbm>>, %arg4: memref<5000xf32, #tpu.memory_space<hbm>>, %arg5: memref<1024x856xi32, #tpu.memory_space<hbm>>, %arg6: memref<1024x128xf32, #tpu.memory_space<hbm>>, %arg7: memref<856xi32, #tpu.memory_space<vmem>>, %arg8: memref<856xi32, #tpu.memory_space<vmem>>, %arg9: memref<400x128xf32, #tpu.memory_space<vmem>>, %arg10: memref<400x128xf32, #tpu.memory_space<vmem>>, %arg11: memref<416xf32, #tpu.memory_space<vmem>>, %arg12: memref<416xf32, #tpu.memory_space<vmem>>, %arg13: memref<56x128xf32, #tpu.memory_space<vmem>>, %arg14: memref<56x128xf32, #tpu.memory_space<vmem>>, %arg15: memref<72xf32, #tpu.memory_space<vmem>>, %arg16: memref<72xf32, #tpu.memory_space<vmem>>, %arg17: memref<32x128xf32, #tpu.memory_space<vmem>>, %arg18: memref<!tpu.dma_semaphore, #tpu.memory_space<semaphore_mem>>, %arg19: memref<!tpu.dma_semaphore, #tpu.memory_space<semaphore_mem>>) attributes {dimension_semantics = [#tpu.dimension_semantics<core_parallel>, #tpu.dimension_semantics<subcore_parallel>], iteration_bounds = array<i64: 2, 16>, scalar_prefetch = 0 : i64, scratch_operands = 13 : i64, tpu.core_type = #tpu.core_type<sc_vector_subcore>, window_params = [{transform_indices = #map}, {transform_indices = #map1}, {transform_indices = #map1}, {transform_indices = #map}, {transform_indices = #map}]} {
    %mul3A = arith.constant 2 : i32
    %mul3A_0 = arith.muli %arg1, %mul3A : i32
    %add3A = arith.addi %mul3A_0, %arg0 : i32
    %mul3A_1 = arith.constant 32 : i32
    %mul3A_2 = arith.muli %add3A, %mul3A_1 : i32
    %add3A_3 = arith.constant 0 : i32
    %add3A_4 = arith.addi %mul3A_2, %add3A_3 : i32
    "tpu.region"() ({
      %run_scoped3A = tpu.sem_alloc : memref<!tpu.dma_semaphore, #tpu.memory_space<semaphore_mem>>
      %dma_start3A_76 = arith.constant 0 : i32
      %dma_start3A_77 = tpu.memref_slice %arg5[%add3A_4, %dma_start3A_76] : memref<1024x856xi32, #tpu.memory_space<hbm>> -> memref<1x856xi32, #tpu.memory_space<hbm>>
      %dma_start3A_78 = tpu.memref_squeeze %dma_start3A_77 : memref<1x856xi32, #tpu.memory_space<hbm>> -> memref<856xi32, #tpu.memory_space<hbm>>
      %dma_start3A_79 = arith.constant 0 : i32
      %dma_start3A_80 = tpu.memref_slice %arg5[%add3A_4, %dma_start3A_79] : memref<1024x856xi32, #tpu.memory_space<hbm>> -> memref<1x856xi32, #tpu.memory_space<hbm>>
      %dma_start3A_81 = tpu.memref_squeeze %dma_start3A_80 : memref<1x856xi32, #tpu.memory_space<hbm>> -> memref<856xi32, #tpu.memory_space<hbm>>
      tpu.enqueue_dma source(%dma_start3A_81 : memref<856xi32, #tpu.memory_space<hbm>>) target(%arg7 : memref<856xi32, #tpu.memory_space<vmem>>) target_semaphore(%run_scoped3A : memref<!tpu.dma_semaphore, #tpu.memory_space<semaphore_mem>>)
      %dma_wait3A = arith.constant 0 : i32
      %dma_wait3A_82 = tpu.memref_slice %arg5[%add3A_4, %dma_wait3A] : memref<1024x856xi32, #tpu.memory_space<hbm>> -> memref<1x856xi32, #tpu.memory_space<hbm>>
      %dma_wait3A_83 = tpu.memref_squeeze %dma_wait3A_82 : memref<1x856xi32, #tpu.memory_space<hbm>> -> memref<856xi32, #tpu.memory_space<hbm>>
      %dma_wait3A_84 = arith.constant 0 : i32
      %dma_wait3A_85 = tpu.memref_slice %arg5[%add3A_4, %dma_wait3A_84] : memref<1024x856xi32, #tpu.memory_space<hbm>> -> memref<1x856xi32, #tpu.memory_space<hbm>>
      %dma_wait3A_86 = tpu.memref_squeeze %dma_wait3A_85 : memref<1x856xi32, #tpu.memory_space<hbm>> -> memref<856xi32, #tpu.memory_space<hbm>>
      tpu.wait_dma2 semaphore(%run_scoped3A : memref<!tpu.dma_semaphore, #tpu.memory_space<semaphore_mem>>) src(%dma_wait3A_86 : memref<856xi32, #tpu.memory_space<hbm>>) dst(%arg7 : memref<856xi32, #tpu.memory_space<vmem>>)
      tpu.yield
    }) : () -> ()
    %dma_start3A = arith.constant 0 : i32
    %dma_start3A_5 = arith.constant 0 : i32
    %dma_start3A_6 = tpu.memref_slice %arg9[%dma_start3A, %dma_start3A_5] : memref<400x128xf32, #tpu.memory_space<vmem>> -> memref<128x128xf32, #tpu.memory_space<vmem>>
    %dma_start3A_7 = arith.constant 0 : i32
    %dma_start3A_8 = tpu.memref_slice %arg7[%dma_start3A_7] : memref<856xi32, #tpu.memory_space<vmem>> -> memref<128xi32, #tpu.memory_space<vmem>>
    %dma_start3A_9 = arith.constant 0 : i32
    %dma_start3A_10 = arith.constant 0 : i32
    %dma_start3A_11 = tpu.memref_slice %arg2[%dma_start3A_9, %dma_start3A_10] : memref<5000x128xf32, #tpu.memory_space<hbm>> -> memref<5000x128xf32, #tpu.memory_space<hbm>>
    tpu.enqueue_indirect_dma source(%dma_start3A_11 : memref<5000x128xf32, #tpu.memory_space<hbm>>) target(%dma_start3A_6 : memref<128x128xf32, #tpu.memory_space<vmem>>) offsets(%dma_start3A_8 : memref<128xi32, #tpu.memory_space<vmem>>) semaphore(%arg18 : memref<!tpu.dma_semaphore, #tpu.memory_space<semaphore_mem>>)
    %dma_start3A_12 = arith.constant 0 : i32
    %dma_start3A_13 = tpu.memref_slice %arg11[%dma_start3A_12] : memref<416xf32, #tpu.memory_space<vmem>> -> memref<128xf32, #tpu.memory_space<vmem>>
    %dma_start3A_14 = arith.constant 400 : i32
    %dma_start3A_15 = tpu.memref_slice %arg7[%dma_start3A_14] : memref<856xi32, #tpu.memory_space<vmem>> -> memref<128xi32, #tpu.memory_space<vmem>>
    %dma_start3A_16 = arith.constant 0 : i32
    %dma_start3A_17 = tpu.memref_slice %arg3[%dma_start3A_16] : memref<24990002xf32, #tpu.memory_space<hbm>> -> memref<24990002xf32, #tpu.memory_space<hbm>>
    tpu.enqueue_indirect_dma source(%dma_start3A_17 : memref<24990002xf32, #tpu.memory_space<hbm>>) target(%dma_start3A_13 : memref<128xf32, #tpu.memory_space<vmem>>) offsets(%dma_start3A_15 : memref<128xi32, #tpu.memory_space<vmem>>) semaphore(%arg18 : memref<!tpu.dma_semaphore, #tpu.memory_space<semaphore_mem>>)
    %dma_start3A_18 = arith.constant 128 : i32
    %dma_start3A_19 = arith.constant 0 : i32
    %dma_start3A_20 = tpu.memref_slice %arg9[%dma_start3A_18, %dma_start3A_19] : memref<400x128xf32, #tpu.memory_space<vmem>> -> memref<128x128xf32, #tpu.memory_space<vmem>>
    %dma_start3A_21 = arith.constant 128 : i32
    %dma_start3A_22 = tpu.memref_slice %arg7[%dma_start3A_21] : memref<856xi32, #tpu.memory_space<vmem>> -> memref<128xi32, #tpu.memory_space<vmem>>
    %dma_start3A_23 = arith.constant 0 : i32
    %dma_start3A_24 = arith.constant 0 : i32
    %dma_start3A_25 = tpu.memref_slice %arg2[%dma_start3A_23, %dma_start3A_24] : memref<5000x128xf32, #tpu.memory_space<hbm>> -> memref<5000x128xf32, #tpu.memory_space<hbm>>
    tpu.enqueue_indirect_dma source(%dma_start3A_25 : memref<5000x128xf32, #tpu.memory_space<hbm>>) target(%dma_start3A_20 : memref<128x128xf32, #tpu.memory_space<vmem>>) offsets(%dma_start3A_22 : memref<128xi32, #tpu.memory_space<vmem>>) semaphore(%arg18 : memref<!tpu.dma_semaphore, #tpu.memory_space<semaphore_mem>>)
    %dma_start3A_26 = arith.constant 128 : i32
    %dma_start3A_27 = tpu.memref_slice %arg11[%dma_start3A_26] : memref<416xf32, #tpu.memory_space<vmem>> -> memref<128xf32, #tpu.memory_space<vmem>>
    %dma_start3A_28 = arith.constant 528 : i32
    %dma_start3A_29 = tpu.memref_slice %arg7[%dma_start3A_28] : memref<856xi32, #tpu.memory_space<vmem>> -> memref<128xi32, #tpu.memory_space<vmem>>
    %dma_start3A_30 = arith.constant 0 : i32
    %dma_start3A_31 = tpu.memref_slice %arg3[%dma_start3A_30] : memref<24990002xf32, #tpu.memory_space<hbm>> -> memref<24990002xf32, #tpu.memory_space<hbm>>
    tpu.enqueue_indirect_dma source(%dma_start3A_31 : memref<24990002xf32, #tpu.memory_space<hbm>>) target(%dma_start3A_27 : memref<128xf32, #tpu.memory_space<vmem>>) offsets(%dma_start3A_29 : memref<128xi32, #tpu.memory_space<vmem>>) semaphore(%arg18 : memref<!tpu.dma_semaphore, #tpu.memory_space<semaphore_mem>>)
    %dma_start3A_32 = arith.constant 256 : i32
    %dma_start3A_33 = arith.constant 0 : i32
    %dma_start3A_34 = tpu.memref_slice %arg9[%dma_start3A_32, %dma_start3A_33] : memref<400x128xf32, #tpu.memory_space<vmem>> -> memref<128x128xf32, #tpu.memory_space<vmem>>
    %dma_start3A_35 = arith.constant 256 : i32
    %dma_start3A_36 = tpu.memref_slice %arg7[%dma_start3A_35] : memref<856xi32, #tpu.memory_space<vmem>> -> memref<128xi32, #tpu.memory_space<vmem>>
    %dma_start3A_37 = arith.constant 0 : i32
    %dma_start3A_38 = arith.constant 0 : i32
    %dma_start3A_39 = tpu.memref_slice %arg2[%dma_start3A_37, %dma_start3A_38] : memref<5000x128xf32, #tpu.memory_space<hbm>> -> memref<5000x128xf32, #tpu.memory_space<hbm>>
    tpu.enqueue_indirect_dma source(%dma_start3A_39 : memref<5000x128xf32, #tpu.memory_space<hbm>>) target(%dma_start3A_34 : memref<128x128xf32, #tpu.memory_space<vmem>>) offsets(%dma_start3A_36 : memref<128xi32, #tpu.memory_space<vmem>>) semaphore(%arg18 : memref<!tpu.dma_semaphore, #tpu.memory_space<semaphore_mem>>)
    %dma_start3A_40 = arith.constant 256 : i32
    %dma_start3A_41 = tpu.memref_slice %arg11[%dma_start3A_40] : memref<416xf32, #tpu.memory_space<vmem>> -> memref<128xf32, #tpu.memory_space<vmem>>
    %dma_start3A_42 = arith.constant 656 : i32
    %dma_start3A_43 = tpu.memref_slice %arg7[%dma_start3A_42] : memref<856xi32, #tpu.memory_space<vmem>> -> memref<128xi32, #tpu.memory_space<vmem>>
    %dma_start3A_44 = arith.constant 0 : i32
    %dma_start3A_45 = tpu.memref_slice %arg3[%dma_start3A_44] : memref<24990002xf32, #tpu.memory_space<hbm>> -> memref<24990002xf32, #tpu.memory_space<hbm>>
    tpu.enqueue_indirect_dma source(%dma_start3A_45 : memref<24990002xf32, #tpu.memory_space<hbm>>) target(%dma_start3A_41 : memref<128xf32, #tpu.memory_space<vmem>>) offsets(%dma_start3A_43 : memref<128xi32, #tpu.memory_space<vmem>>) semaphore(%arg18 : memref<!tpu.dma_semaphore, #tpu.memory_space<semaphore_mem>>)
    %dma_start3A_46 = arith.constant 384 : i32
    %dma_start3A_47 = arith.constant 0 : i32
    %dma_start3A_48 = tpu.memref_slice %arg9[%dma_start3A_46, %dma_start3A_47] : memref<400x128xf32, #tpu.memory_space<vmem>> -> memref<16x128xf32, #tpu.memory_space<vmem>>
    %dma_start3A_49 = arith.constant 384 : i32
    %dma_start3A_50 = tpu.memref_slice %arg7[%dma_start3A_49] : memref<856xi32, #tpu.memory_space<vmem>> -> memref<16xi32, #tpu.memory_space<vmem>>
    %dma_start3A_51 = arith.constant 0 : i32
    %dma_start3A_52 = arith.constant 0 : i32
    %dma_start3A_53 = tpu.memref_slice %arg2[%dma_start3A_51, %dma_start3A_52] : memref<5000x128xf32, #tpu.memory_space<hbm>> -> memref<5000x128xf32, #tpu.memory_space<hbm>>
    tpu.enqueue_indirect_dma source(%dma_start3A_53 : memref<5000x128xf32, #tpu.memory_space<hbm>>) target(%dma_start3A_48 : memref<16x128xf32, #tpu.memory_space<vmem>>) offsets(%dma_start3A_50 : memref<16xi32, #tpu.memory_space<vmem>>) semaphore(%arg18 : memref<!tpu.dma_semaphore, #tpu.memory_space<semaphore_mem>>)
    %dma_start3A_54 = arith.constant 384 : i32
    %dma_start3A_55 = tpu.memref_slice %arg11[%dma_start3A_54] : memref<416xf32, #tpu.memory_space<vmem>> -> memref<16xf32, #tpu.memory_space<vmem>>
    %dma_start3A_56 = arith.constant 784 : i32
    %dma_start3A_57 = tpu.memref_slice %arg7[%dma_start3A_56] : memref<856xi32, #tpu.memory_space<vmem>> -> memref<16xi32, #tpu.memory_space<vmem>>
    %dma_start3A_58 = arith.constant 0 : i32
    %dma_start3A_59 = tpu.memref_slice %arg3[%dma_start3A_58] : memref<24990002xf32, #tpu.memory_space<hbm>> -> memref<24990002xf32, #tpu.memory_space<hbm>>
    tpu.enqueue_indirect_dma source(%dma_start3A_59 : memref<24990002xf32, #tpu.memory_space<hbm>>) target(%dma_start3A_55 : memref<16xf32, #tpu.memory_space<vmem>>) offsets(%dma_start3A_57 : memref<16xi32, #tpu.memory_space<vmem>>) semaphore(%arg18 : memref<!tpu.dma_semaphore, #tpu.memory_space<semaphore_mem>>)
    %dma_start3A_60 = arith.constant 800 : i32
    %dma_start3A_61 = tpu.memref_slice %arg7[%dma_start3A_60] : memref<856xi32, #tpu.memory_space<vmem>> -> memref<56xi32, #tpu.memory_space<vmem>>
    %dma_start3A_62 = arith.constant 0 : i32
    %dma_start3A_63 = arith.constant 0 : i32
    %dma_start3A_64 = tpu.memref_slice %arg2[%dma_start3A_62, %dma_start3A_63] : memref<5000x128xf32, #tpu.memory_space<hbm>> -> memref<5000x128xf32, #tpu.memory_space<hbm>>
    tpu.enqueue_indirect_dma source(%dma_start3A_64 : memref<5000x128xf32, #tpu.memory_space<hbm>>) target(%arg13 : memref<56x128xf32, #tpu.memory_space<vmem>>) offsets(%dma_start3A_61 : memref<56xi32, #tpu.memory_space<vmem>>) semaphore(%arg18 : memref<!tpu.dma_semaphore, #tpu.memory_space<semaphore_mem>>)
    %dma_start3A_65 = arith.constant 0 : i32
    %dma_start3A_66 = tpu.memref_slice %arg15[%dma_start3A_65] : memref<72xf32, #tpu.memory_space<vmem>> -> memref<56xf32, #tpu.memory_space<vmem>>
    %dma_start3A_67 = arith.constant 800 : i32
    %dma_start3A_68 = tpu.memref_slice %arg7[%dma_start3A_67] : memref<856xi32, #tpu.memory_space<vmem>> -> memref<56xi32, #tpu.memory_space<vmem>>
    %dma_start3A_69 = arith.constant 0 : i32
    %dma_start3A_70 = tpu.memref_slice %arg4[%dma_start3A_69] : memref<5000xf32, #tpu.memory_space<hbm>> -> memref<5000xf32, #tpu.memory_space<hbm>>
    tpu.enqueue_indirect_dma source(%dma_start3A_70 : memref<5000xf32, #tpu.memory_space<hbm>>) target(%dma_start3A_66 : memref<56xf32, #tpu.memory_space<vmem>>) offsets(%dma_start3A_68 : memref<56xi32, #tpu.memory_space<vmem>>) semaphore(%arg18 : memref<!tpu.dma_semaphore, #tpu.memory_space<semaphore_mem>>)
    %scan3A = arith.constant 0 : i32
    %scan3A_71 = arith.constant 0 : i32
    %scan3A_72 = arith.constant 16 : i32
    %scan3A_73 = arith.addi %scan3A_71, %scan3A_72 : i32
    %scan3A_74 = arith.constant 1 : i32
    scf.for %scan3A_76 = %scan3A_71 to %scan3A_73 step %scan3A_74  : i32 {
      %mul3A_77 = arith.constant 2 : i32
      %mul3A_78 = arith.muli %mul3A_77, %scan3A_76 : i32
      %add3A_79 = arith.constant 1 : i32
      %add3A_80 = arith.addi %mul3A_78, %add3A_79 : i32
      %add3A_81 = arith.addi %mul3A_2, %add3A_80 : i32
      "tpu.region"() ({
        %run_scoped3A = tpu.sem_alloc : memref<!tpu.dma_semaphore, #tpu.memory_space<semaphore_mem>>
        %dma_start3A_408 = arith.constant 0 : i32
        %dma_start3A_409 = tpu.memref_slice %arg5[%add3A_81, %dma_start3A_408] : memref<1024x856xi32, #tpu.memory_space<hbm>> -> memref<1x856xi32, #tpu.memory_space<hbm>>
        %dma_start3A_410 = tpu.memref_squeeze %dma_start3A_409 : memref<1x856xi32, #tpu.memory_space<hbm>> -> memref<856xi32, #tpu.memory_space<hbm>>
        %dma_start3A_411 = arith.constant 0 : i32
        %dma_start3A_412 = tpu.memref_slice %arg5[%add3A_81, %dma_start3A_411] : memref<1024x856xi32, #tpu.memory_space<hbm>> -> memref<1x856xi32, #tpu.memory_space<hbm>>
        %dma_start3A_413 = tpu.memref_squeeze %dma_start3A_412 : memref<1x856xi32, #tpu.memory_space<hbm>> -> memref<856xi32, #tpu.memory_space<hbm>>
        tpu.enqueue_dma source(%dma_start3A_413 : memref<856xi32, #tpu.memory_space<hbm>>) target(%arg8 : memref<856xi32, #tpu.memory_space<vmem>>) target_semaphore(%run_scoped3A : memref<!tpu.dma_semaphore, #tpu.memory_space<semaphore_mem>>)
        %dma_wait3A_414 = arith.constant 0 : i32
        %dma_wait3A_415 = tpu.memref_slice %arg5[%add3A_81, %dma_wait3A_414] : memref<1024x856xi32, #tpu.memory_space<hbm>> -> memref<1x856xi32, #tpu.memory_space<hbm>>
        %dma_wait3A_416 = tpu.memref_squeeze %dma_wait3A_415 : memref<1x856xi32, #tpu.memory_space<hbm>> -> memref<856xi32, #tpu.memory_space<hbm>>
        %dma_wait3A_417 = arith.constant 0 : i32
        %dma_wait3A_418 = tpu.memref_slice %arg5[%add3A_81, %dma_wait3A_417] : memref<1024x856xi32, #tpu.memory_space<hbm>> -> memref<1x856xi32, #tpu.memory_space<hbm>>
        %dma_wait3A_419 = tpu.memref_squeeze %dma_wait3A_418 : memref<1x856xi32, #tpu.memory_space<hbm>> -> memref<856xi32, #tpu.memory_space<hbm>>
        tpu.wait_dma2 semaphore(%run_scoped3A : memref<!tpu.dma_semaphore, #tpu.memory_space<semaphore_mem>>) src(%dma_wait3A_419 : memref<856xi32, #tpu.memory_space<hbm>>) dst(%arg8 : memref<856xi32, #tpu.memory_space<vmem>>)
        tpu.yield
      }) : () -> ()
      %dma_start3A_82 = arith.constant 0 : i32
      %dma_start3A_83 = arith.constant 0 : i32
      %dma_start3A_84 = tpu.memref_slice %arg10[%dma_start3A_82, %dma_start3A_83] : memref<400x128xf32, #tpu.memory_space<vmem>> -> memref<128x128xf32, #tpu.memory_space<vmem>>
      %dma_start3A_85 = arith.constant 0 : i32
      %dma_start3A_86 = tpu.memref_slice %arg8[%dma_start3A_85] : memref<856xi32, #tpu.memory_space<vmem>> -> memref<128xi32, #tpu.memory_space<vmem>>
      %dma_start3A_87 = arith.constant 0 : i32
      %dma_start3A_88 = arith.constant 0 : i32
      %dma_start3A_89 = tpu.memref_slice %arg2[%dma_start3A_87, %dma_start3A_88] : memref<5000x128xf32, #tpu.memory_space<hbm>> -> memref<5000x128xf32, #tpu.memory_space<hbm>>
      tpu.enqueue_indirect_dma source(%dma_start3A_89 : memref<5000x128xf32, #tpu.memory_space<hbm>>) target(%dma_start3A_84 : memref<128x128xf32, #tpu.memory_space<vmem>>) offsets(%dma_start3A_86 : memref<128xi32, #tpu.memory_space<vmem>>) semaphore(%arg19 : memref<!tpu.dma_semaphore, #tpu.memory_space<semaphore_mem>>)
      %dma_start3A_90 = arith.constant 0 : i32
      %dma_start3A_91 = tpu.memref_slice %arg12[%dma_start3A_90] : memref<416xf32, #tpu.memory_space<vmem>> -> memref<128xf32, #tpu.memory_space<vmem>>
      %dma_start3A_92 = arith.constant 400 : i32
      %dma_start3A_93 = tpu.memref_slice %arg8[%dma_start3A_92] : memref<856xi32, #tpu.memory_space<vmem>> -> memref<128xi32, #tpu.memory_space<vmem>>
      %dma_start3A_94 = arith.constant 0 : i32
      %dma_start3A_95 = tpu.memref_slice %arg3[%dma_start3A_94] : memref<24990002xf32, #tpu.memory_space<hbm>> -> memref<24990002xf32, #tpu.memory_space<hbm>>
      tpu.enqueue_indirect_dma source(%dma_start3A_95 : memref<24990002xf32, #tpu.memory_space<hbm>>) target(%dma_start3A_91 : memref<128xf32, #tpu.memory_space<vmem>>) offsets(%dma_start3A_93 : memref<128xi32, #tpu.memory_space<vmem>>) semaphore(%arg19 : memref<!tpu.dma_semaphore, #tpu.memory_space<semaphore_mem>>)
      %dma_start3A_96 = arith.constant 128 : i32
      %dma_start3A_97 = arith.constant 0 : i32
      %dma_start3A_98 = tpu.memref_slice %arg10[%dma_start3A_96, %dma_start3A_97] : memref<400x128xf32, #tpu.memory_space<vmem>> -> memref<128x128xf32, #tpu.memory_space<vmem>>
      %dma_start3A_99 = arith.constant 128 : i32
      %dma_start3A_100 = tpu.memref_slice %arg8[%dma_start3A_99] : memref<856xi32, #tpu.memory_space<vmem>> -> memref<128xi32, #tpu.memory_space<vmem>>
      %dma_start3A_101 = arith.constant 0 : i32
      %dma_start3A_102 = arith.constant 0 : i32
      %dma_start3A_103 = tpu.memref_slice %arg2[%dma_start3A_101, %dma_start3A_102] : memref<5000x128xf32, #tpu.memory_space<hbm>> -> memref<5000x128xf32, #tpu.memory_space<hbm>>
      tpu.enqueue_indirect_dma source(%dma_start3A_103 : memref<5000x128xf32, #tpu.memory_space<hbm>>) target(%dma_start3A_98 : memref<128x128xf32, #tpu.memory_space<vmem>>) offsets(%dma_start3A_100 : memref<128xi32, #tpu.memory_space<vmem>>) semaphore(%arg19 : memref<!tpu.dma_semaphore, #tpu.memory_space<semaphore_mem>>)
      %dma_start3A_104 = arith.constant 128 : i32
      %dma_start3A_105 = tpu.memref_slice %arg12[%dma_start3A_104] : memref<416xf32, #tpu.memory_space<vmem>> -> memref<128xf32, #tpu.memory_space<vmem>>
      %dma_start3A_106 = arith.constant 528 : i32
      %dma_start3A_107 = tpu.memref_slice %arg8[%dma_start3A_106] : memref<856xi32, #tpu.memory_space<vmem>> -> memref<128xi32, #tpu.memory_space<vmem>>
      %dma_start3A_108 = arith.constant 0 : i32
      %dma_start3A_109 = tpu.memref_slice %arg3[%dma_start3A_108] : memref<24990002xf32, #tpu.memory_space<hbm>> -> memref<24990002xf32, #tpu.memory_space<hbm>>
      tpu.enqueue_indirect_dma source(%dma_start3A_109 : memref<24990002xf32, #tpu.memory_space<hbm>>) target(%dma_start3A_105 : memref<128xf32, #tpu.memory_space<vmem>>) offsets(%dma_start3A_107 : memref<128xi32, #tpu.memory_space<vmem>>) semaphore(%arg19 : memref<!tpu.dma_semaphore, #tpu.memory_space<semaphore_mem>>)
      %dma_start3A_110 = arith.constant 256 : i32
      %dma_start3A_111 = arith.constant 0 : i32
      %dma_start3A_112 = tpu.memref_slice %arg10[%dma_start3A_110, %dma_start3A_111] : memref<400x128xf32, #tpu.memory_space<vmem>> -> memref<128x128xf32, #tpu.memory_space<vmem>>
      %dma_start3A_113 = arith.constant 256 : i32
      %dma_start3A_114 = tpu.memref_slice %arg8[%dma_start3A_113] : memref<856xi32, #tpu.memory_space<vmem>> -> memref<128xi32, #tpu.memory_space<vmem>>
      %dma_start3A_115 = arith.constant 0 : i32
      %dma_start3A_116 = arith.constant 0 : i32
      %dma_start3A_117 = tpu.memref_slice %arg2[%dma_start3A_115, %dma_start3A_116] : memref<5000x128xf32, #tpu.memory_space<hbm>> -> memref<5000x128xf32, #tpu.memory_space<hbm>>
      tpu.enqueue_indirect_dma source(%dma_start3A_117 : memref<5000x128xf32, #tpu.memory_space<hbm>>) target(%dma_start3A_112 : memref<128x128xf32, #tpu.memory_space<vmem>>) offsets(%dma_start3A_114 : memref<128xi32, #tpu.memory_space<vmem>>) semaphore(%arg19 : memref<!tpu.dma_semaphore, #tpu.memory_space<semaphore_mem>>)
      %dma_start3A_118 = arith.constant 256 : i32
      %dma_start3A_119 = tpu.memref_slice %arg12[%dma_start3A_118] : memref<416xf32, #tpu.memory_space<vmem>> -> memref<128xf32, #tpu.memory_space<vmem>>
      %dma_start3A_120 = arith.constant 656 : i32
      %dma_start3A_121 = tpu.memref_slice %arg8[%dma_start3A_120] : memref<856xi32, #tpu.memory_space<vmem>> -> memref<128xi32, #tpu.memory_space<vmem>>
      %dma_start3A_122 = arith.constant 0 : i32
      %dma_start3A_123 = tpu.memref_slice %arg3[%dma_start3A_122] : memref<24990002xf32, #tpu.memory_space<hbm>> -> memref<24990002xf32, #tpu.memory_space<hbm>>
      tpu.enqueue_indirect_dma source(%dma_start3A_123 : memref<24990002xf32, #tpu.memory_space<hbm>>) target(%dma_start3A_119 : memref<128xf32, #tpu.memory_space<vmem>>) offsets(%dma_start3A_121 : memref<128xi32, #tpu.memory_space<vmem>>) semaphore(%arg19 : memref<!tpu.dma_semaphore, #tpu.memory_space<semaphore_mem>>)
      %dma_start3A_124 = arith.constant 384 : i32
      %dma_start3A_125 = arith.constant 0 : i32
      %dma_start3A_126 = tpu.memref_slice %arg10[%dma_start3A_124, %dma_start3A_125] : memref<400x128xf32, #tpu.memory_space<vmem>> -> memref<16x128xf32, #tpu.memory_space<vmem>>
      %dma_start3A_127 = arith.constant 384 : i32
      %dma_start3A_128 = tpu.memref_slice %arg8[%dma_start3A_127] : memref<856xi32, #tpu.memory_space<vmem>> -> memref<16xi32, #tpu.memory_space<vmem>>
      %dma_start3A_129 = arith.constant 0 : i32
      %dma_start3A_130 = arith.constant 0 : i32
      %dma_start3A_131 = tpu.memref_slice %arg2[%dma_start3A_129, %dma_start3A_130] : memref<5000x128xf32, #tpu.memory_space<hbm>> -> memref<5000x128xf32, #tpu.memory_space<hbm>>
      tpu.enqueue_indirect_dma source(%dma_start3A_131 : memref<5000x128xf32, #tpu.memory_space<hbm>>) target(%dma_start3A_126 : memref<16x128xf32, #tpu.memory_space<vmem>>) offsets(%dma_start3A_128 : memref<16xi32, #tpu.memory_space<vmem>>) semaphore(%arg19 : memref<!tpu.dma_semaphore, #tpu.memory_space<semaphore_mem>>)
      %dma_start3A_132 = arith.constant 384 : i32
      %dma_start3A_133 = tpu.memref_slice %arg12[%dma_start3A_132] : memref<416xf32, #tpu.memory_space<vmem>> -> memref<16xf32, #tpu.memory_space<vmem>>
      %dma_start3A_134 = arith.constant 784 : i32
      %dma_start3A_135 = tpu.memref_slice %arg8[%dma_start3A_134] : memref<856xi32, #tpu.memory_space<vmem>> -> memref<16xi32, #tpu.memory_space<vmem>>
      %dma_start3A_136 = arith.constant 0 : i32
      %dma_start3A_137 = tpu.memref_slice %arg3[%dma_start3A_136] : memref<24990002xf32, #tpu.memory_space<hbm>> -> memref<24990002xf32, #tpu.memory_space<hbm>>
      tpu.enqueue_indirect_dma source(%dma_start3A_137 : memref<24990002xf32, #tpu.memory_space<hbm>>) target(%dma_start3A_133 : memref<16xf32, #tpu.memory_space<vmem>>) offsets(%dma_start3A_135 : memref<16xi32, #tpu.memory_space<vmem>>) semaphore(%arg19 : memref<!tpu.dma_semaphore, #tpu.memory_space<semaphore_mem>>)
      %dma_start3A_138 = arith.constant 800 : i32
      %dma_start3A_139 = tpu.memref_slice %arg8[%dma_start3A_138] : memref<856xi32, #tpu.memory_space<vmem>> -> memref<56xi32, #tpu.memory_space<vmem>>
      %dma_start3A_140 = arith.constant 0 : i32
      %dma_start3A_141 = arith.constant 0 : i32
      %dma_start3A_142 = tpu.memref_slice %arg2[%dma_start3A_140, %dma_start3A_141] : memref<5000x128xf32, #tpu.memory_space<hbm>> -> memref<5000x128xf32, #tpu.memory_space<hbm>>
      tpu.enqueue_indirect_dma source(%dma_start3A_142 : memref<5000x128xf32, #tpu.memory_space<hbm>>) target(%arg14 : memref<56x128xf32, #tpu.memory_space<vmem>>) offsets(%dma_start3A_139 : memref<56xi32, #tpu.memory_space<vmem>>) semaphore(%arg19 : memref<!tpu.dma_semaphore, #tpu.memory_space<semaphore_mem>>)
      %dma_start3A_143 = arith.constant 0 : i32
      %dma_start3A_144 = tpu.memref_slice %arg16[%dma_start3A_143] : memref<72xf32, #tpu.memory_space<vmem>> -> memref<56xf32, #tpu.memory_space<vmem>>
      %dma_start3A_145 = arith.constant 800 : i32
      %dma_start3A_146 = tpu.memref_slice %arg8[%dma_start3A_145] : memref<856xi32, #tpu.memory_space<vmem>> -> memref<56xi32, #tpu.memory_space<vmem>>
      %dma_start3A_147 = arith.constant 0 : i32
      %dma_start3A_148 = tpu.memref_slice %arg4[%dma_start3A_147] : memref<5000xf32, #tpu.memory_space<hbm>> -> memref<5000xf32, #tpu.memory_space<hbm>>
      tpu.enqueue_indirect_dma source(%dma_start3A_148 : memref<5000xf32, #tpu.memory_space<hbm>>) target(%dma_start3A_144 : memref<56xf32, #tpu.memory_space<vmem>>) offsets(%dma_start3A_146 : memref<56xi32, #tpu.memory_space<vmem>>) semaphore(%arg19 : memref<!tpu.dma_semaphore, #tpu.memory_space<semaphore_mem>>)
      %dma_wait3A = arith.constant 0 : i32
      %dma_wait3A_149 = arith.constant 0 : i32
      %dma_wait3A_150 = tpu.memref_slice %arg9[%dma_wait3A, %dma_wait3A_149] : memref<400x128xf32, #tpu.memory_space<vmem>> -> memref<128x128xf32, #tpu.memory_space<vmem>>
      %dma_wait3A_151 = arith.constant 0 : i32
      %dma_wait3A_152 = tpu.memref_slice %arg7[%dma_wait3A_151] : memref<856xi32, #tpu.memory_space<vmem>> -> memref<128xi32, #tpu.memory_space<vmem>>
      %dma_wait3A_153 = arith.constant 0 : i32
      %dma_wait3A_154 = arith.constant 0 : i32
      %dma_wait3A_155 = tpu.memref_slice %arg2[%dma_wait3A_153, %dma_wait3A_154] : memref<5000x128xf32, #tpu.memory_space<hbm>> -> memref<5000x128xf32, #tpu.memory_space<hbm>>
      tpu.wait_indirect_dma semaphore(%arg18 : memref<!tpu.dma_semaphore, #tpu.memory_space<semaphore_mem>>) src(%dma_wait3A_155 : memref<5000x128xf32, #tpu.memory_space<hbm>>) dst(%dma_wait3A_150 : memref<128x128xf32, #tpu.memory_space<vmem>>)
      %dma_wait3A_156 = arith.constant 0 : i32
      %dma_wait3A_157 = tpu.memref_slice %arg11[%dma_wait3A_156] : memref<416xf32, #tpu.memory_space<vmem>> -> memref<128xf32, #tpu.memory_space<vmem>>
      %dma_wait3A_158 = arith.constant 400 : i32
      %dma_wait3A_159 = tpu.memref_slice %arg7[%dma_wait3A_158] : memref<856xi32, #tpu.memory_space<vmem>> -> memref<128xi32, #tpu.memory_space<vmem>>
      %dma_wait3A_160 = arith.constant 0 : i32
      %dma_wait3A_161 = tpu.memref_slice %arg3[%dma_wait3A_160] : memref<24990002xf32, #tpu.memory_space<hbm>> -> memref<24990002xf32, #tpu.memory_space<hbm>>
      tpu.wait_indirect_dma semaphore(%arg18 : memref<!tpu.dma_semaphore, #tpu.memory_space<semaphore_mem>>) src(%dma_wait3A_161 : memref<24990002xf32, #tpu.memory_space<hbm>>) dst(%dma_wait3A_157 : memref<128xf32, #tpu.memory_space<vmem>>)
      %dma_wait3A_162 = arith.constant 128 : i32
      %dma_wait3A_163 = arith.constant 0 : i32
      %dma_wait3A_164 = tpu.memref_slice %arg9[%dma_wait3A_162, %dma_wait3A_163] : memref<400x128xf32, #tpu.memory_space<vmem>> -> memref<128x128xf32, #tpu.memory_space<vmem>>
      %dma_wait3A_165 = arith.constant 128 : i32
      %dma_wait3A_166 = tpu.memref_slice %arg7[%dma_wait3A_165] : memref<856xi32, #tpu.memory_space<vmem>> -> memref<128xi32, #tpu.memory_space<vmem>>
      %dma_wait3A_167 = arith.constant 0 : i32
      %dma_wait3A_168 = arith.constant 0 : i32
      %dma_wait3A_169 = tpu.memref_slice %arg2[%dma_wait3A_167, %dma_wait3A_168] : memref<5000x128xf32, #tpu.memory_space<hbm>> -> memref<5000x128xf32, #tpu.memory_space<hbm>>
      tpu.wait_indirect_dma semaphore(%arg18 : memref<!tpu.dma_semaphore, #tpu.memory_space<semaphore_mem>>) src(%dma_wait3A_169 : memref<5000x128xf32, #tpu.memory_space<hbm>>) dst(%dma_wait3A_164 : memref<128x128xf32, #tpu.memory_space<vmem>>)
      %dma_wait3A_170 = arith.constant 128 : i32
      %dma_wait3A_171 = tpu.memref_slice %arg11[%dma_wait3A_170] : memref<416xf32, #tpu.memory_space<vmem>> -> memref<128xf32, #tpu.memory_space<vmem>>
      %dma_wait3A_172 = arith.constant 528 : i32
      %dma_wait3A_173 = tpu.memref_slice %arg7[%dma_wait3A_172] : memref<856xi32, #tpu.memory_space<vmem>> -> memref<128xi32, #tpu.memory_space<vmem>>
      %dma_wait3A_174 = arith.constant 0 : i32
      %dma_wait3A_175 = tpu.memref_slice %arg3[%dma_wait3A_174] : memref<24990002xf32, #tpu.memory_space<hbm>> -> memref<24990002xf32, #tpu.memory_space<hbm>>
      tpu.wait_indirect_dma semaphore(%arg18 : memref<!tpu.dma_semaphore, #tpu.memory_space<semaphore_mem>>) src(%dma_wait3A_175 : memref<24990002xf32, #tpu.memory_space<hbm>>) dst(%dma_wait3A_171 : memref<128xf32, #tpu.memory_space<vmem>>)
      %dma_wait3A_176 = arith.constant 256 : i32
      %dma_wait3A_177 = arith.constant 0 : i32
      %dma_wait3A_178 = tpu.memref_slice %arg9[%dma_wait3A_176, %dma_wait3A_177] : memref<400x128xf32, #tpu.memory_space<vmem>> -> memref<128x128xf32, #tpu.memory_space<vmem>>
      %dma_wait3A_179 = arith.constant 256 : i32
      %dma_wait3A_180 = tpu.memref_slice %arg7[%dma_wait3A_179] : memref<856xi32, #tpu.memory_space<vmem>> -> memref<128xi32, #tpu.memory_space<vmem>>
      %dma_wait3A_181 = arith.constant 0 : i32
      %dma_wait3A_182 = arith.constant 0 : i32
      %dma_wait3A_183 = tpu.memref_slice %arg2[%dma_wait3A_181, %dma_wait3A_182] : memref<5000x128xf32, #tpu.memory_space<hbm>> -> memref<5000x128xf32, #tpu.memory_space<hbm>>
      tpu.wait_indirect_dma semaphore(%arg18 : memref<!tpu.dma_semaphore, #tpu.memory_space<semaphore_mem>>) src(%dma_wait3A_183 : memref<5000x128xf32, #tpu.memory_space<hbm>>) dst(%dma_wait3A_178 : memref<128x128xf32, #tpu.memory_space<vmem>>)
      %dma_wait3A_184 = arith.constant 256 : i32
      %dma_wait3A_185 = tpu.memref_slice %arg11[%dma_wait3A_184] : memref<416xf32, #tpu.memory_space<vmem>> -> memref<128xf32, #tpu.memory_space<vmem>>
      %dma_wait3A_186 = arith.constant 656 : i32
      %dma_wait3A_187 = tpu.memref_slice %arg7[%dma_wait3A_186] : memref<856xi32, #tpu.memory_space<vmem>> -> memref<128xi32, #tpu.memory_space<vmem>>
      %dma_wait3A_188 = arith.constant 0 : i32
      %dma_wait3A_189 = tpu.memref_slice %arg3[%dma_wait3A_188] : memref<24990002xf32, #tpu.memory_space<hbm>> -> memref<24990002xf32, #tpu.memory_space<hbm>>
      tpu.wait_indirect_dma semaphore(%arg18 : memref<!tpu.dma_semaphore, #tpu.memory_space<semaphore_mem>>) src(%dma_wait3A_189 : memref<24990002xf32, #tpu.memory_space<hbm>>) dst(%dma_wait3A_185 : memref<128xf32, #tpu.memory_space<vmem>>)
      %dma_wait3A_190 = arith.constant 384 : i32
      %dma_wait3A_191 = arith.constant 0 : i32
      %dma_wait3A_192 = tpu.memref_slice %arg9[%dma_wait3A_190, %dma_wait3A_191] : memref<400x128xf32, #tpu.memory_space<vmem>> -> memref<16x128xf32, #tpu.memory_space<vmem>>
      %dma_wait3A_193 = arith.constant 384 : i32
      %dma_wait3A_194 = tpu.memref_slice %arg7[%dma_wait3A_193] : memref<856xi32, #tpu.memory_space<vmem>> -> memref<16xi32, #tpu.memory_space<vmem>>
      %dma_wait3A_195 = arith.constant 0 : i32
      %dma_wait3A_196 = arith.constant 0 : i32
      %dma_wait3A_197 = tpu.memref_slice %arg2[%dma_wait3A_195, %dma_wait3A_196] : memref<5000x128xf32, #tpu.memory_space<hbm>> -> memref<5000x128xf32, #tpu.memory_space<hbm>>
      tpu.wait_indirect_dma semaphore(%arg18 : memref<!tpu.dma_semaphore, #tpu.memory_space<semaphore_mem>>) src(%dma_wait3A_197 : memref<5000x128xf32, #tpu.memory_space<hbm>>) dst(%dma_wait3A_192 : memref<16x128xf32, #tpu.memory_space<vmem>>)
      %dma_wait3A_198 = arith.constant 384 : i32
      %dma_wait3A_199 = tpu.memref_slice %arg11[%dma_wait3A_198] : memref<416xf32, #tpu.memory_space<vmem>> -> memref<16xf32, #tpu.memory_space<vmem>>
      %dma_wait3A_200 = arith.constant 784 : i32
      %dma_wait3A_201 = tpu.memref_slice %arg7[%dma_wait3A_200] : memref<856xi32, #tpu.memory_space<vmem>> -> memref<16xi32, #tpu.memory_space<vmem>>
      %dma_wait3A_202 = arith.constant 0 : i32
      %dma_wait3A_203 = tpu.memref_slice %arg3[%dma_wait3A_202] : memref<24990002xf32, #tpu.memory_space<hbm>> -> memref<24990002xf32, #tpu.memory_space<hbm>>
      tpu.wait_indirect_dma semaphore(%arg18 : memref<!tpu.dma_semaphore, #tpu.memory_space<semaphore_mem>>) src(%dma_wait3A_203 : memref<24990002xf32, #tpu.memory_space<hbm>>) dst(%dma_wait3A_199 : memref<16xf32, #tpu.memory_space<vmem>>)
      %dma_wait3A_204 = arith.constant 800 : i32
      %dma_wait3A_205 = tpu.memref_slice %arg7[%dma_wait3A_204] : memref<856xi32, #tpu.memory_space<vmem>> -> memref<56xi32, #tpu.memory_space<vmem>>
      %dma_wait3A_206 = arith.constant 0 : i32
      %dma_wait3A_207 = arith.constant 0 : i32
      %dma_wait3A_208 = tpu.memref_slice %arg2[%dma_wait3A_206, %dma_wait3A_207] : memref<5000x128xf32, #tpu.memory_space<hbm>> -> memref<5000x128xf32, #tpu.memory_space<hbm>>
      tpu.wait_indirect_dma semaphore(%arg18 : memref<!tpu.dma_semaphore, #tpu.memory_space<semaphore_mem>>) src(%dma_wait3A_208 : memref<5000x128xf32, #tpu.memory_space<hbm>>) dst(%arg13 : memref<56x128xf32, #tpu.memory_space<vmem>>)
      %dma_wait3A_209 = arith.constant 0 : i32
      %dma_wait3A_210 = tpu.memref_slice %arg15[%dma_wait3A_209] : memref<72xf32, #tpu.memory_space<vmem>> -> memref<56xf32, #tpu.memory_space<vmem>>
      %dma_wait3A_211 = arith.constant 800 : i32
      %dma_wait3A_212 = tpu.memref_slice %arg7[%dma_wait3A_211] : memref<856xi32, #tpu.memory_space<vmem>> -> memref<56xi32, #tpu.memory_space<vmem>>
      %dma_wait3A_213 = arith.constant 0 : i32
      %dma_wait3A_214 = tpu.memref_slice %arg4[%dma_wait3A_213] : memref<5000xf32, #tpu.memory_space<hbm>> -> memref<5000xf32, #tpu.memory_space<hbm>>
      tpu.wait_indirect_dma semaphore(%arg18 : memref<!tpu.dma_semaphore, #tpu.memory_space<semaphore_mem>>) src(%dma_wait3A_214 : memref<5000xf32, #tpu.memory_space<hbm>>) dst(%dma_wait3A_210 : memref<56xf32, #tpu.memory_space<vmem>>)
      %broadcast_in_dim3A = arith.constant 0.000000e+00 : f32
      %broadcast_in_dim3A_215 = vector.broadcast %broadcast_in_dim3A : f32 to vector<16xf32>
      %broadcast_in_dim3A_216 = arith.constant 0.000000e+00 : f32
      %broadcast_in_dim3A_217 = vector.broadcast %broadcast_in_dim3A_216 : f32 to vector<16xf32>
      %broadcast_in_dim3A_218 = arith.constant 0.000000e+00 : f32
      %broadcast_in_dim3A_219 = vector.broadcast %broadcast_in_dim3A_218 : f32 to vector<16xf32>
      %broadcast_in_dim3A_220 = arith.constant 0.000000e+00 : f32
      %broadcast_in_dim3A_221 = vector.broadcast %broadcast_in_dim3A_220 : f32 to vector<16xf32>
      %broadcast_in_dim3A_222 = arith.constant 0.000000e+00 : f32
      %broadcast_in_dim3A_223 = vector.broadcast %broadcast_in_dim3A_222 : f32 to vector<16xf32>
      %broadcast_in_dim3A_224 = arith.constant 0.000000e+00 : f32
      %broadcast_in_dim3A_225 = vector.broadcast %broadcast_in_dim3A_224 : f32 to vector<16xf32>
      %broadcast_in_dim3A_226 = arith.constant 0.000000e+00 : f32
      %broadcast_in_dim3A_227 = vector.broadcast %broadcast_in_dim3A_226 : f32 to vector<16xf32>
      %broadcast_in_dim3A_228 = arith.constant 0.000000e+00 : f32
      %broadcast_in_dim3A_229 = vector.broadcast %broadcast_in_dim3A_228 : f32 to vector<16xf32>
      %scan3A_230 = arith.constant 0 : i32
      %scan3A_231 = arith.constant 50 : i32
      %scan3A_232 = arith.addi %scan3A_230, %scan3A_231 : i32
      %scan3A_233 = arith.constant 1 : i32
      %scan3A_234:8 = scf.for %scan3A_408 = %scan3A_230 to %scan3A_232 step %scan3A_233 iter_args(%scan3A_409 = %broadcast_in_dim3A_215, %scan3A_410 = %broadcast_in_dim3A_217, %scan3A_411 = %broadcast_in_dim3A_219, %scan3A_412 = %broadcast_in_dim3A_221, %scan3A_413 = %broadcast_in_dim3A_223, %scan3A_414 = %broadcast_in_dim3A_225, %scan3A_415 = %broadcast_in_dim3A_227, %scan3A_416 = %broadcast_in_dim3A_229) -> (vector<16xf32>, vector<16xf32>, vector<16xf32>, vector<16xf32>, vector<16xf32>, vector<16xf32>, vector<16xf32>, vector<16xf32>)  : i32 {
        %mul3A_417 = arith.constant 8 : i32
        %mul3A_418 = arith.muli %scan3A_408, %mul3A_417 : i32
        %get3A = arith.index_cast %mul3A_418 : i32 to index
        %get3A_419 = tpu.vector_load %arg11[%get3A] {strides = array<i32>} : memref<416xf32, #tpu.memory_space<vmem>>, vector<16xf32>,
        %get3A_420 = vector.shape_cast %get3A_419 : vector<16xf32> to vector<16xf32>
        %slice3A = vector.extract_strided_slice %get3A_420 {offsets = [0], sizes = [1], strides = [1]} : vector<16xf32> to vector<1xf32>
        %squeeze3A = vector.extract %slice3A[0] : f32 from vector<1xf32>
        %broadcast_in_dim3A_421 = vector.broadcast %squeeze3A : f32 to vector<16xf32>
        %add3A_422 = arith.constant 0 : i32
        %add3A_423 = arith.addi %mul3A_418, %add3A_422 : i32
        %get3A_424 = arith.index_cast %add3A_423 : i32 to index
        %get3A_425 = arith.constant 0 : index
        %get3A_426 = tpu.vector_load %arg9[%get3A_424, %get3A_425] {strides = array<i32>} : memref<400x128xf32, #tpu.memory_space<vmem>>, vector<1x16xf32>,
        %get3A_427 = vector.shape_cast %get3A_426 : vector<1x16xf32> to vector<16xf32>
        %mul3A_428 = arith.mulf %get3A_427, %broadcast_in_dim3A_421 : vector<16xf32>
        %add3A_429 = arith.constant 0 : i32
        %add3A_430 = arith.addi %mul3A_418, %add3A_429 : i32
        %get3A_431 = arith.index_cast %add3A_430 : i32 to index
        %get3A_432 = arith.constant 16 : index
        %get3A_433 = tpu.vector_load %arg9[%get3A_431, %get3A_432] {strides = array<i32>} : memref<400x128xf32, #tpu.memory_space<vmem>>, vector<1x16xf32>,
        %get3A_434 = vector.shape_cast %get3A_433 : vector<1x16xf32> to vector<16xf32>
        %mul3A_435 = arith.mulf %get3A_434, %broadcast_in_dim3A_421 : vector<16xf32>
        %add3A_436 = arith.constant 0 : i32
        %add3A_437 = arith.addi %mul3A_418, %add3A_436 : i32
        %get3A_438 = arith.index_cast %add3A_437 : i32 to index
        %get3A_439 = arith.constant 32 : index
        %get3A_440 = tpu.vector_load %arg9[%get3A_438, %get3A_439] {strides = array<i32>} : memref<400x128xf32, #tpu.memory_space<vmem>>, vector<1x16xf32>,
        %get3A_441 = vector.shape_cast %get3A_440 : vector<1x16xf32> to vector<16xf32>
        %mul3A_442 = arith.mulf %get3A_441, %broadcast_in_dim3A_421 : vector<16xf32>
        %add3A_443 = arith.constant 0 : i32
        %add3A_444 = arith.addi %mul3A_418, %add3A_443 : i32
        %get3A_445 = arith.index_cast %add3A_444 : i32 to index
        %get3A_446 = arith.constant 48 : index
        %get3A_447 = tpu.vector_load %arg9[%get3A_445, %get3A_446] {strides = array<i32>} : memref<400x128xf32, #tpu.memory_space<vmem>>, vector<1x16xf32>,
        %get3A_448 = vector.shape_cast %get3A_447 : vector<1x16xf32> to vector<16xf32>
        %mul3A_449 = arith.mulf %get3A_448, %broadcast_in_dim3A_421 : vector<16xf32>
        %add3A_450 = arith.constant 0 : i32
        %add3A_451 = arith.addi %mul3A_418, %add3A_450 : i32
        %get3A_452 = arith.index_cast %add3A_451 : i32 to index
        %get3A_453 = arith.constant 64 : index
        %get3A_454 = tpu.vector_load %arg9[%get3A_452, %get3A_453] {strides = array<i32>} : memref<400x128xf32, #tpu.memory_space<vmem>>, vector<1x16xf32>,
        %get3A_455 = vector.shape_cast %get3A_454 : vector<1x16xf32> to vector<16xf32>
        %mul3A_456 = arith.mulf %get3A_455, %broadcast_in_dim3A_421 : vector<16xf32>
        %add3A_457 = arith.constant 0 : i32
        %add3A_458 = arith.addi %mul3A_418, %add3A_457 : i32
        %get3A_459 = arith.index_cast %add3A_458 : i32 to index
        %get3A_460 = arith.constant 80 : index
        %get3A_461 = tpu.vector_load %arg9[%get3A_459, %get3A_460] {strides = array<i32>} : memref<400x128xf32, #tpu.memory_space<vmem>>, vector<1x16xf32>,
        %get3A_462 = vector.shape_cast %get3A_461 : vector<1x16xf32> to vector<16xf32>
        %mul3A_463 = arith.mulf %get3A_462, %broadcast_in_dim3A_421 : vector<16xf32>
        %add3A_464 = arith.constant 0 : i32
        %add3A_465 = arith.addi %mul3A_418, %add3A_464 : i32
        %get3A_466 = arith.index_cast %add3A_465 : i32 to index
        %get3A_467 = arith.constant 96 : index
        %get3A_468 = tpu.vector_load %arg9[%get3A_466, %get3A_467] {strides = array<i32>} : memref<400x128xf32, #tpu.memory_space<vmem>>, vector<1x16xf32>,
        %get3A_469 = vector.shape_cast %get3A_468 : vector<1x16xf32> to vector<16xf32>
        %mul3A_470 = arith.mulf %get3A_469, %broadcast_in_dim3A_421 : vector<16xf32>
        %add3A_471 = arith.constant 0 : i32
        %add3A_472 = arith.addi %mul3A_418, %add3A_471 : i32
        %get3A_473 = arith.index_cast %add3A_472 : i32 to index
        %get3A_474 = arith.constant 112 : index
        %get3A_475 = tpu.vector_load %arg9[%get3A_473, %get3A_474] {strides = array<i32>} : memref<400x128xf32, #tpu.memory_space<vmem>>, vector<1x16xf32>,
        %get3A_476 = vector.shape_cast %get3A_475 : vector<1x16xf32> to vector<16xf32>
        %mul3A_477 = arith.mulf %get3A_476, %broadcast_in_dim3A_421 : vector<16xf32>
        %slice3A_478 = vector.extract_strided_slice %get3A_420 {offsets = [1], sizes = [1], strides = [1]} : vector<16xf32> to vector<1xf32>
        %squeeze3A_479 = vector.extract %slice3A_478[0] : f32 from vector<1xf32>
        %broadcast_in_dim3A_480 = vector.broadcast %squeeze3A_479 : f32 to vector<16xf32>
        %add3A_481 = arith.constant 1 : i32
        %add3A_482 = arith.addi %mul3A_418, %add3A_481 : i32
        %get3A_483 = arith.index_cast %add3A_482 : i32 to index
        %get3A_484 = arith.constant 0 : index
        %get3A_485 = tpu.vector_load %arg9[%get3A_483, %get3A_484] {strides = array<i32>} : memref<400x128xf32, #tpu.memory_space<vmem>>, vector<1x16xf32>,
        %get3A_486 = vector.shape_cast %get3A_485 : vector<1x16xf32> to vector<16xf32>
        %mul3A_487 = arith.mulf %get3A_486, %broadcast_in_dim3A_480 : vector<16xf32>
        %max3A = arith.maximumf %mul3A_428, %mul3A_487 : vector<16xf32>
        %add3A_488 = arith.constant 1 : i32
        %add3A_489 = arith.addi %mul3A_418, %add3A_488 : i32
        %get3A_490 = arith.index_cast %add3A_489 : i32 to index
        %get3A_491 = arith.constant 16 : index
        %get3A_492 = tpu.vector_load %arg9[%get3A_490, %get3A_491] {strides = array<i32>} : memref<400x128xf32, #tpu.memory_space<vmem>>, vector<1x16xf32>,
        %get3A_493 = vector.shape_cast %get3A_492 : vector<1x16xf32> to vector<16xf32>
        %mul3A_494 = arith.mulf %get3A_493, %broadcast_in_dim3A_480 : vector<16xf32>
        %max3A_495 = arith.maximumf %mul3A_435, %mul3A_494 : vector<16xf32>
        %add3A_496 = arith.constant 1 : i32
        %add3A_497 = arith.addi %mul3A_418, %add3A_496 : i32
        %get3A_498 = arith.index_cast %add3A_497 : i32 to index
        %get3A_499 = arith.constant 32 : index
        %get3A_500 = tpu.vector_load %arg9[%get3A_498, %get3A_499] {strides = array<i32>} : memref<400x128xf32, #tpu.memory_space<vmem>>, vector<1x16xf32>,
        %get3A_501 = vector.shape_cast %get3A_500 : vector<1x16xf32> to vector<16xf32>
        %mul3A_502 = arith.mulf %get3A_501, %broadcast_in_dim3A_480 : vector<16xf32>
        %max3A_503 = arith.maximumf %mul3A_442, %mul3A_502 : vector<16xf32>
        %add3A_504 = arith.constant 1 : i32
        %add3A_505 = arith.addi %mul3A_418, %add3A_504 : i32
        %get3A_506 = arith.index_cast %add3A_505 : i32 to index
        %get3A_507 = arith.constant 48 : index
        %get3A_508 = tpu.vector_load %arg9[%get3A_506, %get3A_507] {strides = array<i32>} : memref<400x128xf32, #tpu.memory_space<vmem>>, vector<1x16xf32>,
        %get3A_509 = vector.shape_cast %get3A_508 : vector<1x16xf32> to vector<16xf32>
        %mul3A_510 = arith.mulf %get3A_509, %broadcast_in_dim3A_480 : vector<16xf32>
        %max3A_511 = arith.maximumf %mul3A_449, %mul3A_510 : vector<16xf32>
        %add3A_512 = arith.constant 1 : i32
        %add3A_513 = arith.addi %mul3A_418, %add3A_512 : i32
        %get3A_514 = arith.index_cast %add3A_513 : i32 to index
        %get3A_515 = arith.constant 64 : index
        %get3A_516 = tpu.vector_load %arg9[%get3A_514, %get3A_515] {strides = array<i32>} : memref<400x128xf32, #tpu.memory_space<vmem>>, vector<1x16xf32>,
        %get3A_517 = vector.shape_cast %get3A_516 : vector<1x16xf32> to vector<16xf32>
        %mul3A_518 = arith.mulf %get3A_517, %broadcast_in_dim3A_480 : vector<16xf32>
        %max3A_519 = arith.maximumf %mul3A_456, %mul3A_518 : vector<16xf32>
        %add3A_520 = arith.constant 1 : i32
        %add3A_521 = arith.addi %mul3A_418, %add3A_520 : i32
        %get3A_522 = arith.index_cast %add3A_521 : i32 to index
        %get3A_523 = arith.constant 80 : index
        %get3A_524 = tpu.vector_load %arg9[%get3A_522, %get3A_523] {strides = array<i32>} : memref<400x128xf32, #tpu.memory_space<vmem>>, vector<1x16xf32>,
        %get3A_525 = vector.shape_cast %get3A_524 : vector<1x16xf32> to vector<16xf32>
        %mul3A_526 = arith.mulf %get3A_525, %broadcast_in_dim3A_480 : vector<16xf32>
        %max3A_527 = arith.maximumf %mul3A_463, %mul3A_526 : vector<16xf32>
        %add3A_528 = arith.constant 1 : i32
        %add3A_529 = arith.addi %mul3A_418, %add3A_528 : i32
        %get3A_530 = arith.index_cast %add3A_529 : i32 to index
        %get3A_531 = arith.constant 96 : index
        %get3A_532 = tpu.vector_load %arg9[%get3A_530, %get3A_531] {strides = array<i32>} : memref<400x128xf32, #tpu.memory_space<vmem>>, vector<1x16xf32>,
        %get3A_533 = vector.shape_cast %get3A_532 : vector<1x16xf32> to vector<16xf32>
        %mul3A_534 = arith.mulf %get3A_533, %broadcast_in_dim3A_480 : vector<16xf32>
        %max3A_535 = arith.maximumf %mul3A_470, %mul3A_534 : vector<16xf32>
        %add3A_536 = arith.constant 1 : i32
        %add3A_537 = arith.addi %mul3A_418, %add3A_536 : i32
        %get3A_538 = arith.index_cast %add3A_537 : i32 to index
        %get3A_539 = arith.constant 112 : index
        %get3A_540 = tpu.vector_load %arg9[%get3A_538, %get3A_539] {strides = array<i32>} : memref<400x128xf32, #tpu.memory_space<vmem>>, vector<1x16xf32>,
        %get3A_541 = vector.shape_cast %get3A_540 : vector<1x16xf32> to vector<16xf32>
        %mul3A_542 = arith.mulf %get3A_541, %broadcast_in_dim3A_480 : vector<16xf32>
        %max3A_543 = arith.maximumf %mul3A_477, %mul3A_542 : vector<16xf32>
        %slice3A_544 = vector.extract_strided_slice %get3A_420 {offsets = [2], sizes = [1], strides = [1]} : vector<16xf32> to vector<1xf32>
        %squeeze3A_545 = vector.extract %slice3A_544[0] : f32 from vector<1xf32>
        %broadcast_in_dim3A_546 = vector.broadcast %squeeze3A_545 : f32 to vector<16xf32>
        %add3A_547 = arith.constant 2 : i32
        %add3A_548 = arith.addi %mul3A_418, %add3A_547 : i32
        %get3A_549 = arith.index_cast %add3A_548 : i32 to index
        %get3A_550 = arith.constant 0 : index
        %get3A_551 = tpu.vector_load %arg9[%get3A_549, %get3A_550] {strides = array<i32>} : memref<400x128xf32, #tpu.memory_space<vmem>>, vector<1x16xf32>,
        %get3A_552 = vector.shape_cast %get3A_551 : vector<1x16xf32> to vector<16xf32>
        %mul3A_553 = arith.mulf %get3A_552, %broadcast_in_dim3A_546 : vector<16xf32>
        %max3A_554 = arith.maximumf %max3A, %mul3A_553 : vector<16xf32>
        %add3A_555 = arith.constant 2 : i32
        %add3A_556 = arith.addi %mul3A_418, %add3A_555 : i32
        %get3A_557 = arith.index_cast %add3A_556 : i32 to index
        %get3A_558 = arith.constant 16 : index
        %get3A_559 = tpu.vector_load %arg9[%get3A_557, %get3A_558] {strides = array<i32>} : memref<400x128xf32, #tpu.memory_space<vmem>>, vector<1x16xf32>,
        %get3A_560 = vector.shape_cast %get3A_559 : vector<1x16xf32> to vector<16xf32>
        %mul3A_561 = arith.mulf %get3A_560, %broadcast_in_dim3A_546 : vector<16xf32>
        %max3A_562 = arith.maximumf %max3A_495, %mul3A_561 : vector<16xf32>
        %add3A_563 = arith.constant 2 : i32
        %add3A_564 = arith.addi %mul3A_418, %add3A_563 : i32
        %get3A_565 = arith.index_cast %add3A_564 : i32 to index
        %get3A_566 = arith.constant 32 : index
        %get3A_567 = tpu.vector_load %arg9[%get3A_565, %get3A_566] {strides = array<i32>} : memref<400x128xf32, #tpu.memory_space<vmem>>, vector<1x16xf32>,
        %get3A_568 = vector.shape_cast %get3A_567 : vector<1x16xf32> to vector<16xf32>
        %mul3A_569 = arith.mulf %get3A_568, %broadcast_in_dim3A_546 : vector<16xf32>
        %max3A_570 = arith.maximumf %max3A_503, %mul3A_569 : vector<16xf32>
        %add3A_571 = arith.constant 2 : i32
        %add3A_572 = arith.addi %mul3A_418, %add3A_571 : i32
        %get3A_573 = arith.index_cast %add3A_572 : i32 to index
        %get3A_574 = arith.constant 48 : index
        %get3A_575 = tpu.vector_load %arg9[%get3A_573, %get3A_574] {strides = array<i32>} : memref<400x128xf32, #tpu.memory_space<vmem>>, vector<1x16xf32>,
        %get3A_576 = vector.shape_cast %get3A_575 : vector<1x16xf32> to vector<16xf32>
        %mul3A_577 = arith.mulf %get3A_576, %broadcast_in_dim3A_546 : vector<16xf32>
        %max3A_578 = arith.maximumf %max3A_511, %mul3A_577 : vector<16xf32>
        %add3A_579 = arith.constant 2 : i32
        %add3A_580 = arith.addi %mul3A_418, %add3A_579 : i32
        %get3A_581 = arith.index_cast %add3A_580 : i32 to index
        %get3A_582 = arith.constant 64 : index
        %get3A_583 = tpu.vector_load %arg9[%get3A_581, %get3A_582] {strides = array<i32>} : memref<400x128xf32, #tpu.memory_space<vmem>>, vector<1x16xf32>,
        %get3A_584 = vector.shape_cast %get3A_583 : vector<1x16xf32> to vector<16xf32>
        %mul3A_585 = arith.mulf %get3A_584, %broadcast_in_dim3A_546 : vector<16xf32>
        %max3A_586 = arith.maximumf %max3A_519, %mul3A_585 : vector<16xf32>
        %add3A_587 = arith.constant 2 : i32
        %add3A_588 = arith.addi %mul3A_418, %add3A_587 : i32
        %get3A_589 = arith.index_cast %add3A_588 : i32 to index
        %get3A_590 = arith.constant 80 : index
        %get3A_591 = tpu.vector_load %arg9[%get3A_589, %get3A_590] {strides = array<i32>} : memref<400x128xf32, #tpu.memory_space<vmem>>, vector<1x16xf32>,
        %get3A_592 = vector.shape_cast %get3A_591 : vector<1x16xf32> to vector<16xf32>
        %mul3A_593 = arith.mulf %get3A_592, %broadcast_in_dim3A_546 : vector<16xf32>
        %max3A_594 = arith.maximumf %max3A_527, %mul3A_593 : vector<16xf32>
        %add3A_595 = arith.constant 2 : i32
        %add3A_596 = arith.addi %mul3A_418, %add3A_595 : i32
        %get3A_597 = arith.index_cast %add3A_596 : i32 to index
        %get3A_598 = arith.constant 96 : index
        %get3A_599 = tpu.vector_load %arg9[%get3A_597, %get3A_598] {strides = array<i32>} : memref<400x128xf32, #tpu.memory_space<vmem>>, vector<1x16xf32>,
        %get3A_600 = vector.shape_cast %get3A_599 : vector<1x16xf32> to vector<16xf32>
        %mul3A_601 = arith.mulf %get3A_600, %broadcast_in_dim3A_546 : vector<16xf32>
        %max3A_602 = arith.maximumf %max3A_535, %mul3A_601 : vector<16xf32>
        %add3A_603 = arith.constant 2 : i32
        %add3A_604 = arith.addi %mul3A_418, %add3A_603 : i32
        %get3A_605 = arith.index_cast %add3A_604 : i32 to index
        %get3A_606 = arith.constant 112 : index
        %get3A_607 = tpu.vector_load %arg9[%get3A_605, %get3A_606] {strides = array<i32>} : memref<400x128xf32, #tpu.memory_space<vmem>>, vector<1x16xf32>,
        %get3A_608 = vector.shape_cast %get3A_607 : vector<1x16xf32> to vector<16xf32>
        %mul3A_609 = arith.mulf %get3A_608, %broadcast_in_dim3A_546 : vector<16xf32>
        %max3A_610 = arith.maximumf %max3A_543, %mul3A_609 : vector<16xf32>
        %slice3A_611 = vector.extract_strided_slice %get3A_420 {offsets = [3], sizes = [1], strides = [1]} : vector<16xf32> to vector<1xf32>
        %squeeze3A_612 = vector.extract %slice3A_611[0] : f32 from vector<1xf32>
        %broadcast_in_dim3A_613 = vector.broadcast %squeeze3A_612 : f32 to vector<16xf32>
        %add3A_614 = arith.constant 3 : i32
        %add3A_615 = arith.addi %mul3A_418, %add3A_614 : i32
        %get3A_616 = arith.index_cast %add3A_615 : i32 to index
        %get3A_617 = arith.constant 0 : index
        %get3A_618 = tpu.vector_load %arg9[%get3A_616, %get3A_617] {strides = array<i32>} : memref<400x128xf32, #tpu.memory_space<vmem>>, vector<1x16xf32>,
        %get3A_619 = vector.shape_cast %get3A_618 : vector<1x16xf32> to vector<16xf32>
        %mul3A_620 = arith.mulf %get3A_619, %broadcast_in_dim3A_613 : vector<16xf32>
        %max3A_621 = arith.maximumf %max3A_554, %mul3A_620 : vector<16xf32>
        %add3A_622 = arith.constant 3 : i32
        %add3A_623 = arith.addi %mul3A_418, %add3A_622 : i32
        %get3A_624 = arith.index_cast %add3A_623 : i32 to index
        %get3A_625 = arith.constant 16 : index
        %get3A_626 = tpu.vector_load %arg9[%get3A_624, %get3A_625] {strides = array<i32>} : memref<400x128xf32, #tpu.memory_space<vmem>>, vector<1x16xf32>,
        %get3A_627 = vector.shape_cast %get3A_626 : vector<1x16xf32> to vector<16xf32>
        %mul3A_628 = arith.mulf %get3A_627, %broadcast_in_dim3A_613 : vector<16xf32>
        %max3A_629 = arith.maximumf %max3A_562, %mul3A_628 : vector<16xf32>
        %add3A_630 = arith.constant 3 : i32
        %add3A_631 = arith.addi %mul3A_418, %add3A_630 : i32
        %get3A_632 = arith.index_cast %add3A_631 : i32 to index
        %get3A_633 = arith.constant 32 : index
        %get3A_634 = tpu.vector_load %arg9[%get3A_632, %get3A_633] {strides = array<i32>} : memref<400x128xf32, #tpu.memory_space<vmem>>, vector<1x16xf32>,
        %get3A_635 = vector.shape_cast %get3A_634 : vector<1x16xf32> to vector<16xf32>
        %mul3A_636 = arith.mulf %get3A_635, %broadcast_in_dim3A_613 : vector<16xf32>
        %max3A_637 = arith.maximumf %max3A_570, %mul3A_636 : vector<16xf32>
        %add3A_638 = arith.constant 3 : i32
        %add3A_639 = arith.addi %mul3A_418, %add3A_638 : i32
        %get3A_640 = arith.index_cast %add3A_639 : i32 to index
        %get3A_641 = arith.constant 48 : index
        %get3A_642 = tpu.vector_load %arg9[%get3A_640, %get3A_641] {strides = array<i32>} : memref<400x128xf32, #tpu.memory_space<vmem>>, vector<1x16xf32>,
        %get3A_643 = vector.shape_cast %get3A_642 : vector<1x16xf32> to vector<16xf32>
        %mul3A_644 = arith.mulf %get3A_643, %broadcast_in_dim3A_613 : vector<16xf32>
        %max3A_645 = arith.maximumf %max3A_578, %mul3A_644 : vector<16xf32>
        %add3A_646 = arith.constant 3 : i32
        %add3A_647 = arith.addi %mul3A_418, %add3A_646 : i32
        %get3A_648 = arith.index_cast %add3A_647 : i32 to index
        %get3A_649 = arith.constant 64 : index
        %get3A_650 = tpu.vector_load %arg9[%get3A_648, %get3A_649] {strides = array<i32>} : memref<400x128xf32, #tpu.memory_space<vmem>>, vector<1x16xf32>,
        %get3A_651 = vector.shape_cast %get3A_650 : vector<1x16xf32> to vector<16xf32>
        %mul3A_652 = arith.mulf %get3A_651, %broadcast_in_dim3A_613 : vector<16xf32>
        %max3A_653 = arith.maximumf %max3A_586, %mul3A_652 : vector<16xf32>
        %add3A_654 = arith.constant 3 : i32
        %add3A_655 = arith.addi %mul3A_418, %add3A_654 : i32
        %get3A_656 = arith.index_cast %add3A_655 : i32 to index
        %get3A_657 = arith.constant 80 : index
        %get3A_658 = tpu.vector_load %arg9[%get3A_656, %get3A_657] {strides = array<i32>} : memref<400x128xf32, #tpu.memory_space<vmem>>, vector<1x16xf32>,
        %get3A_659 = vector.shape_cast %get3A_658 : vector<1x16xf32> to vector<16xf32>
        %mul3A_660 = arith.mulf %get3A_659, %broadcast_in_dim3A_613 : vector<16xf32>
        %max3A_661 = arith.maximumf %max3A_594, %mul3A_660 : vector<16xf32>
        %add3A_662 = arith.constant 3 : i32
        %add3A_663 = arith.addi %mul3A_418, %add3A_662 : i32
        %get3A_664 = arith.index_cast %add3A_663 : i32 to index
        %get3A_665 = arith.constant 96 : index
        %get3A_666 = tpu.vector_load %arg9[%get3A_664, %get3A_665] {strides = array<i32>} : memref<400x128xf32, #tpu.memory_space<vmem>>, vector<1x16xf32>,
        %get3A_667 = vector.shape_cast %get3A_666 : vector<1x16xf32> to vector<16xf32>
        %mul3A_668 = arith.mulf %get3A_667, %broadcast_in_dim3A_613 : vector<16xf32>
        %max3A_669 = arith.maximumf %max3A_602, %mul3A_668 : vector<16xf32>
        %add3A_670 = arith.constant 3 : i32
        %add3A_671 = arith.addi %mul3A_418, %add3A_670 : i32
        %get3A_672 = arith.index_cast %add3A_671 : i32 to index
        %get3A_673 = arith.constant 112 : index
        %get3A_674 = tpu.vector_load %arg9[%get3A_672, %get3A_673] {strides = array<i32>} : memref<400x128xf32, #tpu.memory_space<vmem>>, vector<1x16xf32>,
        %get3A_675 = vector.shape_cast %get3A_674 : vector<1x16xf32> to vector<16xf32>
        %mul3A_676 = arith.mulf %get3A_675, %broadcast_in_dim3A_613 : vector<16xf32>
        %max3A_677 = arith.maximumf %max3A_610, %mul3A_676 : vector<16xf32>
        %slice3A_678 = vector.extract_strided_slice %get3A_420 {offsets = [4], sizes = [1], strides = [1]} : vector<16xf32> to vector<1xf32>
        %squeeze3A_679 = vector.extract %slice3A_678[0] : f32 from vector<1xf32>
        %broadcast_in_dim3A_680 = vector.broadcast %squeeze3A_679 : f32 to vector<16xf32>
        %add3A_681 = arith.constant 4 : i32
        %add3A_682 = arith.addi %mul3A_418, %add3A_681 : i32
        %get3A_683 = arith.index_cast %add3A_682 : i32 to index
        %get3A_684 = arith.constant 0 : index
        %get3A_685 = tpu.vector_load %arg9[%get3A_683, %get3A_684] {strides = array<i32>} : memref<400x128xf32, #tpu.memory_space<vmem>>, vector<1x16xf32>,
        %get3A_686 = vector.shape_cast %get3A_685 : vector<1x16xf32> to vector<16xf32>
        %mul3A_687 = arith.mulf %get3A_686, %broadcast_in_dim3A_680 : vector<16xf32>
        %max3A_688 = arith.maximumf %max3A_621, %mul3A_687 : vector<16xf32>
        %add3A_689 = arith.constant 4 : i32
        %add3A_690 = arith.addi %mul3A_418, %add3A_689 : i32
        %get3A_691 = arith.index_cast %add3A_690 : i32 to index
        %get3A_692 = arith.constant 16 : index
        %get3A_693 = tpu.vector_load %arg9[%get3A_691, %get3A_692] {strides = array<i32>} : memref<400x128xf32, #tpu.memory_space<vmem>>, vector<1x16xf32>,
        %get3A_694 = vector.shape_cast %get3A_693 : vector<1x16xf32> to vector<16xf32>
        %mul3A_695 = arith.mulf %get3A_694, %broadcast_in_dim3A_680 : vector<16xf32>
        %max3A_696 = arith.maximumf %max3A_629, %mul3A_695 : vector<16xf32>
        %add3A_697 = arith.constant 4 : i32
        %add3A_698 = arith.addi %mul3A_418, %add3A_697 : i32
        %get3A_699 = arith.index_cast %add3A_698 : i32 to index
        %get3A_700 = arith.constant 32 : index
        %get3A_701 = tpu.vector_load %arg9[%get3A_699, %get3A_700] {strides = array<i32>} : memref<400x128xf32, #tpu.memory_space<vmem>>, vector<1x16xf32>,
        %get3A_702 = vector.shape_cast %get3A_701 : vector<1x16xf32> to vector<16xf32>
        %mul3A_703 = arith.mulf %get3A_702, %broadcast_in_dim3A_680 : vector<16xf32>
        %max3A_704 = arith.maximumf %max3A_637, %mul3A_703 : vector<16xf32>
        %add3A_705 = arith.constant 4 : i32
        %add3A_706 = arith.addi %mul3A_418, %add3A_705 : i32
        %get3A_707 = arith.index_cast %add3A_706 : i32 to index
        %get3A_708 = arith.constant 48 : index
        %get3A_709 = tpu.vector_load %arg9[%get3A_707, %get3A_708] {strides = array<i32>} : memref<400x128xf32, #tpu.memory_space<vmem>>, vector<1x16xf32>,
        %get3A_710 = vector.shape_cast %get3A_709 : vector<1x16xf32> to vector<16xf32>
        %mul3A_711 = arith.mulf %get3A_710, %broadcast_in_dim3A_680 : vector<16xf32>
        %max3A_712 = arith.maximumf %max3A_645, %mul3A_711 : vector<16xf32>
        %add3A_713 = arith.constant 4 : i32
        %add3A_714 = arith.addi %mul3A_418, %add3A_713 : i32
        %get3A_715 = arith.index_cast %add3A_714 : i32 to index
        %get3A_716 = arith.constant 64 : index
        %get3A_717 = tpu.vector_load %arg9[%get3A_715, %get3A_716] {strides = array<i32>} : memref<400x128xf32, #tpu.memory_space<vmem>>, vector<1x16xf32>,
        %get3A_718 = vector.shape_cast %get3A_717 : vector<1x16xf32> to vector<16xf32>
        %mul3A_719 = arith.mulf %get3A_718, %broadcast_in_dim3A_680 : vector<16xf32>
        %max3A_720 = arith.maximumf %max3A_653, %mul3A_719 : vector<16xf32>
        %add3A_721 = arith.constant 4 : i32
        %add3A_722 = arith.addi %mul3A_418, %add3A_721 : i32
        %get3A_723 = arith.index_cast %add3A_722 : i32 to index
        %get3A_724 = arith.constant 80 : index
        %get3A_725 = tpu.vector_load %arg9[%get3A_723, %get3A_724] {strides = array<i32>} : memref<400x128xf32, #tpu.memory_space<vmem>>, vector<1x16xf32>,
        %get3A_726 = vector.shape_cast %get3A_725 : vector<1x16xf32> to vector<16xf32>
        %mul3A_727 = arith.mulf %get3A_726, %broadcast_in_dim3A_680 : vector<16xf32>
        %max3A_728 = arith.maximumf %max3A_661, %mul3A_727 : vector<16xf32>
        %add3A_729 = arith.constant 4 : i32
        %add3A_730 = arith.addi %mul3A_418, %add3A_729 : i32
        %get3A_731 = arith.index_cast %add3A_730 : i32 to index
        %get3A_732 = arith.constant 96 : index
        %get3A_733 = tpu.vector_load %arg9[%get3A_731, %get3A_732] {strides = array<i32>} : memref<400x128xf32, #tpu.memory_space<vmem>>, vector<1x16xf32>,
        %get3A_734 = vector.shape_cast %get3A_733 : vector<1x16xf32> to vector<16xf32>
        %mul3A_735 = arith.mulf %get3A_734, %broadcast_in_dim3A_680 : vector<16xf32>
        %max3A_736 = arith.maximumf %max3A_669, %mul3A_735 : vector<16xf32>
        %add3A_737 = arith.constant 4 : i32
        %add3A_738 = arith.addi %mul3A_418, %add3A_737 : i32
        %get3A_739 = arith.index_cast %add3A_738 : i32 to index
        %get3A_740 = arith.constant 112 : index
        %get3A_741 = tpu.vector_load %arg9[%get3A_739, %get3A_740] {strides = array<i32>} : memref<400x128xf32, #tpu.memory_space<vmem>>, vector<1x16xf32>,
        %get3A_742 = vector.shape_cast %get3A_741 : vector<1x16xf32> to vector<16xf32>
        %mul3A_743 = arith.mulf %get3A_742, %broadcast_in_dim3A_680 : vector<16xf32>
        %max3A_744 = arith.maximumf %max3A_677, %mul3A_743 : vector<16xf32>
        %slice3A_745 = vector.extract_strided_slice %get3A_420 {offsets = [5], sizes = [1], strides = [1]} : vector<16xf32> to vector<1xf32>
        %squeeze3A_746 = vector.extract %slice3A_745[0] : f32 from vector<1xf32>
        %broadcast_in_dim3A_747 = vector.broadcast %squeeze3A_746 : f32 to vector<16xf32>
        %add3A_748 = arith.constant 5 : i32
        %add3A_749 = arith.addi %mul3A_418, %add3A_748 : i32
        %get3A_750 = arith.index_cast %add3A_749 : i32 to index
        %get3A_751 = arith.constant 0 : index
        %get3A_752 = tpu.vector_load %arg9[%get3A_750, %get3A_751] {strides = array<i32>} : memref<400x128xf32, #tpu.memory_space<vmem>>, vector<1x16xf32>,
        %get3A_753 = vector.shape_cast %get3A_752 : vector<1x16xf32> to vector<16xf32>
        %mul3A_754 = arith.mulf %get3A_753, %broadcast_in_dim3A_747 : vector<16xf32>
        %max3A_755 = arith.maximumf %max3A_688, %mul3A_754 : vector<16xf32>
        %add3A_756 = arith.constant 5 : i32
        %add3A_757 = arith.addi %mul3A_418, %add3A_756 : i32
        %get3A_758 = arith.index_cast %add3A_757 : i32 to index
        %get3A_759 = arith.constant 16 : index
        %get3A_760 = tpu.vector_load %arg9[%get3A_758, %get3A_759] {strides = array<i32>} : memref<400x128xf32, #tpu.memory_space<vmem>>, vector<1x16xf32>,
        %get3A_761 = vector.shape_cast %get3A_760 : vector<1x16xf32> to vector<16xf32>
        %mul3A_762 = arith.mulf %get3A_761, %broadcast_in_dim3A_747 : vector<16xf32>
        %max3A_763 = arith.maximumf %max3A_696, %mul3A_762 : vector<16xf32>
        %add3A_764 = arith.constant 5 : i32
        %add3A_765 = arith.addi %mul3A_418, %add3A_764 : i32
        %get3A_766 = arith.index_cast %add3A_765 : i32 to index
        %get3A_767 = arith.constant 32 : index
        %get3A_768 = tpu.vector_load %arg9[%get3A_766, %get3A_767] {strides = array<i32>} : memref<400x128xf32, #tpu.memory_space<vmem>>, vector<1x16xf32>,
        %get3A_769 = vector.shape_cast %get3A_768 : vector<1x16xf32> to vector<16xf32>
        %mul3A_770 = arith.mulf %get3A_769, %broadcast_in_dim3A_747 : vector<16xf32>
        %max3A_771 = arith.maximumf %max3A_704, %mul3A_770 : vector<16xf32>
        %add3A_772 = arith.constant 5 : i32
        %add3A_773 = arith.addi %mul3A_418, %add3A_772 : i32
        %get3A_774 = arith.index_cast %add3A_773 : i32 to index
        %get3A_775 = arith.constant 48 : index
        %get3A_776 = tpu.vector_load %arg9[%get3A_774, %get3A_775] {strides = array<i32>} : memref<400x128xf32, #tpu.memory_space<vmem>>, vector<1x16xf32>,
        %get3A_777 = vector.shape_cast %get3A_776 : vector<1x16xf32> to vector<16xf32>
        %mul3A_778 = arith.mulf %get3A_777, %broadcast_in_dim3A_747 : vector<16xf32>
        %max3A_779 = arith.maximumf %max3A_712, %mul3A_778 : vector<16xf32>
        %add3A_780 = arith.constant 5 : i32
        %add3A_781 = arith.addi %mul3A_418, %add3A_780 : i32
        %get3A_782 = arith.index_cast %add3A_781 : i32 to index
        %get3A_783 = arith.constant 64 : index
        %get3A_784 = tpu.vector_load %arg9[%get3A_782, %get3A_783] {strides = array<i32>} : memref<400x128xf32, #tpu.memory_space<vmem>>, vector<1x16xf32>,
        %get3A_785 = vector.shape_cast %get3A_784 : vector<1x16xf32> to vector<16xf32>
        %mul3A_786 = arith.mulf %get3A_785, %broadcast_in_dim3A_747 : vector<16xf32>
        %max3A_787 = arith.maximumf %max3A_720, %mul3A_786 : vector<16xf32>
        %add3A_788 = arith.constant 5 : i32
        %add3A_789 = arith.addi %mul3A_418, %add3A_788 : i32
        %get3A_790 = arith.index_cast %add3A_789 : i32 to index
        %get3A_791 = arith.constant 80 : index
        %get3A_792 = tpu.vector_load %arg9[%get3A_790, %get3A_791] {strides = array<i32>} : memref<400x128xf32, #tpu.memory_space<vmem>>, vector<1x16xf32>,
        %get3A_793 = vector.shape_cast %get3A_792 : vector<1x16xf32> to vector<16xf32>
        %mul3A_794 = arith.mulf %get3A_793, %broadcast_in_dim3A_747 : vector<16xf32>
        %max3A_795 = arith.maximumf %max3A_728, %mul3A_794 : vector<16xf32>
        %add3A_796 = arith.constant 5 : i32
        %add3A_797 = arith.addi %mul3A_418, %add3A_796 : i32
        %get3A_798 = arith.index_cast %add3A_797 : i32 to index
        %get3A_799 = arith.constant 96 : index
        %get3A_800 = tpu.vector_load %arg9[%get3A_798, %get3A_799] {strides = array<i32>} : memref<400x128xf32, #tpu.memory_space<vmem>>, vector<1x16xf32>,
        %get3A_801 = vector.shape_cast %get3A_800 : vector<1x16xf32> to vector<16xf32>
        %mul3A_802 = arith.mulf %get3A_801, %broadcast_in_dim3A_747 : vector<16xf32>
        %max3A_803 = arith.maximumf %max3A_736, %mul3A_802 : vector<16xf32>
        %add3A_804 = arith.constant 5 : i32
        %add3A_805 = arith.addi %mul3A_418, %add3A_804 : i32
        %get3A_806 = arith.index_cast %add3A_805 : i32 to index
        %get3A_807 = arith.constant 112 : index
        %get3A_808 = tpu.vector_load %arg9[%get3A_806, %get3A_807] {strides = array<i32>} : memref<400x128xf32, #tpu.memory_space<vmem>>, vector<1x16xf32>,
        %get3A_809 = vector.shape_cast %get3A_808 : vector<1x16xf32> to vector<16xf32>
        %mul3A_810 = arith.mulf %get3A_809, %broadcast_in_dim3A_747 : vector<16xf32>
        %max3A_811 = arith.maximumf %max3A_744, %mul3A_810 : vector<16xf32>
        %slice3A_812 = vector.extract_strided_slice %get3A_420 {offsets = [6], sizes = [1], strides = [1]} : vector<16xf32> to vector<1xf32>
        %squeeze3A_813 = vector.extract %slice3A_812[0] : f32 from vector<1xf32>
        %broadcast_in_dim3A_814 = vector.broadcast %squeeze3A_813 : f32 to vector<16xf32>
        %add3A_815 = arith.constant 6 : i32
        %add3A_816 = arith.addi %mul3A_418, %add3A_815 : i32
        %get3A_817 = arith.index_cast %add3A_816 : i32 to index
        %get3A_818 = arith.constant 0 : index
        %get3A_819 = tpu.vector_load %arg9[%get3A_817, %get3A_818] {strides = array<i32>} : memref<400x128xf32, #tpu.memory_space<vmem>>, vector<1x16xf32>,
        %get3A_820 = vector.shape_cast %get3A_819 : vector<1x16xf32> to vector<16xf32>
        %mul3A_821 = arith.mulf %get3A_820, %broadcast_in_dim3A_814 : vector<16xf32>
        %max3A_822 = arith.maximumf %max3A_755, %mul3A_821 : vector<16xf32>
        %add3A_823 = arith.constant 6 : i32
        %add3A_824 = arith.addi %mul3A_418, %add3A_823 : i32
        %get3A_825 = arith.index_cast %add3A_824 : i32 to index
        %get3A_826 = arith.constant 16 : index
        %get3A_827 = tpu.vector_load %arg9[%get3A_825, %get3A_826] {strides = array<i32>} : memref<400x128xf32, #tpu.memory_space<vmem>>, vector<1x16xf32>,
        %get3A_828 = vector.shape_cast %get3A_827 : vector<1x16xf32> to vector<16xf32>
        %mul3A_829 = arith.mulf %get3A_828, %broadcast_in_dim3A_814 : vector<16xf32>
        %max3A_830 = arith.maximumf %max3A_763, %mul3A_829 : vector<16xf32>
        %add3A_831 = arith.constant 6 : i32
        %add3A_832 = arith.addi %mul3A_418, %add3A_831 : i32
        %get3A_833 = arith.index_cast %add3A_832 : i32 to index
        %get3A_834 = arith.constant 32 : index
        %get3A_835 = tpu.vector_load %arg9[%get3A_833, %get3A_834] {strides = array<i32>} : memref<400x128xf32, #tpu.memory_space<vmem>>, vector<1x16xf32>,
        %get3A_836 = vector.shape_cast %get3A_835 : vector<1x16xf32> to vector<16xf32>
        %mul3A_837 = arith.mulf %get3A_836, %broadcast_in_dim3A_814 : vector<16xf32>
        %max3A_838 = arith.maximumf %max3A_771, %mul3A_837 : vector<16xf32>
        %add3A_839 = arith.constant 6 : i32
        %add3A_840 = arith.addi %mul3A_418, %add3A_839 : i32
        %get3A_841 = arith.index_cast %add3A_840 : i32 to index
        %get3A_842 = arith.constant 48 : index
        %get3A_843 = tpu.vector_load %arg9[%get3A_841, %get3A_842] {strides = array<i32>} : memref<400x128xf32, #tpu.memory_space<vmem>>, vector<1x16xf32>,
        %get3A_844 = vector.shape_cast %get3A_843 : vector<1x16xf32> to vector<16xf32>
        %mul3A_845 = arith.mulf %get3A_844, %broadcast_in_dim3A_814 : vector<16xf32>
        %max3A_846 = arith.maximumf %max3A_779, %mul3A_845 : vector<16xf32>
        %add3A_847 = arith.constant 6 : i32
        %add3A_848 = arith.addi %mul3A_418, %add3A_847 : i32
        %get3A_849 = arith.index_cast %add3A_848 : i32 to index
        %get3A_850 = arith.constant 64 : index
        %get3A_851 = tpu.vector_load %arg9[%get3A_849, %get3A_850] {strides = array<i32>} : memref<400x128xf32, #tpu.memory_space<vmem>>, vector<1x16xf32>,
        %get3A_852 = vector.shape_cast %get3A_851 : vector<1x16xf32> to vector<16xf32>
        %mul3A_853 = arith.mulf %get3A_852, %broadcast_in_dim3A_814 : vector<16xf32>
        %max3A_854 = arith.maximumf %max3A_787, %mul3A_853 : vector<16xf32>
        %add3A_855 = arith.constant 6 : i32
        %add3A_856 = arith.addi %mul3A_418, %add3A_855 : i32
        %get3A_857 = arith.index_cast %add3A_856 : i32 to index
        %get3A_858 = arith.constant 80 : index
        %get3A_859 = tpu.vector_load %arg9[%get3A_857, %get3A_858] {strides = array<i32>} : memref<400x128xf32, #tpu.memory_space<vmem>>, vector<1x16xf32>,
        %get3A_860 = vector.shape_cast %get3A_859 : vector<1x16xf32> to vector<16xf32>
        %mul3A_861 = arith.mulf %get3A_860, %broadcast_in_dim3A_814 : vector<16xf32>
        %max3A_862 = arith.maximumf %max3A_795, %mul3A_861 : vector<16xf32>
        %add3A_863 = arith.constant 6 : i32
        %add3A_864 = arith.addi %mul3A_418, %add3A_863 : i32
        %get3A_865 = arith.index_cast %add3A_864 : i32 to index
        %get3A_866 = arith.constant 96 : index
        %get3A_867 = tpu.vector_load %arg9[%get3A_865, %get3A_866] {strides = array<i32>} : memref<400x128xf32, #tpu.memory_space<vmem>>, vector<1x16xf32>,
        %get3A_868 = vector.shape_cast %get3A_867 : vector<1x16xf32> to vector<16xf32>
        %mul3A_869 = arith.mulf %get3A_868, %broadcast_in_dim3A_814 : vector<16xf32>
        %max3A_870 = arith.maximumf %max3A_803, %mul3A_869 : vector<16xf32>
        %add3A_871 = arith.constant 6 : i32
        %add3A_872 = arith.addi %mul3A_418, %add3A_871 : i32
        %get3A_873 = arith.index_cast %add3A_872 : i32 to index
        %get3A_874 = arith.constant 112 : index
        %get3A_875 = tpu.vector_load %arg9[%get3A_873, %get3A_874] {strides = array<i32>} : memref<400x128xf32, #tpu.memory_space<vmem>>, vector<1x16xf32>,
        %get3A_876 = vector.shape_cast %get3A_875 : vector<1x16xf32> to vector<16xf32>
        %mul3A_877 = arith.mulf %get3A_876, %broadcast_in_dim3A_814 : vector<16xf32>
        %max3A_878 = arith.maximumf %max3A_811, %mul3A_877 : vector<16xf32>
        %slice3A_879 = vector.extract_strided_slice %get3A_420 {offsets = [7], sizes = [1], strides = [1]} : vector<16xf32> to vector<1xf32>
        %squeeze3A_880 = vector.extract %slice3A_879[0] : f32 from vector<1xf32>
        %broadcast_in_dim3A_881 = vector.broadcast %squeeze3A_880 : f32 to vector<16xf32>
        %add3A_882 = arith.constant 7 : i32
        %add3A_883 = arith.addi %mul3A_418, %add3A_882 : i32
        %get3A_884 = arith.index_cast %add3A_883 : i32 to index
        %get3A_885 = arith.constant 0 : index
        %get3A_886 = tpu.vector_load %arg9[%get3A_884, %get3A_885] {strides = array<i32>} : memref<400x128xf32, #tpu.memory_space<vmem>>, vector<1x16xf32>,
        %get3A_887 = vector.shape_cast %get3A_886 : vector<1x16xf32> to vector<16xf32>
        %mul3A_888 = arith.mulf %get3A_887, %broadcast_in_dim3A_881 : vector<16xf32>
        %max3A_889 = arith.maximumf %max3A_822, %mul3A_888 : vector<16xf32>
        %add3A_890 = arith.constant 7 : i32
        %add3A_891 = arith.addi %mul3A_418, %add3A_890 : i32
        %get3A_892 = arith.index_cast %add3A_891 : i32 to index
        %get3A_893 = arith.constant 16 : index
        %get3A_894 = tpu.vector_load %arg9[%get3A_892, %get3A_893] {strides = array<i32>} : memref<400x128xf32, #tpu.memory_space<vmem>>, vector<1x16xf32>,
        %get3A_895 = vector.shape_cast %get3A_894 : vector<1x16xf32> to vector<16xf32>
        %mul3A_896 = arith.mulf %get3A_895, %broadcast_in_dim3A_881 : vector<16xf32>
        %max3A_897 = arith.maximumf %max3A_830, %mul3A_896 : vector<16xf32>
        %add3A_898 = arith.constant 7 : i32
        %add3A_899 = arith.addi %mul3A_418, %add3A_898 : i32
        %get3A_900 = arith.index_cast %add3A_899 : i32 to index
        %get3A_901 = arith.constant 32 : index
        %get3A_902 = tpu.vector_load %arg9[%get3A_900, %get3A_901] {strides = array<i32>} : memref<400x128xf32, #tpu.memory_space<vmem>>, vector<1x16xf32>,
        %get3A_903 = vector.shape_cast %get3A_902 : vector<1x16xf32> to vector<16xf32>
        %mul3A_904 = arith.mulf %get3A_903, %broadcast_in_dim3A_881 : vector<16xf32>
        %max3A_905 = arith.maximumf %max3A_838, %mul3A_904 : vector<16xf32>
        %add3A_906 = arith.constant 7 : i32
        %add3A_907 = arith.addi %mul3A_418, %add3A_906 : i32
        %get3A_908 = arith.index_cast %add3A_907 : i32 to index
        %get3A_909 = arith.constant 48 : index
        %get3A_910 = tpu.vector_load %arg9[%get3A_908, %get3A_909] {strides = array<i32>} : memref<400x128xf32, #tpu.memory_space<vmem>>, vector<1x16xf32>,
        %get3A_911 = vector.shape_cast %get3A_910 : vector<1x16xf32> to vector<16xf32>
        %mul3A_912 = arith.mulf %get3A_911, %broadcast_in_dim3A_881 : vector<16xf32>
        %max3A_913 = arith.maximumf %max3A_846, %mul3A_912 : vector<16xf32>
        %add3A_914 = arith.constant 7 : i32
        %add3A_915 = arith.addi %mul3A_418, %add3A_914 : i32
        %get3A_916 = arith.index_cast %add3A_915 : i32 to index
        %get3A_917 = arith.constant 64 : index
        %get3A_918 = tpu.vector_load %arg9[%get3A_916, %get3A_917] {strides = array<i32>} : memref<400x128xf32, #tpu.memory_space<vmem>>, vector<1x16xf32>,
        %get3A_919 = vector.shape_cast %get3A_918 : vector<1x16xf32> to vector<16xf32>
        %mul3A_920 = arith.mulf %get3A_919, %broadcast_in_dim3A_881 : vector<16xf32>
        %max3A_921 = arith.maximumf %max3A_854, %mul3A_920 : vector<16xf32>
        %add3A_922 = arith.constant 7 : i32
        %add3A_923 = arith.addi %mul3A_418, %add3A_922 : i32
        %get3A_924 = arith.index_cast %add3A_923 : i32 to index
        %get3A_925 = arith.constant 80 : index
        %get3A_926 = tpu.vector_load %arg9[%get3A_924, %get3A_925] {strides = array<i32>} : memref<400x128xf32, #tpu.memory_space<vmem>>, vector<1x16xf32>,
        %get3A_927 = vector.shape_cast %get3A_926 : vector<1x16xf32> to vector<16xf32>
        %mul3A_928 = arith.mulf %get3A_927, %broadcast_in_dim3A_881 : vector<16xf32>
        %max3A_929 = arith.maximumf %max3A_862, %mul3A_928 : vector<16xf32>
        %add3A_930 = arith.constant 7 : i32
        %add3A_931 = arith.addi %mul3A_418, %add3A_930 : i32
        %get3A_932 = arith.index_cast %add3A_931 : i32 to index
        %get3A_933 = arith.constant 96 : index
        %get3A_934 = tpu.vector_load %arg9[%get3A_932, %get3A_933] {strides = array<i32>} : memref<400x128xf32, #tpu.memory_space<vmem>>, vector<1x16xf32>,
        %get3A_935 = vector.shape_cast %get3A_934 : vector<1x16xf32> to vector<16xf32>
        %mul3A_936 = arith.mulf %get3A_935, %broadcast_in_dim3A_881 : vector<16xf32>
        %max3A_937 = arith.maximumf %max3A_870, %mul3A_936 : vector<16xf32>
        %add3A_938 = arith.constant 7 : i32
        %add3A_939 = arith.addi %mul3A_418, %add3A_938 : i32
        %get3A_940 = arith.index_cast %add3A_939 : i32 to index
        %get3A_941 = arith.constant 112 : index
        %get3A_942 = tpu.vector_load %arg9[%get3A_940, %get3A_941] {strides = array<i32>} : memref<400x128xf32, #tpu.memory_space<vmem>>, vector<1x16xf32>,
        %get3A_943 = vector.shape_cast %get3A_942 : vector<1x16xf32> to vector<16xf32>
        %mul3A_944 = arith.mulf %get3A_943, %broadcast_in_dim3A_881 : vector<16xf32>
        %max3A_945 = arith.maximumf %max3A_878, %mul3A_944 : vector<16xf32>
        %get3A_946 = arith.index_cast %scan3A_408 : i32 to index
        %get3A_947 = tpu.vector_load %arg15[%get3A_946] {strides = array<i32>} : memref<72xf32, #tpu.memory_space<vmem>>, vector<16xf32>,
        %get3A_948 = vector.shape_cast %get3A_947 : vector<16xf32> to vector<16xf32>
        %slice3A_949 = vector.extract_strided_slice %get3A_948 {offsets = [0], sizes = [1], strides = [1]} : vector<16xf32> to vector<1xf32>
        %squeeze3A_950 = vector.extract %slice3A_949[0] : f32 from vector<1xf32>
        %broadcast_in_dim3A_951 = vector.broadcast %squeeze3A_950 : f32 to vector<16xf32>
        %sub3A = arith.constant 1.000000e+00 : f32
        %sub3A_952 = vector.broadcast %sub3A : f32 to vector<16xf32>
        %sub3A_953 = arith.subf %sub3A_952, %broadcast_in_dim3A_951 : vector<16xf32>
        %mul3A_954 = arith.mulf %sub3A_953, %max3A_889 : vector<16xf32>
        %add3A_955 = arith.addf %scan3A_409, %mul3A_954 : vector<16xf32>
        %get3A_956 = arith.index_cast %scan3A_408 : i32 to index
        %get3A_957 = arith.constant 0 : index
        %get3A_958 = tpu.vector_load %arg13[%get3A_956, %get3A_957] {strides = array<i32>} : memref<56x128xf32, #tpu.memory_space<vmem>>, vector<1x16xf32>,
        %get3A_959 = vector.shape_cast %get3A_958 : vector<1x16xf32> to vector<16xf32>
        %mul3A_960 = arith.mulf %broadcast_in_dim3A_951, %get3A_959 : vector<16xf32>
        %add3A_961 = arith.addf %add3A_955, %mul3A_960 : vector<16xf32>
        %mul3A_962 = arith.mulf %sub3A_953, %max3A_897 : vector<16xf32>
        %add3A_963 = arith.addf %scan3A_410, %mul3A_962 : vector<16xf32>
        %get3A_964 = arith.index_cast %scan3A_408 : i32 to index
        %get3A_965 = arith.constant 16 : index
        %get3A_966 = tpu.vector_load %arg13[%get3A_964, %get3A_965] {strides = array<i32>} : memref<56x128xf32, #tpu.memory_space<vmem>>, vector<1x16xf32>,
        %get3A_967 = vector.shape_cast %get3A_966 : vector<1x16xf32> to vector<16xf32>
        %mul3A_968 = arith.mulf %broadcast_in_dim3A_951, %get3A_967 : vector<16xf32>
        %add3A_969 = arith.addf %add3A_963, %mul3A_968 : vector<16xf32>
        %mul3A_970 = arith.mulf %sub3A_953, %max3A_905 : vector<16xf32>
        %add3A_971 = arith.addf %scan3A_411, %mul3A_970 : vector<16xf32>
        %get3A_972 = arith.index_cast %scan3A_408 : i32 to index
        %get3A_973 = arith.constant 32 : index
        %get3A_974 = tpu.vector_load %arg13[%get3A_972, %get3A_973] {strides = array<i32>} : memref<56x128xf32, #tpu.memory_space<vmem>>, vector<1x16xf32>,
        %get3A_975 = vector.shape_cast %get3A_974 : vector<1x16xf32> to vector<16xf32>
        %mul3A_976 = arith.mulf %broadcast_in_dim3A_951, %get3A_975 : vector<16xf32>
        %add3A_977 = arith.addf %add3A_971, %mul3A_976 : vector<16xf32>
        %mul3A_978 = arith.mulf %sub3A_953, %max3A_913 : vector<16xf32>
        %add3A_979 = arith.addf %scan3A_412, %mul3A_978 : vector<16xf32>
        %get3A_980 = arith.index_cast %scan3A_408 : i32 to index
        %get3A_981 = arith.constant 48 : index
        %get3A_982 = tpu.vector_load %arg13[%get3A_980, %get3A_981] {strides = array<i32>} : memref<56x128xf32, #tpu.memory_space<vmem>>, vector<1x16xf32>,
        %get3A_983 = vector.shape_cast %get3A_982 : vector<1x16xf32> to vector<16xf32>
        %mul3A_984 = arith.mulf %broadcast_in_dim3A_951, %get3A_983 : vector<16xf32>
        %add3A_985 = arith.addf %add3A_979, %mul3A_984 : vector<16xf32>
        %mul3A_986 = arith.mulf %sub3A_953, %max3A_921 : vector<16xf32>
        %add3A_987 = arith.addf %scan3A_413, %mul3A_986 : vector<16xf32>
        %get3A_988 = arith.index_cast %scan3A_408 : i32 to index
        %get3A_989 = arith.constant 64 : index
        %get3A_990 = tpu.vector_load %arg13[%get3A_988, %get3A_989] {strides = array<i32>} : memref<56x128xf32, #tpu.memory_space<vmem>>, vector<1x16xf32>,
        %get3A_991 = vector.shape_cast %get3A_990 : vector<1x16xf32> to vector<16xf32>
        %mul3A_992 = arith.mulf %broadcast_in_dim3A_951, %get3A_991 : vector<16xf32>
        %add3A_993 = arith.addf %add3A_987, %mul3A_992 : vector<16xf32>
        %mul3A_994 = arith.mulf %sub3A_953, %max3A_929 : vector<16xf32>
        %add3A_995 = arith.addf %scan3A_414, %mul3A_994 : vector<16xf32>
        %get3A_996 = arith.index_cast %scan3A_408 : i32 to index
        %get3A_997 = arith.constant 80 : index
        %get3A_998 = tpu.vector_load %arg13[%get3A_996, %get3A_997] {strides = array<i32>} : memref<56x128xf32, #tpu.memory_space<vmem>>, vector<1x16xf32>,
        %get3A_999 = vector.shape_cast %get3A_998 : vector<1x16xf32> to vector<16xf32>
        %mul3A_1000 = arith.mulf %broadcast_in_dim3A_951, %get3A_999 : vector<16xf32>
        %add3A_1001 = arith.addf %add3A_995, %mul3A_1000 : vector<16xf32>
        %mul3A_1002 = arith.mulf %sub3A_953, %max3A_937 : vector<16xf32>
        %add3A_1003 = arith.addf %scan3A_415, %mul3A_1002 : vector<16xf32>
        %get3A_1004 = arith.index_cast %scan3A_408 : i32 to index
        %get3A_1005 = arith.constant 96 : index
        %get3A_1006 = tpu.vector_load %arg13[%get3A_1004, %get3A_1005] {strides = array<i32>} : memref<56x128xf32, #tpu.memory_space<vmem>>, vector<1x16xf32>,
        %get3A_1007 = vector.shape_cast %get3A_1006 : vector<1x16xf32> to vector<16xf32>
        %mul3A_1008 = arith.mulf %broadcast_in_dim3A_951, %get3A_1007 : vector<16xf32>
        %add3A_1009 = arith.addf %add3A_1003, %mul3A_1008 : vector<16xf32>
        %mul3A_1010 = arith.mulf %sub3A_953, %max3A_945 : vector<16xf32>
        %add3A_1011 = arith.addf %scan3A_416, %mul3A_1010 : vector<16xf32>
        %get3A_1012 = arith.index_cast %scan3A_408 : i32 to index
        %get3A_1013 = arith.constant 112 : index
        %get3A_1014 = tpu.vector_load %arg13[%get3A_1012, %get3A_1013] {strides = array<i32>} : memref<56x128xf32, #tpu.memory_space<vmem>>, vector<1x16xf32>,
        %get3A_1015 = vector.shape_cast %get3A_1014 : vector<1x16xf32> to vector<16xf32>
        %mul3A_1016 = arith.mulf %broadcast_in_dim3A_951, %get3A_1015 : vector<16xf32>
        %add3A_1017 = arith.addf %add3A_1011, %mul3A_1016 : vector<16xf32>
        scf.yield %add3A_961, %add3A_969, %add3A_977, %add3A_985, %add3A_993, %add3A_1001, %add3A_1009, %add3A_1017 : vector<16xf32>, vector<16xf32>, vector<16xf32>, vector<16xf32>, vector<16xf32>, vector<16xf32>, vector<16xf32>, vector<16xf32>
      }
      %scan3A_235 = arith.constant 50 : i32
      %swap3A = arith.index_cast %mul3A_78 : i32 to index
      %swap3A_236 = arith.constant 0 : index
      %swap3A_237 = tpu.vector_load %arg17[%swap3A, %swap3A_236] {strides = array<i32>} : memref<32x128xf32, #tpu.memory_space<vmem>>, vector<1x16xf32>,
      %swap3A_238 = vector.shape_cast %swap3A_237 : vector<1x16xf32> to vector<16xf32>
      %swap3A_239 = vector.shape_cast %scan3A_234#0 : vector<16xf32> to vector<1x16xf32>
      tpu.vector_store %arg17[%swap3A, %swap3A_236], %swap3A_239 {strides = array<i32>} : memref<32x128xf32, #tpu.memory_space<vmem>>, vector<1x16xf32>,
      %swap3A_240 = arith.index_cast %mul3A_78 : i32 to index
      %swap3A_241 = arith.constant 16 : index
      %swap3A_242 = tpu.vector_load %arg17[%swap3A_240, %swap3A_241] {strides = array<i32>} : memref<32x128xf32, #tpu.memory_space<vmem>>, vector<1x16xf32>,
      %swap3A_243 = vector.shape_cast %swap3A_242 : vector<1x16xf32> to vector<16xf32>
      %swap3A_244 = vector.shape_cast %scan3A_234#1 : vector<16xf32> to vector<1x16xf32>
      tpu.vector_store %arg17[%swap3A_240, %swap3A_241], %swap3A_244 {strides = array<i32>} : memref<32x128xf32, #tpu.memory_space<vmem>>, vector<1x16xf32>,
      %swap3A_245 = arith.index_cast %mul3A_78 : i32 to index
      %swap3A_246 = arith.constant 32 : index
      %swap3A_247 = tpu.vector_load %arg17[%swap3A_245, %swap3A_246] {strides = array<i32>} : memref<32x128xf32, #tpu.memory_space<vmem>>, vector<1x16xf32>,
      %swap3A_248 = vector.shape_cast %swap3A_247 : vector<1x16xf32> to vector<16xf32>
      %swap3A_249 = vector.shape_cast %scan3A_234#2 : vector<16xf32> to vector<1x16xf32>
      tpu.vector_store %arg17[%swap3A_245, %swap3A_246], %swap3A_249 {strides = array<i32>} : memref<32x128xf32, #tpu.memory_space<vmem>>, vector<1x16xf32>,
      %swap3A_250 = arith.index_cast %mul3A_78 : i32 to index
      %swap3A_251 = arith.constant 48 : index
      %swap3A_252 = tpu.vector_load %arg17[%swap3A_250, %swap3A_251] {strides = array<i32>} : memref<32x128xf32, #tpu.memory_space<vmem>>, vector<1x16xf32>,
      %swap3A_253 = vector.shape_cast %swap3A_252 : vector<1x16xf32> to vector<16xf32>
      %swap3A_254 = vector.shape_cast %scan3A_234#3 : vector<16xf32> to vector<1x16xf32>
      tpu.vector_store %arg17[%swap3A_250, %swap3A_251], %swap3A_254 {strides = array<i32>} : memref<32x128xf32, #tpu.memory_space<vmem>>, vector<1x16xf32>,
      %swap3A_255 = arith.index_cast %mul3A_78 : i32 to index
      %swap3A_256 = arith.constant 64 : index
      %swap3A_257 = tpu.vector_load %arg17[%swap3A_255, %swap3A_256] {strides = array<i32>} : memref<32x128xf32, #tpu.memory_space<vmem>>, vector<1x16xf32>,
      %swap3A_258 = vector.shape_cast %swap3A_257 : vector<1x16xf32> to vector<16xf32>
      %swap3A_259 = vector.shape_cast %scan3A_234#4 : vector<16xf32> to vector<1x16xf32>
      tpu.vector_store %arg17[%swap3A_255, %swap3A_256], %swap3A_259 {strides = array<i32>} : memref<32x128xf32, #tpu.memory_space<vmem>>, vector<1x16xf32>,
      %swap3A_260 = arith.index_cast %mul3A_78 : i32 to index
      %swap3A_261 = arith.constant 80 : index
      %swap3A_262 = tpu.vector_load %arg17[%swap3A_260, %swap3A_261] {strides = array<i32>} : memref<32x128xf32, #tpu.memory_space<vmem>>, vector<1x16xf32>,
      %swap3A_263 = vector.shape_cast %swap3A_262 : vector<1x16xf32> to vector<16xf32>
      %swap3A_264 = vector.shape_cast %scan3A_234#5 : vector<16xf32> to vector<1x16xf32>
      tpu.vector_store %arg17[%swap3A_260, %swap3A_261], %swap3A_264 {strides = array<i32>} : memref<32x128xf32, #tpu.memory_space<vmem>>, vector<1x16xf32>,
      %swap3A_265 = arith.index_cast %mul3A_78 : i32 to index
      %swap3A_266 = arith.constant 96 : index
      %swap3A_267 = tpu.vector_load %arg17[%swap3A_265, %swap3A_266] {strides = array<i32>} : memref<32x128xf32, #tpu.memory_space<vmem>>, vector<1x16xf32>,
      %swap3A_268 = vector.shape_cast %swap3A_267 : vector<1x16xf32> to vector<16xf32>
      %swap3A_269 = vector.shape_cast %scan3A_234#6 : vector<16xf32> to vector<1x16xf32>
      tpu.vector_store %arg17[%swap3A_265, %swap3A_266], %swap3A_269 {strides = array<i32>} : memref<32x128xf32, #tpu.memory_space<vmem>>, vector<1x16xf32>,
      %swap3A_270 = arith.index_cast %mul3A_78 : i32 to index
      %swap3A_271 = arith.constant 112 : index
      %swap3A_272 = tpu.vector_load %arg17[%swap3A_270, %swap3A_271] {strides = array<i32>} : memref<32x128xf32, #tpu.memory_space<vmem>>, vector<1x16xf32>,
      %swap3A_273 = vector.shape_cast %swap3A_272 : vector<1x16xf32> to vector<16xf32>
      %swap3A_274 = vector.shape_cast %scan3A_234#7 : vector<16xf32> to vector<1x16xf32>
      tpu.vector_store %arg17[%swap3A_270, %swap3A_271], %swap3A_274 {strides = array<i32>} : memref<32x128xf32, #tpu.memory_space<vmem>>, vector<1x16xf32>,
      %lt3A = arith.constant 15 : i32
      %lt3A_275 = arith.cmpi slt, %scan3A_76, %lt3A : i32
      %convert_element_type3A = arith.extui %lt3A_275 : i1 to i32
      %cond3A = arith.constant 0 : i32
      %cond3A_276 = arith.cmpi ne, %convert_element_type3A, %cond3A : i32
      scf.if %cond3A_276 {
        %add3A_408 = arith.constant 2 : i32
        %add3A_409 = arith.addi %mul3A_78, %add3A_408 : i32
        %add3A_410 = arith.addi %mul3A_2, %add3A_409 : i32
        "tpu.region"() ({
          %run_scoped3A = tpu.sem_alloc : memref<!tpu.dma_semaphore, #tpu.memory_space<semaphore_mem>>
          %dma_start3A_478 = arith.constant 0 : i32
          %dma_start3A_479 = tpu.memref_slice %arg5[%add3A_410, %dma_start3A_478] : memref<1024x856xi32, #tpu.memory_space<hbm>> -> memref<1x856xi32, #tpu.memory_space<hbm>>
          %dma_start3A_480 = tpu.memref_squeeze %dma_start3A_479 : memref<1x856xi32, #tpu.memory_space<hbm>> -> memref<856xi32, #tpu.memory_space<hbm>>
          %dma_start3A_481 = arith.constant 0 : i32
          %dma_start3A_482 = tpu.memref_slice %arg5[%add3A_410, %dma_start3A_481] : memref<1024x856xi32, #tpu.memory_space<hbm>> -> memref<1x856xi32, #tpu.memory_space<hbm>>
          %dma_start3A_483 = tpu.memref_squeeze %dma_start3A_482 : memref<1x856xi32, #tpu.memory_space<hbm>> -> memref<856xi32, #tpu.memory_space<hbm>>
          tpu.enqueue_dma source(%dma_start3A_483 : memref<856xi32, #tpu.memory_space<hbm>>) target(%arg7 : memref<856xi32, #tpu.memory_space<vmem>>) target_semaphore(%run_scoped3A : memref<!tpu.dma_semaphore, #tpu.memory_space<semaphore_mem>>)
          %dma_wait3A_484 = arith.constant 0 : i32
          %dma_wait3A_485 = tpu.memref_slice %arg5[%add3A_410, %dma_wait3A_484] : memref<1024x856xi32, #tpu.memory_space<hbm>> -> memref<1x856xi32, #tpu.memory_space<hbm>>
          %dma_wait3A_486 = tpu.memref_squeeze %dma_wait3A_485 : memref<1x856xi32, #tpu.memory_space<hbm>> -> memref<856xi32, #tpu.memory_space<hbm>>
          %dma_wait3A_487 = arith.constant 0 : i32
          %dma_wait3A_488 = tpu.memref_slice %arg5[%add3A_410, %dma_wait3A_487] : memref<1024x856xi32, #tpu.memory_space<hbm>> -> memref<1x856xi32, #tpu.memory_space<hbm>>
          %dma_wait3A_489 = tpu.memref_squeeze %dma_wait3A_488 : memref<1x856xi32, #tpu.memory_space<hbm>> -> memref<856xi32, #tpu.memory_space<hbm>>
          tpu.wait_dma2 semaphore(%run_scoped3A : memref<!tpu.dma_semaphore, #tpu.memory_space<semaphore_mem>>) src(%dma_wait3A_489 : memref<856xi32, #tpu.memory_space<hbm>>) dst(%arg7 : memref<856xi32, #tpu.memory_space<vmem>>)
          tpu.yield
        }) : () -> ()
        %dma_start3A_411 = arith.constant 0 : i32
        %dma_start3A_412 = arith.constant 0 : i32
        %dma_start3A_413 = tpu.memref_slice %arg9[%dma_start3A_411, %dma_start3A_412] : memref<400x128xf32, #tpu.memory_space<vmem>> -> memref<128x128xf32, #tpu.memory_space<vmem>>
        %dma_start3A_414 = arith.constant 0 : i32
        %dma_start3A_415 = tpu.memref_slice %arg7[%dma_start3A_414] : memref<856xi32, #tpu.memory_space<vmem>> -> memref<128xi32, #tpu.memory_space<vmem>>
        %dma_start3A_416 = arith.constant 0 : i32
        %dma_start3A_417 = arith.constant 0 : i32
        %dma_start3A_418 = tpu.memref_slice %arg2[%dma_start3A_416, %dma_start3A_417] : memref<5000x128xf32, #tpu.memory_space<hbm>> -> memref<5000x128xf32, #tpu.memory_space<hbm>>
        tpu.enqueue_indirect_dma source(%dma_start3A_418 : memref<5000x128xf32, #tpu.memory_space<hbm>>) target(%dma_start3A_413 : memref<128x128xf32, #tpu.memory_space<vmem>>) offsets(%dma_start3A_415 : memref<128xi32, #tpu.memory_space<vmem>>) semaphore(%arg18 : memref<!tpu.dma_semaphore, #tpu.memory_space<semaphore_mem>>)
        %dma_start3A_419 = arith.constant 0 : i32
        %dma_start3A_420 = tpu.memref_slice %arg11[%dma_start3A_419] : memref<416xf32, #tpu.memory_space<vmem>> -> memref<128xf32, #tpu.memory_space<vmem>>
        %dma_start3A_421 = arith.constant 400 : i32
        %dma_start3A_422 = tpu.memref_slice %arg7[%dma_start3A_421] : memref<856xi32, #tpu.memory_space<vmem>> -> memref<128xi32, #tpu.memory_space<vmem>>
        %dma_start3A_423 = arith.constant 0 : i32
        %dma_start3A_424 = tpu.memref_slice %arg3[%dma_start3A_423] : memref<24990002xf32, #tpu.memory_space<hbm>> -> memref<24990002xf32, #tpu.memory_space<hbm>>
        tpu.enqueue_indirect_dma source(%dma_start3A_424 : memref<24990002xf32, #tpu.memory_space<hbm>>) target(%dma_start3A_420 : memref<128xf32, #tpu.memory_space<vmem>>) offsets(%dma_start3A_422 : memref<128xi32, #tpu.memory_space<vmem>>) semaphore(%arg18 : memref<!tpu.dma_semaphore, #tpu.memory_space<semaphore_mem>>)
        %dma_start3A_425 = arith.constant 128 : i32
        %dma_start3A_426 = arith.constant 0 : i32
        %dma_start3A_427 = tpu.memref_slice %arg9[%dma_start3A_425, %dma_start3A_426] : memref<400x128xf32, #tpu.memory_space<vmem>> -> memref<128x128xf32, #tpu.memory_space<vmem>>
        %dma_start3A_428 = arith.constant 128 : i32
        %dma_start3A_429 = tpu.memref_slice %arg7[%dma_start3A_428] : memref<856xi32, #tpu.memory_space<vmem>> -> memref<128xi32, #tpu.memory_space<vmem>>
        %dma_start3A_430 = arith.constant 0 : i32
        %dma_start3A_431 = arith.constant 0 : i32
        %dma_start3A_432 = tpu.memref_slice %arg2[%dma_start3A_430, %dma_start3A_431] : memref<5000x128xf32, #tpu.memory_space<hbm>> -> memref<5000x128xf32, #tpu.memory_space<hbm>>
        tpu.enqueue_indirect_dma source(%dma_start3A_432 : memref<5000x128xf32, #tpu.memory_space<hbm>>) target(%dma_start3A_427 : memref<128x128xf32, #tpu.memory_space<vmem>>) offsets(%dma_start3A_429 : memref<128xi32, #tpu.memory_space<vmem>>) semaphore(%arg18 : memref<!tpu.dma_semaphore, #tpu.memory_space<semaphore_mem>>)
        %dma_start3A_433 = arith.constant 128 : i32
        %dma_start3A_434 = tpu.memref_slice %arg11[%dma_start3A_433] : memref<416xf32, #tpu.memory_space<vmem>> -> memref<128xf32, #tpu.memory_space<vmem>>
        %dma_start3A_435 = arith.constant 528 : i32
        %dma_start3A_436 = tpu.memref_slice %arg7[%dma_start3A_435] : memref<856xi32, #tpu.memory_space<vmem>> -> memref<128xi32, #tpu.memory_space<vmem>>
        %dma_start3A_437 = arith.constant 0 : i32
        %dma_start3A_438 = tpu.memref_slice %arg3[%dma_start3A_437] : memref<24990002xf32, #tpu.memory_space<hbm>> -> memref<24990002xf32, #tpu.memory_space<hbm>>
        tpu.enqueue_indirect_dma source(%dma_start3A_438 : memref<24990002xf32, #tpu.memory_space<hbm>>) target(%dma_start3A_434 : memref<128xf32, #tpu.memory_space<vmem>>) offsets(%dma_start3A_436 : memref<128xi32, #tpu.memory_space<vmem>>) semaphore(%arg18 : memref<!tpu.dma_semaphore, #tpu.memory_space<semaphore_mem>>)
        %dma_start3A_439 = arith.constant 256 : i32
        %dma_start3A_440 = arith.constant 0 : i32
        %dma_start3A_441 = tpu.memref_slice %arg9[%dma_start3A_439, %dma_start3A_440] : memref<400x128xf32, #tpu.memory_space<vmem>> -> memref<128x128xf32, #tpu.memory_space<vmem>>
        %dma_start3A_442 = arith.constant 256 : i32
        %dma_start3A_443 = tpu.memref_slice %arg7[%dma_start3A_442] : memref<856xi32, #tpu.memory_space<vmem>> -> memref<128xi32, #tpu.memory_space<vmem>>
        %dma_start3A_444 = arith.constant 0 : i32
        %dma_start3A_445 = arith.constant 0 : i32
        %dma_start3A_446 = tpu.memref_slice %arg2[%dma_start3A_444, %dma_start3A_445] : memref<5000x128xf32, #tpu.memory_space<hbm>> -> memref<5000x128xf32, #tpu.memory_space<hbm>>
        tpu.enqueue_indirect_dma source(%dma_start3A_446 : memref<5000x128xf32, #tpu.memory_space<hbm>>) target(%dma_start3A_441 : memref<128x128xf32, #tpu.memory_space<vmem>>) offsets(%dma_start3A_443 : memref<128xi32, #tpu.memory_space<vmem>>) semaphore(%arg18 : memref<!tpu.dma_semaphore, #tpu.memory_space<semaphore_mem>>)
        %dma_start3A_447 = arith.constant 256 : i32
        %dma_start3A_448 = tpu.memref_slice %arg11[%dma_start3A_447] : memref<416xf32, #tpu.memory_space<vmem>> -> memref<128xf32, #tpu.memory_space<vmem>>
        %dma_start3A_449 = arith.constant 656 : i32
        %dma_start3A_450 = tpu.memref_slice %arg7[%dma_start3A_449] : memref<856xi32, #tpu.memory_space<vmem>> -> memref<128xi32, #tpu.memory_space<vmem>>
        %dma_start3A_451 = arith.constant 0 : i32
        %dma_start3A_452 = tpu.memref_slice %arg3[%dma_start3A_451] : memref<24990002xf32, #tpu.memory_space<hbm>> -> memref<24990002xf32, #tpu.memory_space<hbm>>
        tpu.enqueue_indirect_dma source(%dma_start3A_452 : memref<24990002xf32, #tpu.memory_space<hbm>>) target(%dma_start3A_448 : memref<128xf32, #tpu.memory_space<vmem>>) offsets(%dma_start3A_450 : memref<128xi32, #tpu.memory_space<vmem>>) semaphore(%arg18 : memref<!tpu.dma_semaphore, #tpu.memory_space<semaphore_mem>>)
        %dma_start3A_453 = arith.constant 384 : i32
        %dma_start3A_454 = arith.constant 0 : i32
        %dma_start3A_455 = tpu.memref_slice %arg9[%dma_start3A_453, %dma_start3A_454] : memref<400x128xf32, #tpu.memory_space<vmem>> -> memref<16x128xf32, #tpu.memory_space<vmem>>
        %dma_start3A_456 = arith.constant 384 : i32
        %dma_start3A_457 = tpu.memref_slice %arg7[%dma_start3A_456] : memref<856xi32, #tpu.memory_space<vmem>> -> memref<16xi32, #tpu.memory_space<vmem>>
        %dma_start3A_458 = arith.constant 0 : i32
        %dma_start3A_459 = arith.constant 0 : i32
        %dma_start3A_460 = tpu.memref_slice %arg2[%dma_start3A_458, %dma_start3A_459] : memref<5000x128xf32, #tpu.memory_space<hbm>> -> memref<5000x128xf32, #tpu.memory_space<hbm>>
        tpu.enqueue_indirect_dma source(%dma_start3A_460 : memref<5000x128xf32, #tpu.memory_space<hbm>>) target(%dma_start3A_455 : memref<16x128xf32, #tpu.memory_space<vmem>>) offsets(%dma_start3A_457 : memref<16xi32, #tpu.memory_space<vmem>>) semaphore(%arg18 : memref<!tpu.dma_semaphore, #tpu.memory_space<semaphore_mem>>)
        %dma_start3A_461 = arith.constant 384 : i32
        %dma_start3A_462 = tpu.memref_slice %arg11[%dma_start3A_461] : memref<416xf32, #tpu.memory_space<vmem>> -> memref<16xf32, #tpu.memory_space<vmem>>
        %dma_start3A_463 = arith.constant 784 : i32
        %dma_start3A_464 = tpu.memref_slice %arg7[%dma_start3A_463] : memref<856xi32, #tpu.memory_space<vmem>> -> memref<16xi32, #tpu.memory_space<vmem>>
        %dma_start3A_465 = arith.constant 0 : i32
        %dma_start3A_466 = tpu.memref_slice %arg3[%dma_start3A_465] : memref<24990002xf32, #tpu.memory_space<hbm>> -> memref<24990002xf32, #tpu.memory_space<hbm>>
        tpu.enqueue_indirect_dma source(%dma_start3A_466 : memref<24990002xf32, #tpu.memory_space<hbm>>) target(%dma_start3A_462 : memref<16xf32, #tpu.memory_space<vmem>>) offsets(%dma_start3A_464 : memref<16xi32, #tpu.memory_space<vmem>>) semaphore(%arg18 : memref<!tpu.dma_semaphore, #tpu.memory_space<semaphore_mem>>)
        %dma_start3A_467 = arith.constant 800 : i32
        %dma_start3A_468 = tpu.memref_slice %arg7[%dma_start3A_467] : memref<856xi32, #tpu.memory_space<vmem>> -> memref<56xi32, #tpu.memory_space<vmem>>
        %dma_start3A_469 = arith.constant 0 : i32
        %dma_start3A_470 = arith.constant 0 : i32
        %dma_start3A_471 = tpu.memref_slice %arg2[%dma_start3A_469, %dma_start3A_470] : memref<5000x128xf32, #tpu.memory_space<hbm>> -> memref<5000x128xf32, #tpu.memory_space<hbm>>
        tpu.enqueue_indirect_dma source(%dma_start3A_471 : memref<5000x128xf32, #tpu.memory_space<hbm>>) target(%arg13 : memref<56x128xf32, #tpu.memory_space<vmem>>) offsets(%dma_start3A_468 : memref<56xi32, #tpu.memory_space<vmem>>) semaphore(%arg18 : memref<!tpu.dma_semaphore, #tpu.memory_space<semaphore_mem>>)
        %dma_start3A_472 = arith.constant 0 : i32
        %dma_start3A_473 = tpu.memref_slice %arg15[%dma_start3A_472] : memref<72xf32, #tpu.memory_space<vmem>> -> memref<56xf32, #tpu.memory_space<vmem>>
        %dma_start3A_474 = arith.constant 800 : i32
        %dma_start3A_475 = tpu.memref_slice %arg7[%dma_start3A_474] : memref<856xi32, #tpu.memory_space<vmem>> -> memref<56xi32, #tpu.memory_space<vmem>>
        %dma_start3A_476 = arith.constant 0 : i32
        %dma_start3A_477 = tpu.memref_slice %arg4[%dma_start3A_476] : memref<5000xf32, #tpu.memory_space<hbm>> -> memref<5000xf32, #tpu.memory_space<hbm>>
        tpu.enqueue_indirect_dma source(%dma_start3A_477 : memref<5000xf32, #tpu.memory_space<hbm>>) target(%dma_start3A_473 : memref<56xf32, #tpu.memory_space<vmem>>) offsets(%dma_start3A_475 : memref<56xi32, #tpu.memory_space<vmem>>) semaphore(%arg18 : memref<!tpu.dma_semaphore, #tpu.memory_space<semaphore_mem>>)
      } else {
      }
      %add3A_277 = arith.constant 1 : i32
      %add3A_278 = arith.addi %mul3A_78, %add3A_277 : i32
      %dma_wait3A_279 = arith.constant 0 : i32
      %dma_wait3A_280 = arith.constant 0 : i32
      %dma_wait3A_281 = tpu.memref_slice %arg10[%dma_wait3A_279, %dma_wait3A_280] : memref<400x128xf32, #tpu.memory_space<vmem>> -> memref<128x128xf32, #tpu.memory_space<vmem>>
      %dma_wait3A_282 = arith.constant 0 : i32
      %dma_wait3A_283 = tpu.memref_slice %arg8[%dma_wait3A_282] : memref<856xi32, #tpu.memory_space<vmem>> -> memref<128xi32, #tpu.memory_space<vmem>>
      %dma_wait3A_284 = arith.constant 0 : i32
      %dma_wait3A_285 = arith.constant 0 : i32
      %dma_wait3A_286 = tpu.memref_slice %arg2[%dma_wait3A_284, %dma_wait3A_285] : memref<5000x128xf32, #tpu.memory_space<hbm>> -> memref<5000x128xf32, #tpu.memory_space<hbm>>
      tpu.wait_indirect_dma semaphore(%arg19 : memref<!tpu.dma_semaphore, #tpu.memory_space<semaphore_mem>>) src(%dma_wait3A_286 : memref<5000x128xf32, #tpu.memory_space<hbm>>) dst(%dma_wait3A_281 : memref<128x128xf32, #tpu.memory_space<vmem>>)
      %dma_wait3A_287 = arith.constant 0 : i32
      %dma_wait3A_288 = tpu.memref_slice %arg12[%dma_wait3A_287] : memref<416xf32, #tpu.memory_space<vmem>> -> memref<128xf32, #tpu.memory_space<vmem>>
      %dma_wait3A_289 = arith.constant 400 : i32
      %dma_wait3A_290 = tpu.memref_slice %arg8[%dma_wait3A_289] : memref<856xi32, #tpu.memory_space<vmem>> -> memref<128xi32, #tpu.memory_space<vmem>>
      %dma_wait3A_291 = arith.constant 0 : i32
      %dma_wait3A_292 = tpu.memref_slice %arg3[%dma_wait3A_291] : memref<24990002xf32, #tpu.memory_space<hbm>> -> memref<24990002xf32, #tpu.memory_space<hbm>>
      tpu.wait_indirect_dma semaphore(%arg19 : memref<!tpu.dma_semaphore, #tpu.memory_space<semaphore_mem>>) src(%dma_wait3A_292 : memref<24990002xf32, #tpu.memory_space<hbm>>) dst(%dma_wait3A_288 : memref<128xf32, #tpu.memory_space<vmem>>)
      %dma_wait3A_293 = arith.constant 128 : i32
      %dma_wait3A_294 = arith.constant 0 : i32
      %dma_wait3A_295 = tpu.memref_slice %arg10[%dma_wait3A_293, %dma_wait3A_294] : memref<400x128xf32, #tpu.memory_space<vmem>> -> memref<128x128xf32, #tpu.memory_space<vmem>>
      %dma_wait3A_296 = arith.constant 128 : i32
      %dma_wait3A_297 = tpu.memref_slice %arg8[%dma_wait3A_296] : memref<856xi32, #tpu.memory_space<vmem>> -> memref<128xi32, #tpu.memory_space<vmem>>
      %dma_wait3A_298 = arith.constant 0 : i32
      %dma_wait3A_299 = arith.constant 0 : i32
      %dma_wait3A_300 = tpu.memref_slice %arg2[%dma_wait3A_298, %dma_wait3A_299] : memref<5000x128xf32, #tpu.memory_space<hbm>> -> memref<5000x128xf32, #tpu.memory_space<hbm>>
      tpu.wait_indirect_dma semaphore(%arg19 : memref<!tpu.dma_semaphore, #tpu.memory_space<semaphore_mem>>) src(%dma_wait3A_300 : memref<5000x128xf32, #tpu.memory_space<hbm>>) dst(%dma_wait3A_295 : memref<128x128xf32, #tpu.memory_space<vmem>>)
      %dma_wait3A_301 = arith.constant 128 : i32
      %dma_wait3A_302 = tpu.memref_slice %arg12[%dma_wait3A_301] : memref<416xf32, #tpu.memory_space<vmem>> -> memref<128xf32, #tpu.memory_space<vmem>>
      %dma_wait3A_303 = arith.constant 528 : i32
      %dma_wait3A_304 = tpu.memref_slice %arg8[%dma_wait3A_303] : memref<856xi32, #tpu.memory_space<vmem>> -> memref<128xi32, #tpu.memory_space<vmem>>
      %dma_wait3A_305 = arith.constant 0 : i32
      %dma_wait3A_306 = tpu.memref_slice %arg3[%dma_wait3A_305] : memref<24990002xf32, #tpu.memory_space<hbm>> -> memref<24990002xf32, #tpu.memory_space<hbm>>
      tpu.wait_indirect_dma semaphore(%arg19 : memref<!tpu.dma_semaphore, #tpu.memory_space<semaphore_mem>>) src(%dma_wait3A_306 : memref<24990002xf32, #tpu.memory_space<hbm>>) dst(%dma_wait3A_302 : memref<128xf32, #tpu.memory_space<vmem>>)
      %dma_wait3A_307 = arith.constant 256 : i32
      %dma_wait3A_308 = arith.constant 0 : i32
      %dma_wait3A_309 = tpu.memref_slice %arg10[%dma_wait3A_307, %dma_wait3A_308] : memref<400x128xf32, #tpu.memory_space<vmem>> -> memref<128x128xf32, #tpu.memory_space<vmem>>
      %dma_wait3A_310 = arith.constant 256 : i32
      %dma_wait3A_311 = tpu.memref_slice %arg8[%dma_wait3A_310] : memref<856xi32, #tpu.memory_space<vmem>> -> memref<128xi32, #tpu.memory_space<vmem>>
      %dma_wait3A_312 = arith.constant 0 : i32
      %dma_wait3A_313 = arith.constant 0 : i32
      %dma_wait3A_314 = tpu.memref_slice %arg2[%dma_wait3A_312, %dma_wait3A_313] : memref<5000x128xf32, #tpu.memory_space<hbm>> -> memref<5000x128xf32, #tpu.memory_space<hbm>>
      tpu.wait_indirect_dma semaphore(%arg19 : memref<!tpu.dma_semaphore, #tpu.memory_space<semaphore_mem>>) src(%dma_wait3A_314 : memref<5000x128xf32, #tpu.memory_space<hbm>>) dst(%dma_wait3A_309 : memref<128x128xf32, #tpu.memory_space<vmem>>)
      %dma_wait3A_315 = arith.constant 256 : i32
      %dma_wait3A_316 = tpu.memref_slice %arg12[%dma_wait3A_315] : memref<416xf32, #tpu.memory_space<vmem>> -> memref<128xf32, #tpu.memory_space<vmem>>
      %dma_wait3A_317 = arith.constant 656 : i32
      %dma_wait3A_318 = tpu.memref_slice %arg8[%dma_wait3A_317] : memref<856xi32, #tpu.memory_space<vmem>> -> memref<128xi32, #tpu.memory_space<vmem>>
      %dma_wait3A_319 = arith.constant 0 : i32
      %dma_wait3A_320 = tpu.memref_slice %arg3[%dma_wait3A_319] : memref<24990002xf32, #tpu.memory_space<hbm>> -> memref<24990002xf32, #tpu.memory_space<hbm>>
      tpu.wait_indirect_dma semaphore(%arg19 : memref<!tpu.dma_semaphore, #tpu.memory_space<semaphore_mem>>) src(%dma_wait3A_320 : memref<24990002xf32, #tpu.memory_space<hbm>>) dst(%dma_wait3A_316 : memref<128xf32, #tpu.memory_space<vmem>>)
      %dma_wait3A_321 = arith.constant 384 : i32
      %dma_wait3A_322 = arith.constant 0 : i32
      %dma_wait3A_323 = tpu.memref_slice %arg10[%dma_wait3A_321, %dma_wait3A_322] : memref<400x128xf32, #tpu.memory_space<vmem>> -> memref<16x128xf32, #tpu.memory_space<vmem>>
      %dma_wait3A_324 = arith.constant 384 : i32
      %dma_wait3A_325 = tpu.memref_slice %arg8[%dma_wait3A_324] : memref<856xi32, #tpu.memory_space<vmem>> -> memref<16xi32, #tpu.memory_space<vmem>>
      %dma_wait3A_326 = arith.constant 0 : i32
      %dma_wait3A_327 = arith.constant 0 : i32
      %dma_wait3A_328 = tpu.memref_slice %arg2[%dma_wait3A_326, %dma_wait3A_327] : memref<5000x128xf32, #tpu.memory_space<hbm>> -> memref<5000x128xf32, #tpu.memory_space<hbm>>
      tpu.wait_indirect_dma semaphore(%arg19 : memref<!tpu.dma_semaphore, #tpu.memory_space<semaphore_mem>>) src(%dma_wait3A_328 : memref<5000x128xf32, #tpu.memory_space<hbm>>) dst(%dma_wait3A_323 : memref<16x128xf32, #tpu.memory_space<vmem>>)
      %dma_wait3A_329 = arith.constant 384 : i32
      %dma_wait3A_330 = tpu.memref_slice %arg12[%dma_wait3A_329] : memref<416xf32, #tpu.memory_space<vmem>> -> memref<16xf32, #tpu.memory_space<vmem>>
      %dma_wait3A_331 = arith.constant 784 : i32
      %dma_wait3A_332 = tpu.memref_slice %arg8[%dma_wait3A_331] : memref<856xi32, #tpu.memory_space<vmem>> -> memref<16xi32, #tpu.memory_space<vmem>>
      %dma_wait3A_333 = arith.constant 0 : i32
      %dma_wait3A_334 = tpu.memref_slice %arg3[%dma_wait3A_333] : memref<24990002xf32, #tpu.memory_space<hbm>> -> memref<24990002xf32, #tpu.memory_space<hbm>>
      tpu.wait_indirect_dma semaphore(%arg19 : memref<!tpu.dma_semaphore, #tpu.memory_space<semaphore_mem>>) src(%dma_wait3A_334 : memref<24990002xf32, #tpu.memory_space<hbm>>) dst(%dma_wait3A_330 : memref<16xf32, #tpu.memory_space<vmem>>)
      %dma_wait3A_335 = arith.constant 800 : i32
      %dma_wait3A_336 = tpu.memref_slice %arg8[%dma_wait3A_335] : memref<856xi32, #tpu.memory_space<vmem>> -> memref<56xi32, #tpu.memory_space<vmem>>
      %dma_wait3A_337 = arith.constant 0 : i32
      %dma_wait3A_338 = arith.constant 0 : i32
      %dma_wait3A_339 = tpu.memref_slice %arg2[%dma_wait3A_337, %dma_wait3A_338] : memref<5000x128xf32, #tpu.memory_space<hbm>> -> memref<5000x128xf32, #tpu.memory_space<hbm>>
      tpu.wait_indirect_dma semaphore(%arg19 : memref<!tpu.dma_semaphore, #tpu.memory_space<semaphore_mem>>) src(%dma_wait3A_339 : memref<5000x128xf32, #tpu.memory_space<hbm>>) dst(%arg14 : memref<56x128xf32, #tpu.memory_space<vmem>>)
      %dma_wait3A_340 = arith.constant 0 : i32
      %dma_wait3A_341 = tpu.memref_slice %arg16[%dma_wait3A_340] : memref<72xf32, #tpu.memory_space<vmem>> -> memref<56xf32, #tpu.memory_space<vmem>>
      %dma_wait3A_342 = arith.constant 800 : i32
      %dma_wait3A_343 = tpu.memref_slice %arg8[%dma_wait3A_342] : memref<856xi32, #tpu.memory_space<vmem>> -> memref<56xi32, #tpu.memory_space<vmem>>
      %dma_wait3A_344 = arith.constant 0 : i32
      %dma_wait3A_345 = tpu.memref_slice %arg4[%dma_wait3A_344] : memref<5000xf32, #tpu.memory_space<hbm>> -> memref<5000xf32, #tpu.memory_space<hbm>>
      tpu.wait_indirect_dma semaphore(%arg19 : memref<!tpu.dma_semaphore, #tpu.memory_space<semaphore_mem>>) src(%dma_wait3A_345 : memref<5000xf32, #tpu.memory_space<hbm>>) dst(%dma_wait3A_341 : memref<56xf32, #tpu.memory_space<vmem>>)
      %broadcast_in_dim3A_346 = arith.constant 0.000000e+00 : f32
      %broadcast_in_dim3A_347 = vector.broadcast %broadcast_in_dim3A_346 : f32 to vector<16xf32>
      %broadcast_in_dim3A_348 = arith.constant 0.000000e+00 : f32
      %broadcast_in_dim3A_349 = vector.broadcast %broadcast_in_dim3A_348 : f32 to vector<16xf32>
      %broadcast_in_dim3A_350 = arith.constant 0.000000e+00 : f32
      %broadcast_in_dim3A_351 = vector.broadcast %broadcast_in_dim3A_350 : f32 to vector<16xf32>
      %broadcast_in_dim3A_352 = arith.constant 0.000000e+00 : f32
      %broadcast_in_dim3A_353 = vector.broadcast %broadcast_in_dim3A_352 : f32 to vector<16xf32>
      %broadcast_in_dim3A_354 = arith.constant 0.000000e+00 : f32
      %broadcast_in_dim3A_355 = vector.broadcast %broadcast_in_dim3A_354 : f32 to vector<16xf32>
      %broadcast_in_dim3A_356 = arith.constant 0.000000e+00 : f32
      %broadcast_in_dim3A_357 = vector.broadcast %broadcast_in_dim3A_356 : f32 to vector<16xf32>
      %broadcast_in_dim3A_358 = arith.constant 0.000000e+00 : f32
      %broadcast_in_dim3A_359 = vector.broadcast %broadcast_in_dim3A_358 : f32 to vector<16xf32>
      %broadcast_in_dim3A_360 = arith.constant 0.000000e+00 : f32
      %broadcast_in_dim3A_361 = vector.broadcast %broadcast_in_dim3A_360 : f32 to vector<16xf32>
      %scan3A_362 = arith.constant 0 : i32
      %scan3A_363 = arith.constant 50 : i32
      %scan3A_364 = arith.addi %scan3A_362, %scan3A_363 : i32
      %scan3A_365 = arith.constant 1 : i32
      %scan3A_366:8 = scf.for %scan3A_408 = %scan3A_362 to %scan3A_364 step %scan3A_365 iter_args(%scan3A_409 = %broadcast_in_dim3A_347, %scan3A_410 = %broadcast_in_dim3A_349, %scan3A_411 = %broadcast_in_dim3A_351, %scan3A_412 = %broadcast_in_dim3A_353, %scan3A_413 = %broadcast_in_dim3A_355, %scan3A_414 = %broadcast_in_dim3A_357, %scan3A_415 = %broadcast_in_dim3A_359, %scan3A_416 = %broadcast_in_dim3A_361) -> (vector<16xf32>, vector<16xf32>, vector<16xf32>, vector<16xf32>, vector<16xf32>, vector<16xf32>, vector<16xf32>, vector<16xf32>)  : i32 {
        %mul3A_417 = arith.constant 8 : i32
        %mul3A_418 = arith.muli %scan3A_408, %mul3A_417 : i32
        %get3A = arith.index_cast %mul3A_418 : i32 to index
        %get3A_419 = tpu.vector_load %arg12[%get3A] {strides = array<i32>} : memref<416xf32, #tpu.memory_space<vmem>>, vector<16xf32>,
        %get3A_420 = vector.shape_cast %get3A_419 : vector<16xf32> to vector<16xf32>
        %slice3A = vector.extract_strided_slice %get3A_420 {offsets = [0], sizes = [1], strides = [1]} : vector<16xf32> to vector<1xf32>
        %squeeze3A = vector.extract %slice3A[0] : f32 from vector<1xf32>
        %broadcast_in_dim3A_421 = vector.broadcast %squeeze3A : f32 to vector<16xf32>
        %add3A_422 = arith.constant 0 : i32
        %add3A_423 = arith.addi %mul3A_418, %add3A_422 : i32
        %get3A_424 = arith.index_cast %add3A_423 : i32 to index
        %get3A_425 = arith.constant 0 : index
        %get3A_426 = tpu.vector_load %arg10[%get3A_424, %get3A_425] {strides = array<i32>} : memref<400x128xf32, #tpu.memory_space<vmem>>, vector<1x16xf32>,
        %get3A_427 = vector.shape_cast %get3A_426 : vector<1x16xf32> to vector<16xf32>
        %mul3A_428 = arith.mulf %get3A_427, %broadcast_in_dim3A_421 : vector<16xf32>
        %add3A_429 = arith.constant 0 : i32
        %add3A_430 = arith.addi %mul3A_418, %add3A_429 : i32
        %get3A_431 = arith.index_cast %add3A_430 : i32 to index
        %get3A_432 = arith.constant 16 : index
        %get3A_433 = tpu.vector_load %arg10[%get3A_431, %get3A_432] {strides = array<i32>} : memref<400x128xf32, #tpu.memory_space<vmem>>, vector<1x16xf32>,
        %get3A_434 = vector.shape_cast %get3A_433 : vector<1x16xf32> to vector<16xf32>
        %mul3A_435 = arith.mulf %get3A_434, %broadcast_in_dim3A_421 : vector<16xf32>
        %add3A_436 = arith.constant 0 : i32
        %add3A_437 = arith.addi %mul3A_418, %add3A_436 : i32
        %get3A_438 = arith.index_cast %add3A_437 : i32 to index
        %get3A_439 = arith.constant 32 : index
        %get3A_440 = tpu.vector_load %arg10[%get3A_438, %get3A_439] {strides = array<i32>} : memref<400x128xf32, #tpu.memory_space<vmem>>, vector<1x16xf32>,
        %get3A_441 = vector.shape_cast %get3A_440 : vector<1x16xf32> to vector<16xf32>
        %mul3A_442 = arith.mulf %get3A_441, %broadcast_in_dim3A_421 : vector<16xf32>
        %add3A_443 = arith.constant 0 : i32
        %add3A_444 = arith.addi %mul3A_418, %add3A_443 : i32
        %get3A_445 = arith.index_cast %add3A_444 : i32 to index
        %get3A_446 = arith.constant 48 : index
        %get3A_447 = tpu.vector_load %arg10[%get3A_445, %get3A_446] {strides = array<i32>} : memref<400x128xf32, #tpu.memory_space<vmem>>, vector<1x16xf32>,
        %get3A_448 = vector.shape_cast %get3A_447 : vector<1x16xf32> to vector<16xf32>
        %mul3A_449 = arith.mulf %get3A_448, %broadcast_in_dim3A_421 : vector<16xf32>
        %add3A_450 = arith.constant 0 : i32
        %add3A_451 = arith.addi %mul3A_418, %add3A_450 : i32
        %get3A_452 = arith.index_cast %add3A_451 : i32 to index
        %get3A_453 = arith.constant 64 : index
        %get3A_454 = tpu.vector_load %arg10[%get3A_452, %get3A_453] {strides = array<i32>} : memref<400x128xf32, #tpu.memory_space<vmem>>, vector<1x16xf32>,
        %get3A_455 = vector.shape_cast %get3A_454 : vector<1x16xf32> to vector<16xf32>
        %mul3A_456 = arith.mulf %get3A_455, %broadcast_in_dim3A_421 : vector<16xf32>
        %add3A_457 = arith.constant 0 : i32
        %add3A_458 = arith.addi %mul3A_418, %add3A_457 : i32
        %get3A_459 = arith.index_cast %add3A_458 : i32 to index
        %get3A_460 = arith.constant 80 : index
        %get3A_461 = tpu.vector_load %arg10[%get3A_459, %get3A_460] {strides = array<i32>} : memref<400x128xf32, #tpu.memory_space<vmem>>, vector<1x16xf32>,
        %get3A_462 = vector.shape_cast %get3A_461 : vector<1x16xf32> to vector<16xf32>
        %mul3A_463 = arith.mulf %get3A_462, %broadcast_in_dim3A_421 : vector<16xf32>
        %add3A_464 = arith.constant 0 : i32
        %add3A_465 = arith.addi %mul3A_418, %add3A_464 : i32
        %get3A_466 = arith.index_cast %add3A_465 : i32 to index
        %get3A_467 = arith.constant 96 : index
        %get3A_468 = tpu.vector_load %arg10[%get3A_466, %get3A_467] {strides = array<i32>} : memref<400x128xf32, #tpu.memory_space<vmem>>, vector<1x16xf32>,
        %get3A_469 = vector.shape_cast %get3A_468 : vector<1x16xf32> to vector<16xf32>
        %mul3A_470 = arith.mulf %get3A_469, %broadcast_in_dim3A_421 : vector<16xf32>
        %add3A_471 = arith.constant 0 : i32
        %add3A_472 = arith.addi %mul3A_418, %add3A_471 : i32
        %get3A_473 = arith.index_cast %add3A_472 : i32 to index
        %get3A_474 = arith.constant 112 : index
        %get3A_475 = tpu.vector_load %arg10[%get3A_473, %get3A_474] {strides = array<i32>} : memref<400x128xf32, #tpu.memory_space<vmem>>, vector<1x16xf32>,
        %get3A_476 = vector.shape_cast %get3A_475 : vector<1x16xf32> to vector<16xf32>
        %mul3A_477 = arith.mulf %get3A_476, %broadcast_in_dim3A_421 : vector<16xf32>
        %slice3A_478 = vector.extract_strided_slice %get3A_420 {offsets = [1], sizes = [1], strides = [1]} : vector<16xf32> to vector<1xf32>
        %squeeze3A_479 = vector.extract %slice3A_478[0] : f32 from vector<1xf32>
        %broadcast_in_dim3A_480 = vector.broadcast %squeeze3A_479 : f32 to vector<16xf32>
        %add3A_481 = arith.constant 1 : i32
        %add3A_482 = arith.addi %mul3A_418, %add3A_481 : i32
        %get3A_483 = arith.index_cast %add3A_482 : i32 to index
        %get3A_484 = arith.constant 0 : index
        %get3A_485 = tpu.vector_load %arg10[%get3A_483, %get3A_484] {strides = array<i32>} : memref<400x128xf32, #tpu.memory_space<vmem>>, vector<1x16xf32>,
        %get3A_486 = vector.shape_cast %get3A_485 : vector<1x16xf32> to vector<16xf32>
        %mul3A_487 = arith.mulf %get3A_486, %broadcast_in_dim3A_480 : vector<16xf32>
        %max3A = arith.maximumf %mul3A_428, %mul3A_487 : vector<16xf32>
        %add3A_488 = arith.constant 1 : i32
        %add3A_489 = arith.addi %mul3A_418, %add3A_488 : i32
        %get3A_490 = arith.index_cast %add3A_489 : i32 to index
        %get3A_491 = arith.constant 16 : index
        %get3A_492 = tpu.vector_load %arg10[%get3A_490, %get3A_491] {strides = array<i32>} : memref<400x128xf32, #tpu.memory_space<vmem>>, vector<1x16xf32>,
        %get3A_493 = vector.shape_cast %get3A_492 : vector<1x16xf32> to vector<16xf32>
        %mul3A_494 = arith.mulf %get3A_493, %broadcast_in_dim3A_480 : vector<16xf32>
        %max3A_495 = arith.maximumf %mul3A_435, %mul3A_494 : vector<16xf32>
        %add3A_496 = arith.constant 1 : i32
        %add3A_497 = arith.addi %mul3A_418, %add3A_496 : i32
        %get3A_498 = arith.index_cast %add3A_497 : i32 to index
        %get3A_499 = arith.constant 32 : index
        %get3A_500 = tpu.vector_load %arg10[%get3A_498, %get3A_499] {strides = array<i32>} : memref<400x128xf32, #tpu.memory_space<vmem>>, vector<1x16xf32>,
        %get3A_501 = vector.shape_cast %get3A_500 : vector<1x16xf32> to vector<16xf32>
        %mul3A_502 = arith.mulf %get3A_501, %broadcast_in_dim3A_480 : vector<16xf32>
        %max3A_503 = arith.maximumf %mul3A_442, %mul3A_502 : vector<16xf32>
        %add3A_504 = arith.constant 1 : i32
        %add3A_505 = arith.addi %mul3A_418, %add3A_504 : i32
        %get3A_506 = arith.index_cast %add3A_505 : i32 to index
        %get3A_507 = arith.constant 48 : index
        %get3A_508 = tpu.vector_load %arg10[%get3A_506, %get3A_507] {strides = array<i32>} : memref<400x128xf32, #tpu.memory_space<vmem>>, vector<1x16xf32>,
        %get3A_509 = vector.shape_cast %get3A_508 : vector<1x16xf32> to vector<16xf32>
        %mul3A_510 = arith.mulf %get3A_509, %broadcast_in_dim3A_480 : vector<16xf32>
        %max3A_511 = arith.maximumf %mul3A_449, %mul3A_510 : vector<16xf32>
        %add3A_512 = arith.constant 1 : i32
        %add3A_513 = arith.addi %mul3A_418, %add3A_512 : i32
        %get3A_514 = arith.index_cast %add3A_513 : i32 to index
        %get3A_515 = arith.constant 64 : index
        %get3A_516 = tpu.vector_load %arg10[%get3A_514, %get3A_515] {strides = array<i32>} : memref<400x128xf32, #tpu.memory_space<vmem>>, vector<1x16xf32>,
        %get3A_517 = vector.shape_cast %get3A_516 : vector<1x16xf32> to vector<16xf32>
        %mul3A_518 = arith.mulf %get3A_517, %broadcast_in_dim3A_480 : vector<16xf32>
        %max3A_519 = arith.maximumf %mul3A_456, %mul3A_518 : vector<16xf32>
        %add3A_520 = arith.constant 1 : i32
        %add3A_521 = arith.addi %mul3A_418, %add3A_520 : i32
        %get3A_522 = arith.index_cast %add3A_521 : i32 to index
        %get3A_523 = arith.constant 80 : index
        %get3A_524 = tpu.vector_load %arg10[%get3A_522, %get3A_523] {strides = array<i32>} : memref<400x128xf32, #tpu.memory_space<vmem>>, vector<1x16xf32>,
        %get3A_525 = vector.shape_cast %get3A_524 : vector<1x16xf32> to vector<16xf32>
        %mul3A_526 = arith.mulf %get3A_525, %broadcast_in_dim3A_480 : vector<16xf32>
        %max3A_527 = arith.maximumf %mul3A_463, %mul3A_526 : vector<16xf32>
        %add3A_528 = arith.constant 1 : i32
        %add3A_529 = arith.addi %mul3A_418, %add3A_528 : i32
        %get3A_530 = arith.index_cast %add3A_529 : i32 to index
        %get3A_531 = arith.constant 96 : index
        %get3A_532 = tpu.vector_load %arg10[%get3A_530, %get3A_531] {strides = array<i32>} : memref<400x128xf32, #tpu.memory_space<vmem>>, vector<1x16xf32>,
        %get3A_533 = vector.shape_cast %get3A_532 : vector<1x16xf32> to vector<16xf32>
        %mul3A_534 = arith.mulf %get3A_533, %broadcast_in_dim3A_480 : vector<16xf32>
        %max3A_535 = arith.maximumf %mul3A_470, %mul3A_534 : vector<16xf32>
        %add3A_536 = arith.constant 1 : i32
        %add3A_537 = arith.addi %mul3A_418, %add3A_536 : i32
        %get3A_538 = arith.index_cast %add3A_537 : i32 to index
        %get3A_539 = arith.constant 112 : index
        %get3A_540 = tpu.vector_load %arg10[%get3A_538, %get3A_539] {strides = array<i32>} : memref<400x128xf32, #tpu.memory_space<vmem>>, vector<1x16xf32>,
        %get3A_541 = vector.shape_cast %get3A_540 : vector<1x16xf32> to vector<16xf32>
        %mul3A_542 = arith.mulf %get3A_541, %broadcast_in_dim3A_480 : vector<16xf32>
        %max3A_543 = arith.maximumf %mul3A_477, %mul3A_542 : vector<16xf32>
        %slice3A_544 = vector.extract_strided_slice %get3A_420 {offsets = [2], sizes = [1], strides = [1]} : vector<16xf32> to vector<1xf32>
        %squeeze3A_545 = vector.extract %slice3A_544[0] : f32 from vector<1xf32>
        %broadcast_in_dim3A_546 = vector.broadcast %squeeze3A_545 : f32 to vector<16xf32>
        %add3A_547 = arith.constant 2 : i32
        %add3A_548 = arith.addi %mul3A_418, %add3A_547 : i32
        %get3A_549 = arith.index_cast %add3A_548 : i32 to index
        %get3A_550 = arith.constant 0 : index
        %get3A_551 = tpu.vector_load %arg10[%get3A_549, %get3A_550] {strides = array<i32>} : memref<400x128xf32, #tpu.memory_space<vmem>>, vector<1x16xf32>,
        %get3A_552 = vector.shape_cast %get3A_551 : vector<1x16xf32> to vector<16xf32>
        %mul3A_553 = arith.mulf %get3A_552, %broadcast_in_dim3A_546 : vector<16xf32>
        %max3A_554 = arith.maximumf %max3A, %mul3A_553 : vector<16xf32>
        %add3A_555 = arith.constant 2 : i32
        %add3A_556 = arith.addi %mul3A_418, %add3A_555 : i32
        %get3A_557 = arith.index_cast %add3A_556 : i32 to index
        %get3A_558 = arith.constant 16 : index
        %get3A_559 = tpu.vector_load %arg10[%get3A_557, %get3A_558] {strides = array<i32>} : memref<400x128xf32, #tpu.memory_space<vmem>>, vector<1x16xf32>,
        %get3A_560 = vector.shape_cast %get3A_559 : vector<1x16xf32> to vector<16xf32>
        %mul3A_561 = arith.mulf %get3A_560, %broadcast_in_dim3A_546 : vector<16xf32>
        %max3A_562 = arith.maximumf %max3A_495, %mul3A_561 : vector<16xf32>
        %add3A_563 = arith.constant 2 : i32
        %add3A_564 = arith.addi %mul3A_418, %add3A_563 : i32
        %get3A_565 = arith.index_cast %add3A_564 : i32 to index
        %get3A_566 = arith.constant 32 : index
        %get3A_567 = tpu.vector_load %arg10[%get3A_565, %get3A_566] {strides = array<i32>} : memref<400x128xf32, #tpu.memory_space<vmem>>, vector<1x16xf32>,
        %get3A_568 = vector.shape_cast %get3A_567 : vector<1x16xf32> to vector<16xf32>
        %mul3A_569 = arith.mulf %get3A_568, %broadcast_in_dim3A_546 : vector<16xf32>
        %max3A_570 = arith.maximumf %max3A_503, %mul3A_569 : vector<16xf32>
        %add3A_571 = arith.constant 2 : i32
        %add3A_572 = arith.addi %mul3A_418, %add3A_571 : i32
        %get3A_573 = arith.index_cast %add3A_572 : i32 to index
        %get3A_574 = arith.constant 48 : index
        %get3A_575 = tpu.vector_load %arg10[%get3A_573, %get3A_574] {strides = array<i32>} : memref<400x128xf32, #tpu.memory_space<vmem>>, vector<1x16xf32>,
        %get3A_576 = vector.shape_cast %get3A_575 : vector<1x16xf32> to vector<16xf32>
        %mul3A_577 = arith.mulf %get3A_576, %broadcast_in_dim3A_546 : vector<16xf32>
        %max3A_578 = arith.maximumf %max3A_511, %mul3A_577 : vector<16xf32>
        %add3A_579 = arith.constant 2 : i32
        %add3A_580 = arith.addi %mul3A_418, %add3A_579 : i32
        %get3A_581 = arith.index_cast %add3A_580 : i32 to index
        %get3A_582 = arith.constant 64 : index
        %get3A_583 = tpu.vector_load %arg10[%get3A_581, %get3A_582] {strides = array<i32>} : memref<400x128xf32, #tpu.memory_space<vmem>>, vector<1x16xf32>,
        %get3A_584 = vector.shape_cast %get3A_583 : vector<1x16xf32> to vector<16xf32>
        %mul3A_585 = arith.mulf %get3A_584, %broadcast_in_dim3A_546 : vector<16xf32>
        %max3A_586 = arith.maximumf %max3A_519, %mul3A_585 : vector<16xf32>
        %add3A_587 = arith.constant 2 : i32
        %add3A_588 = arith.addi %mul3A_418, %add3A_587 : i32
        %get3A_589 = arith.index_cast %add3A_588 : i32 to index
        %get3A_590 = arith.constant 80 : index
        %get3A_591 = tpu.vector_load %arg10[%get3A_589, %get3A_590] {strides = array<i32>} : memref<400x128xf32, #tpu.memory_space<vmem>>, vector<1x16xf32>,
        %get3A_592 = vector.shape_cast %get3A_591 : vector<1x16xf32> to vector<16xf32>
        %mul3A_593 = arith.mulf %get3A_592, %broadcast_in_dim3A_546 : vector<16xf32>
        %max3A_594 = arith.maximumf %max3A_527, %mul3A_593 : vector<16xf32>
        %add3A_595 = arith.constant 2 : i32
        %add3A_596 = arith.addi %mul3A_418, %add3A_595 : i32
        %get3A_597 = arith.index_cast %add3A_596 : i32 to index
        %get3A_598 = arith.constant 96 : index
        %get3A_599 = tpu.vector_load %arg10[%get3A_597, %get3A_598] {strides = array<i32>} : memref<400x128xf32, #tpu.memory_space<vmem>>, vector<1x16xf32>,
        %get3A_600 = vector.shape_cast %get3A_599 : vector<1x16xf32> to vector<16xf32>
        %mul3A_601 = arith.mulf %get3A_600, %broadcast_in_dim3A_546 : vector<16xf32>
        %max3A_602 = arith.maximumf %max3A_535, %mul3A_601 : vector<16xf32>
        %add3A_603 = arith.constant 2 : i32
        %add3A_604 = arith.addi %mul3A_418, %add3A_603 : i32
        %get3A_605 = arith.index_cast %add3A_604 : i32 to index
        %get3A_606 = arith.constant 112 : index
        %get3A_607 = tpu.vector_load %arg10[%get3A_605, %get3A_606] {strides = array<i32>} : memref<400x128xf32, #tpu.memory_space<vmem>>, vector<1x16xf32>,
        %get3A_608 = vector.shape_cast %get3A_607 : vector<1x16xf32> to vector<16xf32>
        %mul3A_609 = arith.mulf %get3A_608, %broadcast_in_dim3A_546 : vector<16xf32>
        %max3A_610 = arith.maximumf %max3A_543, %mul3A_609 : vector<16xf32>
        %slice3A_611 = vector.extract_strided_slice %get3A_420 {offsets = [3], sizes = [1], strides = [1]} : vector<16xf32> to vector<1xf32>
        %squeeze3A_612 = vector.extract %slice3A_611[0] : f32 from vector<1xf32>
        %broadcast_in_dim3A_613 = vector.broadcast %squeeze3A_612 : f32 to vector<16xf32>
        %add3A_614 = arith.constant 3 : i32
        %add3A_615 = arith.addi %mul3A_418, %add3A_614 : i32
        %get3A_616 = arith.index_cast %add3A_615 : i32 to index
        %get3A_617 = arith.constant 0 : index
        %get3A_618 = tpu.vector_load %arg10[%get3A_616, %get3A_617] {strides = array<i32>} : memref<400x128xf32, #tpu.memory_space<vmem>>, vector<1x16xf32>,
        %get3A_619 = vector.shape_cast %get3A_618 : vector<1x16xf32> to vector<16xf32>
        %mul3A_620 = arith.mulf %get3A_619, %broadcast_in_dim3A_613 : vector<16xf32>
        %max3A_621 = arith.maximumf %max3A_554, %mul3A_620 : vector<16xf32>
        %add3A_622 = arith.constant 3 : i32
        %add3A_623 = arith.addi %mul3A_418, %add3A_622 : i32
        %get3A_624 = arith.index_cast %add3A_623 : i32 to index
        %get3A_625 = arith.constant 16 : index
        %get3A_626 = tpu.vector_load %arg10[%get3A_624, %get3A_625] {strides = array<i32>} : memref<400x128xf32, #tpu.memory_space<vmem>>, vector<1x16xf32>,
        %get3A_627 = vector.shape_cast %get3A_626 : vector<1x16xf32> to vector<16xf32>
        %mul3A_628 = arith.mulf %get3A_627, %broadcast_in_dim3A_613 : vector<16xf32>
        %max3A_629 = arith.maximumf %max3A_562, %mul3A_628 : vector<16xf32>
        %add3A_630 = arith.constant 3 : i32
        %add3A_631 = arith.addi %mul3A_418, %add3A_630 : i32
        %get3A_632 = arith.index_cast %add3A_631 : i32 to index
        %get3A_633 = arith.constant 32 : index
        %get3A_634 = tpu.vector_load %arg10[%get3A_632, %get3A_633] {strides = array<i32>} : memref<400x128xf32, #tpu.memory_space<vmem>>, vector<1x16xf32>,
        %get3A_635 = vector.shape_cast %get3A_634 : vector<1x16xf32> to vector<16xf32>
        %mul3A_636 = arith.mulf %get3A_635, %broadcast_in_dim3A_613 : vector<16xf32>
        %max3A_637 = arith.maximumf %max3A_570, %mul3A_636 : vector<16xf32>
        %add3A_638 = arith.constant 3 : i32
        %add3A_639 = arith.addi %mul3A_418, %add3A_638 : i32
        %get3A_640 = arith.index_cast %add3A_639 : i32 to index
        %get3A_641 = arith.constant 48 : index
        %get3A_642 = tpu.vector_load %arg10[%get3A_640, %get3A_641] {strides = array<i32>} : memref<400x128xf32, #tpu.memory_space<vmem>>, vector<1x16xf32>,
        %get3A_643 = vector.shape_cast %get3A_642 : vector<1x16xf32> to vector<16xf32>
        %mul3A_644 = arith.mulf %get3A_643, %broadcast_in_dim3A_613 : vector<16xf32>
        %max3A_645 = arith.maximumf %max3A_578, %mul3A_644 : vector<16xf32>
        %add3A_646 = arith.constant 3 : i32
        %add3A_647 = arith.addi %mul3A_418, %add3A_646 : i32
        %get3A_648 = arith.index_cast %add3A_647 : i32 to index
        %get3A_649 = arith.constant 64 : index
        %get3A_650 = tpu.vector_load %arg10[%get3A_648, %get3A_649] {strides = array<i32>} : memref<400x128xf32, #tpu.memory_space<vmem>>, vector<1x16xf32>,
        %get3A_651 = vector.shape_cast %get3A_650 : vector<1x16xf32> to vector<16xf32>
        %mul3A_652 = arith.mulf %get3A_651, %broadcast_in_dim3A_613 : vector<16xf32>
        %max3A_653 = arith.maximumf %max3A_586, %mul3A_652 : vector<16xf32>
        %add3A_654 = arith.constant 3 : i32
        %add3A_655 = arith.addi %mul3A_418, %add3A_654 : i32
        %get3A_656 = arith.index_cast %add3A_655 : i32 to index
        %get3A_657 = arith.constant 80 : index
        %get3A_658 = tpu.vector_load %arg10[%get3A_656, %get3A_657] {strides = array<i32>} : memref<400x128xf32, #tpu.memory_space<vmem>>, vector<1x16xf32>,
        %get3A_659 = vector.shape_cast %get3A_658 : vector<1x16xf32> to vector<16xf32>
        %mul3A_660 = arith.mulf %get3A_659, %broadcast_in_dim3A_613 : vector<16xf32>
        %max3A_661 = arith.maximumf %max3A_594, %mul3A_660 : vector<16xf32>
        %add3A_662 = arith.constant 3 : i32
        %add3A_663 = arith.addi %mul3A_418, %add3A_662 : i32
        %get3A_664 = arith.index_cast %add3A_663 : i32 to index
        %get3A_665 = arith.constant 96 : index
        %get3A_666 = tpu.vector_load %arg10[%get3A_664, %get3A_665] {strides = array<i32>} : memref<400x128xf32, #tpu.memory_space<vmem>>, vector<1x16xf32>,
        %get3A_667 = vector.shape_cast %get3A_666 : vector<1x16xf32> to vector<16xf32>
        %mul3A_668 = arith.mulf %get3A_667, %broadcast_in_dim3A_613 : vector<16xf32>
        %max3A_669 = arith.maximumf %max3A_602, %mul3A_668 : vector<16xf32>
        %add3A_670 = arith.constant 3 : i32
        %add3A_671 = arith.addi %mul3A_418, %add3A_670 : i32
        %get3A_672 = arith.index_cast %add3A_671 : i32 to index
        %get3A_673 = arith.constant 112 : index
        %get3A_674 = tpu.vector_load %arg10[%get3A_672, %get3A_673] {strides = array<i32>} : memref<400x128xf32, #tpu.memory_space<vmem>>, vector<1x16xf32>,
        %get3A_675 = vector.shape_cast %get3A_674 : vector<1x16xf32> to vector<16xf32>
        %mul3A_676 = arith.mulf %get3A_675, %broadcast_in_dim3A_613 : vector<16xf32>
        %max3A_677 = arith.maximumf %max3A_610, %mul3A_676 : vector<16xf32>
        %slice3A_678 = vector.extract_strided_slice %get3A_420 {offsets = [4], sizes = [1], strides = [1]} : vector<16xf32> to vector<1xf32>
        %squeeze3A_679 = vector.extract %slice3A_678[0] : f32 from vector<1xf32>
        %broadcast_in_dim3A_680 = vector.broadcast %squeeze3A_679 : f32 to vector<16xf32>
        %add3A_681 = arith.constant 4 : i32
        %add3A_682 = arith.addi %mul3A_418, %add3A_681 : i32
        %get3A_683 = arith.index_cast %add3A_682 : i32 to index
        %get3A_684 = arith.constant 0 : index
        %get3A_685 = tpu.vector_load %arg10[%get3A_683, %get3A_684] {strides = array<i32>} : memref<400x128xf32, #tpu.memory_space<vmem>>, vector<1x16xf32>,
        %get3A_686 = vector.shape_cast %get3A_685 : vector<1x16xf32> to vector<16xf32>
        %mul3A_687 = arith.mulf %get3A_686, %broadcast_in_dim3A_680 : vector<16xf32>
        %max3A_688 = arith.maximumf %max3A_621, %mul3A_687 : vector<16xf32>
        %add3A_689 = arith.constant 4 : i32
        %add3A_690 = arith.addi %mul3A_418, %add3A_689 : i32
        %get3A_691 = arith.index_cast %add3A_690 : i32 to index
        %get3A_692 = arith.constant 16 : index
        %get3A_693 = tpu.vector_load %arg10[%get3A_691, %get3A_692] {strides = array<i32>} : memref<400x128xf32, #tpu.memory_space<vmem>>, vector<1x16xf32>,
        %get3A_694 = vector.shape_cast %get3A_693 : vector<1x16xf32> to vector<16xf32>
        %mul3A_695 = arith.mulf %get3A_694, %broadcast_in_dim3A_680 : vector<16xf32>
        %max3A_696 = arith.maximumf %max3A_629, %mul3A_695 : vector<16xf32>
        %add3A_697 = arith.constant 4 : i32
        %add3A_698 = arith.addi %mul3A_418, %add3A_697 : i32
        %get3A_699 = arith.index_cast %add3A_698 : i32 to index
        %get3A_700 = arith.constant 32 : index
        %get3A_701 = tpu.vector_load %arg10[%get3A_699, %get3A_700] {strides = array<i32>} : memref<400x128xf32, #tpu.memory_space<vmem>>, vector<1x16xf32>,
        %get3A_702 = vector.shape_cast %get3A_701 : vector<1x16xf32> to vector<16xf32>
        %mul3A_703 = arith.mulf %get3A_702, %broadcast_in_dim3A_680 : vector<16xf32>
        %max3A_704 = arith.maximumf %max3A_637, %mul3A_703 : vector<16xf32>
        %add3A_705 = arith.constant 4 : i32
        %add3A_706 = arith.addi %mul3A_418, %add3A_705 : i32
        %get3A_707 = arith.index_cast %add3A_706 : i32 to index
        %get3A_708 = arith.constant 48 : index
        %get3A_709 = tpu.vector_load %arg10[%get3A_707, %get3A_708] {strides = array<i32>} : memref<400x128xf32, #tpu.memory_space<vmem>>, vector<1x16xf32>,
        %get3A_710 = vector.shape_cast %get3A_709 : vector<1x16xf32> to vector<16xf32>
        %mul3A_711 = arith.mulf %get3A_710, %broadcast_in_dim3A_680 : vector<16xf32>
        %max3A_712 = arith.maximumf %max3A_645, %mul3A_711 : vector<16xf32>
        %add3A_713 = arith.constant 4 : i32
        %add3A_714 = arith.addi %mul3A_418, %add3A_713 : i32
        %get3A_715 = arith.index_cast %add3A_714 : i32 to index
        %get3A_716 = arith.constant 64 : index
        %get3A_717 = tpu.vector_load %arg10[%get3A_715, %get3A_716] {strides = array<i32>} : memref<400x128xf32, #tpu.memory_space<vmem>>, vector<1x16xf32>,
        %get3A_718 = vector.shape_cast %get3A_717 : vector<1x16xf32> to vector<16xf32>
        %mul3A_719 = arith.mulf %get3A_718, %broadcast_in_dim3A_680 : vector<16xf32>
        %max3A_720 = arith.maximumf %max3A_653, %mul3A_719 : vector<16xf32>
        %add3A_721 = arith.constant 4 : i32
        %add3A_722 = arith.addi %mul3A_418, %add3A_721 : i32
        %get3A_723 = arith.index_cast %add3A_722 : i32 to index
        %get3A_724 = arith.constant 80 : index
        %get3A_725 = tpu.vector_load %arg10[%get3A_723, %get3A_724] {strides = array<i32>} : memref<400x128xf32, #tpu.memory_space<vmem>>, vector<1x16xf32>,
        %get3A_726 = vector.shape_cast %get3A_725 : vector<1x16xf32> to vector<16xf32>
        %mul3A_727 = arith.mulf %get3A_726, %broadcast_in_dim3A_680 : vector<16xf32>
        %max3A_728 = arith.maximumf %max3A_661, %mul3A_727 : vector<16xf32>
        %add3A_729 = arith.constant 4 : i32
        %add3A_730 = arith.addi %mul3A_418, %add3A_729 : i32
        %get3A_731 = arith.index_cast %add3A_730 : i32 to index
        %get3A_732 = arith.constant 96 : index
        %get3A_733 = tpu.vector_load %arg10[%get3A_731, %get3A_732] {strides = array<i32>} : memref<400x128xf32, #tpu.memory_space<vmem>>, vector<1x16xf32>,
        %get3A_734 = vector.shape_cast %get3A_733 : vector<1x16xf32> to vector<16xf32>
        %mul3A_735 = arith.mulf %get3A_734, %broadcast_in_dim3A_680 : vector<16xf32>
        %max3A_736 = arith.maximumf %max3A_669, %mul3A_735 : vector<16xf32>
        %add3A_737 = arith.constant 4 : i32
        %add3A_738 = arith.addi %mul3A_418, %add3A_737 : i32
        %get3A_739 = arith.index_cast %add3A_738 : i32 to index
        %get3A_740 = arith.constant 112 : index
        %get3A_741 = tpu.vector_load %arg10[%get3A_739, %get3A_740] {strides = array<i32>} : memref<400x128xf32, #tpu.memory_space<vmem>>, vector<1x16xf32>,
        %get3A_742 = vector.shape_cast %get3A_741 : vector<1x16xf32> to vector<16xf32>
        %mul3A_743 = arith.mulf %get3A_742, %broadcast_in_dim3A_680 : vector<16xf32>
        %max3A_744 = arith.maximumf %max3A_677, %mul3A_743 : vector<16xf32>
        %slice3A_745 = vector.extract_strided_slice %get3A_420 {offsets = [5], sizes = [1], strides = [1]} : vector<16xf32> to vector<1xf32>
        %squeeze3A_746 = vector.extract %slice3A_745[0] : f32 from vector<1xf32>
        %broadcast_in_dim3A_747 = vector.broadcast %squeeze3A_746 : f32 to vector<16xf32>
        %add3A_748 = arith.constant 5 : i32
        %add3A_749 = arith.addi %mul3A_418, %add3A_748 : i32
        %get3A_750 = arith.index_cast %add3A_749 : i32 to index
        %get3A_751 = arith.constant 0 : index
        %get3A_752 = tpu.vector_load %arg10[%get3A_750, %get3A_751] {strides = array<i32>} : memref<400x128xf32, #tpu.memory_space<vmem>>, vector<1x16xf32>,
        %get3A_753 = vector.shape_cast %get3A_752 : vector<1x16xf32> to vector<16xf32>
        %mul3A_754 = arith.mulf %get3A_753, %broadcast_in_dim3A_747 : vector<16xf32>
        %max3A_755 = arith.maximumf %max3A_688, %mul3A_754 : vector<16xf32>
        %add3A_756 = arith.constant 5 : i32
        %add3A_757 = arith.addi %mul3A_418, %add3A_756 : i32
        %get3A_758 = arith.index_cast %add3A_757 : i32 to index
        %get3A_759 = arith.constant 16 : index
        %get3A_760 = tpu.vector_load %arg10[%get3A_758, %get3A_759] {strides = array<i32>} : memref<400x128xf32, #tpu.memory_space<vmem>>, vector<1x16xf32>,
        %get3A_761 = vector.shape_cast %get3A_760 : vector<1x16xf32> to vector<16xf32>
        %mul3A_762 = arith.mulf %get3A_761, %broadcast_in_dim3A_747 : vector<16xf32>
        %max3A_763 = arith.maximumf %max3A_696, %mul3A_762 : vector<16xf32>
        %add3A_764 = arith.constant 5 : i32
        %add3A_765 = arith.addi %mul3A_418, %add3A_764 : i32
        %get3A_766 = arith.index_cast %add3A_765 : i32 to index
        %get3A_767 = arith.constant 32 : index
        %get3A_768 = tpu.vector_load %arg10[%get3A_766, %get3A_767] {strides = array<i32>} : memref<400x128xf32, #tpu.memory_space<vmem>>, vector<1x16xf32>,
        %get3A_769 = vector.shape_cast %get3A_768 : vector<1x16xf32> to vector<16xf32>
        %mul3A_770 = arith.mulf %get3A_769, %broadcast_in_dim3A_747 : vector<16xf32>
        %max3A_771 = arith.maximumf %max3A_704, %mul3A_770 : vector<16xf32>
        %add3A_772 = arith.constant 5 : i32
        %add3A_773 = arith.addi %mul3A_418, %add3A_772 : i32
        %get3A_774 = arith.index_cast %add3A_773 : i32 to index
        %get3A_775 = arith.constant 48 : index
        %get3A_776 = tpu.vector_load %arg10[%get3A_774, %get3A_775] {strides = array<i32>} : memref<400x128xf32, #tpu.memory_space<vmem>>, vector<1x16xf32>,
        %get3A_777 = vector.shape_cast %get3A_776 : vector<1x16xf32> to vector<16xf32>
        %mul3A_778 = arith.mulf %get3A_777, %broadcast_in_dim3A_747 : vector<16xf32>
        %max3A_779 = arith.maximumf %max3A_712, %mul3A_778 : vector<16xf32>
        %add3A_780 = arith.constant 5 : i32
        %add3A_781 = arith.addi %mul3A_418, %add3A_780 : i32
        %get3A_782 = arith.index_cast %add3A_781 : i32 to index
        %get3A_783 = arith.constant 64 : index
        %get3A_784 = tpu.vector_load %arg10[%get3A_782, %get3A_783] {strides = array<i32>} : memref<400x128xf32, #tpu.memory_space<vmem>>, vector<1x16xf32>,
        %get3A_785 = vector.shape_cast %get3A_784 : vector<1x16xf32> to vector<16xf32>
        %mul3A_786 = arith.mulf %get3A_785, %broadcast_in_dim3A_747 : vector<16xf32>
        %max3A_787 = arith.maximumf %max3A_720, %mul3A_786 : vector<16xf32>
        %add3A_788 = arith.constant 5 : i32
        %add3A_789 = arith.addi %mul3A_418, %add3A_788 : i32
        %get3A_790 = arith.index_cast %add3A_789 : i32 to index
        %get3A_791 = arith.constant 80 : index
        %get3A_792 = tpu.vector_load %arg10[%get3A_790, %get3A_791] {strides = array<i32>} : memref<400x128xf32, #tpu.memory_space<vmem>>, vector<1x16xf32>,
        %get3A_793 = vector.shape_cast %get3A_792 : vector<1x16xf32> to vector<16xf32>
        %mul3A_794 = arith.mulf %get3A_793, %broadcast_in_dim3A_747 : vector<16xf32>
        %max3A_795 = arith.maximumf %max3A_728, %mul3A_794 : vector<16xf32>
        %add3A_796 = arith.constant 5 : i32
        %add3A_797 = arith.addi %mul3A_418, %add3A_796 : i32
        %get3A_798 = arith.index_cast %add3A_797 : i32 to index
        %get3A_799 = arith.constant 96 : index
        %get3A_800 = tpu.vector_load %arg10[%get3A_798, %get3A_799] {strides = array<i32>} : memref<400x128xf32, #tpu.memory_space<vmem>>, vector<1x16xf32>,
        %get3A_801 = vector.shape_cast %get3A_800 : vector<1x16xf32> to vector<16xf32>
        %mul3A_802 = arith.mulf %get3A_801, %broadcast_in_dim3A_747 : vector<16xf32>
        %max3A_803 = arith.maximumf %max3A_736, %mul3A_802 : vector<16xf32>
        %add3A_804 = arith.constant 5 : i32
        %add3A_805 = arith.addi %mul3A_418, %add3A_804 : i32
        %get3A_806 = arith.index_cast %add3A_805 : i32 to index
        %get3A_807 = arith.constant 112 : index
        %get3A_808 = tpu.vector_load %arg10[%get3A_806, %get3A_807] {strides = array<i32>} : memref<400x128xf32, #tpu.memory_space<vmem>>, vector<1x16xf32>,
        %get3A_809 = vector.shape_cast %get3A_808 : vector<1x16xf32> to vector<16xf32>
        %mul3A_810 = arith.mulf %get3A_809, %broadcast_in_dim3A_747 : vector<16xf32>
        %max3A_811 = arith.maximumf %max3A_744, %mul3A_810 : vector<16xf32>
        %slice3A_812 = vector.extract_strided_slice %get3A_420 {offsets = [6], sizes = [1], strides = [1]} : vector<16xf32> to vector<1xf32>
        %squeeze3A_813 = vector.extract %slice3A_812[0] : f32 from vector<1xf32>
        %broadcast_in_dim3A_814 = vector.broadcast %squeeze3A_813 : f32 to vector<16xf32>
        %add3A_815 = arith.constant 6 : i32
        %add3A_816 = arith.addi %mul3A_418, %add3A_815 : i32
        %get3A_817 = arith.index_cast %add3A_816 : i32 to index
        %get3A_818 = arith.constant 0 : index
        %get3A_819 = tpu.vector_load %arg10[%get3A_817, %get3A_818] {strides = array<i32>} : memref<400x128xf32, #tpu.memory_space<vmem>>, vector<1x16xf32>,
        %get3A_820 = vector.shape_cast %get3A_819 : vector<1x16xf32> to vector<16xf32>
        %mul3A_821 = arith.mulf %get3A_820, %broadcast_in_dim3A_814 : vector<16xf32>
        %max3A_822 = arith.maximumf %max3A_755, %mul3A_821 : vector<16xf32>
        %add3A_823 = arith.constant 6 : i32
        %add3A_824 = arith.addi %mul3A_418, %add3A_823 : i32
        %get3A_825 = arith.index_cast %add3A_824 : i32 to index
        %get3A_826 = arith.constant 16 : index
        %get3A_827 = tpu.vector_load %arg10[%get3A_825, %get3A_826] {strides = array<i32>} : memref<400x128xf32, #tpu.memory_space<vmem>>, vector<1x16xf32>,
        %get3A_828 = vector.shape_cast %get3A_827 : vector<1x16xf32> to vector<16xf32>
        %mul3A_829 = arith.mulf %get3A_828, %broadcast_in_dim3A_814 : vector<16xf32>
        %max3A_830 = arith.maximumf %max3A_763, %mul3A_829 : vector<16xf32>
        %add3A_831 = arith.constant 6 : i32
        %add3A_832 = arith.addi %mul3A_418, %add3A_831 : i32
        %get3A_833 = arith.index_cast %add3A_832 : i32 to index
        %get3A_834 = arith.constant 32 : index
        %get3A_835 = tpu.vector_load %arg10[%get3A_833, %get3A_834] {strides = array<i32>} : memref<400x128xf32, #tpu.memory_space<vmem>>, vector<1x16xf32>,
        %get3A_836 = vector.shape_cast %get3A_835 : vector<1x16xf32> to vector<16xf32>
        %mul3A_837 = arith.mulf %get3A_836, %broadcast_in_dim3A_814 : vector<16xf32>
        %max3A_838 = arith.maximumf %max3A_771, %mul3A_837 : vector<16xf32>
        %add3A_839 = arith.constant 6 : i32
        %add3A_840 = arith.addi %mul3A_418, %add3A_839 : i32
        %get3A_841 = arith.index_cast %add3A_840 : i32 to index
        %get3A_842 = arith.constant 48 : index
        %get3A_843 = tpu.vector_load %arg10[%get3A_841, %get3A_842] {strides = array<i32>} : memref<400x128xf32, #tpu.memory_space<vmem>>, vector<1x16xf32>,
        %get3A_844 = vector.shape_cast %get3A_843 : vector<1x16xf32> to vector<16xf32>
        %mul3A_845 = arith.mulf %get3A_844, %broadcast_in_dim3A_814 : vector<16xf32>
        %max3A_846 = arith.maximumf %max3A_779, %mul3A_845 : vector<16xf32>
        %add3A_847 = arith.constant 6 : i32
        %add3A_848 = arith.addi %mul3A_418, %add3A_847 : i32
        %get3A_849 = arith.index_cast %add3A_848 : i32 to index
        %get3A_850 = arith.constant 64 : index
        %get3A_851 = tpu.vector_load %arg10[%get3A_849, %get3A_850] {strides = array<i32>} : memref<400x128xf32, #tpu.memory_space<vmem>>, vector<1x16xf32>,
        %get3A_852 = vector.shape_cast %get3A_851 : vector<1x16xf32> to vector<16xf32>
        %mul3A_853 = arith.mulf %get3A_852, %broadcast_in_dim3A_814 : vector<16xf32>
        %max3A_854 = arith.maximumf %max3A_787, %mul3A_853 : vector<16xf32>
        %add3A_855 = arith.constant 6 : i32
        %add3A_856 = arith.addi %mul3A_418, %add3A_855 : i32
        %get3A_857 = arith.index_cast %add3A_856 : i32 to index
        %get3A_858 = arith.constant 80 : index
        %get3A_859 = tpu.vector_load %arg10[%get3A_857, %get3A_858] {strides = array<i32>} : memref<400x128xf32, #tpu.memory_space<vmem>>, vector<1x16xf32>,
        %get3A_860 = vector.shape_cast %get3A_859 : vector<1x16xf32> to vector<16xf32>
        %mul3A_861 = arith.mulf %get3A_860, %broadcast_in_dim3A_814 : vector<16xf32>
        %max3A_862 = arith.maximumf %max3A_795, %mul3A_861 : vector<16xf32>
        %add3A_863 = arith.constant 6 : i32
        %add3A_864 = arith.addi %mul3A_418, %add3A_863 : i32
        %get3A_865 = arith.index_cast %add3A_864 : i32 to index
        %get3A_866 = arith.constant 96 : index
        %get3A_867 = tpu.vector_load %arg10[%get3A_865, %get3A_866] {strides = array<i32>} : memref<400x128xf32, #tpu.memory_space<vmem>>, vector<1x16xf32>,
        %get3A_868 = vector.shape_cast %get3A_867 : vector<1x16xf32> to vector<16xf32>
        %mul3A_869 = arith.mulf %get3A_868, %broadcast_in_dim3A_814 : vector<16xf32>
        %max3A_870 = arith.maximumf %max3A_803, %mul3A_869 : vector<16xf32>
        %add3A_871 = arith.constant 6 : i32
        %add3A_872 = arith.addi %mul3A_418, %add3A_871 : i32
        %get3A_873 = arith.index_cast %add3A_872 : i32 to index
        %get3A_874 = arith.constant 112 : index
        %get3A_875 = tpu.vector_load %arg10[%get3A_873, %get3A_874] {strides = array<i32>} : memref<400x128xf32, #tpu.memory_space<vmem>>, vector<1x16xf32>,
        %get3A_876 = vector.shape_cast %get3A_875 : vector<1x16xf32> to vector<16xf32>
        %mul3A_877 = arith.mulf %get3A_876, %broadcast_in_dim3A_814 : vector<16xf32>
        %max3A_878 = arith.maximumf %max3A_811, %mul3A_877 : vector<16xf32>
        %slice3A_879 = vector.extract_strided_slice %get3A_420 {offsets = [7], sizes = [1], strides = [1]} : vector<16xf32> to vector<1xf32>
        %squeeze3A_880 = vector.extract %slice3A_879[0] : f32 from vector<1xf32>
        %broadcast_in_dim3A_881 = vector.broadcast %squeeze3A_880 : f32 to vector<16xf32>
        %add3A_882 = arith.constant 7 : i32
        %add3A_883 = arith.addi %mul3A_418, %add3A_882 : i32
        %get3A_884 = arith.index_cast %add3A_883 : i32 to index
        %get3A_885 = arith.constant 0 : index
        %get3A_886 = tpu.vector_load %arg10[%get3A_884, %get3A_885] {strides = array<i32>} : memref<400x128xf32, #tpu.memory_space<vmem>>, vector<1x16xf32>,
        %get3A_887 = vector.shape_cast %get3A_886 : vector<1x16xf32> to vector<16xf32>
        %mul3A_888 = arith.mulf %get3A_887, %broadcast_in_dim3A_881 : vector<16xf32>
        %max3A_889 = arith.maximumf %max3A_822, %mul3A_888 : vector<16xf32>
        %add3A_890 = arith.constant 7 : i32
        %add3A_891 = arith.addi %mul3A_418, %add3A_890 : i32
        %get3A_892 = arith.index_cast %add3A_891 : i32 to index
        %get3A_893 = arith.constant 16 : index
        %get3A_894 = tpu.vector_load %arg10[%get3A_892, %get3A_893] {strides = array<i32>} : memref<400x128xf32, #tpu.memory_space<vmem>>, vector<1x16xf32>,
        %get3A_895 = vector.shape_cast %get3A_894 : vector<1x16xf32> to vector<16xf32>
        %mul3A_896 = arith.mulf %get3A_895, %broadcast_in_dim3A_881 : vector<16xf32>
        %max3A_897 = arith.maximumf %max3A_830, %mul3A_896 : vector<16xf32>
        %add3A_898 = arith.constant 7 : i32
        %add3A_899 = arith.addi %mul3A_418, %add3A_898 : i32
        %get3A_900 = arith.index_cast %add3A_899 : i32 to index
        %get3A_901 = arith.constant 32 : index
        %get3A_902 = tpu.vector_load %arg10[%get3A_900, %get3A_901] {strides = array<i32>} : memref<400x128xf32, #tpu.memory_space<vmem>>, vector<1x16xf32>,
        %get3A_903 = vector.shape_cast %get3A_902 : vector<1x16xf32> to vector<16xf32>
        %mul3A_904 = arith.mulf %get3A_903, %broadcast_in_dim3A_881 : vector<16xf32>
        %max3A_905 = arith.maximumf %max3A_838, %mul3A_904 : vector<16xf32>
        %add3A_906 = arith.constant 7 : i32
        %add3A_907 = arith.addi %mul3A_418, %add3A_906 : i32
        %get3A_908 = arith.index_cast %add3A_907 : i32 to index
        %get3A_909 = arith.constant 48 : index
        %get3A_910 = tpu.vector_load %arg10[%get3A_908, %get3A_909] {strides = array<i32>} : memref<400x128xf32, #tpu.memory_space<vmem>>, vector<1x16xf32>,
        %get3A_911 = vector.shape_cast %get3A_910 : vector<1x16xf32> to vector<16xf32>
        %mul3A_912 = arith.mulf %get3A_911, %broadcast_in_dim3A_881 : vector<16xf32>
        %max3A_913 = arith.maximumf %max3A_846, %mul3A_912 : vector<16xf32>
        %add3A_914 = arith.constant 7 : i32
        %add3A_915 = arith.addi %mul3A_418, %add3A_914 : i32
        %get3A_916 = arith.index_cast %add3A_915 : i32 to index
        %get3A_917 = arith.constant 64 : index
        %get3A_918 = tpu.vector_load %arg10[%get3A_916, %get3A_917] {strides = array<i32>} : memref<400x128xf32, #tpu.memory_space<vmem>>, vector<1x16xf32>,
        %get3A_919 = vector.shape_cast %get3A_918 : vector<1x16xf32> to vector<16xf32>
        %mul3A_920 = arith.mulf %get3A_919, %broadcast_in_dim3A_881 : vector<16xf32>
        %max3A_921 = arith.maximumf %max3A_854, %mul3A_920 : vector<16xf32>
        %add3A_922 = arith.constant 7 : i32
        %add3A_923 = arith.addi %mul3A_418, %add3A_922 : i32
        %get3A_924 = arith.index_cast %add3A_923 : i32 to index
        %get3A_925 = arith.constant 80 : index
        %get3A_926 = tpu.vector_load %arg10[%get3A_924, %get3A_925] {strides = array<i32>} : memref<400x128xf32, #tpu.memory_space<vmem>>, vector<1x16xf32>,
        %get3A_927 = vector.shape_cast %get3A_926 : vector<1x16xf32> to vector<16xf32>
        %mul3A_928 = arith.mulf %get3A_927, %broadcast_in_dim3A_881 : vector<16xf32>
        %max3A_929 = arith.maximumf %max3A_862, %mul3A_928 : vector<16xf32>
        %add3A_930 = arith.constant 7 : i32
        %add3A_931 = arith.addi %mul3A_418, %add3A_930 : i32
        %get3A_932 = arith.index_cast %add3A_931 : i32 to index
        %get3A_933 = arith.constant 96 : index
        %get3A_934 = tpu.vector_load %arg10[%get3A_932, %get3A_933] {strides = array<i32>} : memref<400x128xf32, #tpu.memory_space<vmem>>, vector<1x16xf32>,
        %get3A_935 = vector.shape_cast %get3A_934 : vector<1x16xf32> to vector<16xf32>
        %mul3A_936 = arith.mulf %get3A_935, %broadcast_in_dim3A_881 : vector<16xf32>
        %max3A_937 = arith.maximumf %max3A_870, %mul3A_936 : vector<16xf32>
        %add3A_938 = arith.constant 7 : i32
        %add3A_939 = arith.addi %mul3A_418, %add3A_938 : i32
        %get3A_940 = arith.index_cast %add3A_939 : i32 to index
        %get3A_941 = arith.constant 112 : index
        %get3A_942 = tpu.vector_load %arg10[%get3A_940, %get3A_941] {strides = array<i32>} : memref<400x128xf32, #tpu.memory_space<vmem>>, vector<1x16xf32>,
        %get3A_943 = vector.shape_cast %get3A_942 : vector<1x16xf32> to vector<16xf32>
        %mul3A_944 = arith.mulf %get3A_943, %broadcast_in_dim3A_881 : vector<16xf32>
        %max3A_945 = arith.maximumf %max3A_878, %mul3A_944 : vector<16xf32>
        %get3A_946 = arith.index_cast %scan3A_408 : i32 to index
        %get3A_947 = tpu.vector_load %arg16[%get3A_946] {strides = array<i32>} : memref<72xf32, #tpu.memory_space<vmem>>, vector<16xf32>,
        %get3A_948 = vector.shape_cast %get3A_947 : vector<16xf32> to vector<16xf32>
        %slice3A_949 = vector.extract_strided_slice %get3A_948 {offsets = [0], sizes = [1], strides = [1]} : vector<16xf32> to vector<1xf32>
        %squeeze3A_950 = vector.extract %slice3A_949[0] : f32 from vector<1xf32>
        %broadcast_in_dim3A_951 = vector.broadcast %squeeze3A_950 : f32 to vector<16xf32>
        %sub3A = arith.constant 1.000000e+00 : f32
        %sub3A_952 = vector.broadcast %sub3A : f32 to vector<16xf32>
        %sub3A_953 = arith.subf %sub3A_952, %broadcast_in_dim3A_951 : vector<16xf32>
        %mul3A_954 = arith.mulf %sub3A_953, %max3A_889 : vector<16xf32>
        %add3A_955 = arith.addf %scan3A_409, %mul3A_954 : vector<16xf32>
        %get3A_956 = arith.index_cast %scan3A_408 : i32 to index
        %get3A_957 = arith.constant 0 : index
        %get3A_958 = tpu.vector_load %arg14[%get3A_956, %get3A_957] {strides = array<i32>} : memref<56x128xf32, #tpu.memory_space<vmem>>, vector<1x16xf32>,
        %get3A_959 = vector.shape_cast %get3A_958 : vector<1x16xf32> to vector<16xf32>
        %mul3A_960 = arith.mulf %broadcast_in_dim3A_951, %get3A_959 : vector<16xf32>
        %add3A_961 = arith.addf %add3A_955, %mul3A_960 : vector<16xf32>
        %mul3A_962 = arith.mulf %sub3A_953, %max3A_897 : vector<16xf32>
        %add3A_963 = arith.addf %scan3A_410, %mul3A_962 : vector<16xf32>
        %get3A_964 = arith.index_cast %scan3A_408 : i32 to index
        %get3A_965 = arith.constant 16 : index
        %get3A_966 = tpu.vector_load %arg14[%get3A_964, %get3A_965] {strides = array<i32>} : memref<56x128xf32, #tpu.memory_space<vmem>>, vector<1x16xf32>,
        %get3A_967 = vector.shape_cast %get3A_966 : vector<1x16xf32> to vector<16xf32>
        %mul3A_968 = arith.mulf %broadcast_in_dim3A_951, %get3A_967 : vector<16xf32>
        %add3A_969 = arith.addf %add3A_963, %mul3A_968 : vector<16xf32>
        %mul3A_970 = arith.mulf %sub3A_953, %max3A_905 : vector<16xf32>
        %add3A_971 = arith.addf %scan3A_411, %mul3A_970 : vector<16xf32>
        %get3A_972 = arith.index_cast %scan3A_408 : i32 to index
        %get3A_973 = arith.constant 32 : index
        %get3A_974 = tpu.vector_load %arg14[%get3A_972, %get3A_973] {strides = array<i32>} : memref<56x128xf32, #tpu.memory_space<vmem>>, vector<1x16xf32>,
        %get3A_975 = vector.shape_cast %get3A_974 : vector<1x16xf32> to vector<16xf32>
        %mul3A_976 = arith.mulf %broadcast_in_dim3A_951, %get3A_975 : vector<16xf32>
        %add3A_977 = arith.addf %add3A_971, %mul3A_976 : vector<16xf32>
        %mul3A_978 = arith.mulf %sub3A_953, %max3A_913 : vector<16xf32>
        %add3A_979 = arith.addf %scan3A_412, %mul3A_978 : vector<16xf32>
        %get3A_980 = arith.index_cast %scan3A_408 : i32 to index
        %get3A_981 = arith.constant 48 : index
        %get3A_982 = tpu.vector_load %arg14[%get3A_980, %get3A_981] {strides = array<i32>} : memref<56x128xf32, #tpu.memory_space<vmem>>, vector<1x16xf32>,
        %get3A_983 = vector.shape_cast %get3A_982 : vector<1x16xf32> to vector<16xf32>
        %mul3A_984 = arith.mulf %broadcast_in_dim3A_951, %get3A_983 : vector<16xf32>
        %add3A_985 = arith.addf %add3A_979, %mul3A_984 : vector<16xf32>
        %mul3A_986 = arith.mulf %sub3A_953, %max3A_921 : vector<16xf32>
        %add3A_987 = arith.addf %scan3A_413, %mul3A_986 : vector<16xf32>
        %get3A_988 = arith.index_cast %scan3A_408 : i32 to index
        %get3A_989 = arith.constant 64 : index
        %get3A_990 = tpu.vector_load %arg14[%get3A_988, %get3A_989] {strides = array<i32>} : memref<56x128xf32, #tpu.memory_space<vmem>>, vector<1x16xf32>,
        %get3A_991 = vector.shape_cast %get3A_990 : vector<1x16xf32> to vector<16xf32>
        %mul3A_992 = arith.mulf %broadcast_in_dim3A_951, %get3A_991 : vector<16xf32>
        %add3A_993 = arith.addf %add3A_987, %mul3A_992 : vector<16xf32>
        %mul3A_994 = arith.mulf %sub3A_953, %max3A_929 : vector<16xf32>
        %add3A_995 = arith.addf %scan3A_414, %mul3A_994 : vector<16xf32>
        %get3A_996 = arith.index_cast %scan3A_408 : i32 to index
        %get3A_997 = arith.constant 80 : index
        %get3A_998 = tpu.vector_load %arg14[%get3A_996, %get3A_997] {strides = array<i32>} : memref<56x128xf32, #tpu.memory_space<vmem>>, vector<1x16xf32>,
        %get3A_999 = vector.shape_cast %get3A_998 : vector<1x16xf32> to vector<16xf32>
        %mul3A_1000 = arith.mulf %broadcast_in_dim3A_951, %get3A_999 : vector<16xf32>
        %add3A_1001 = arith.addf %add3A_995, %mul3A_1000 : vector<16xf32>
        %mul3A_1002 = arith.mulf %sub3A_953, %max3A_937 : vector<16xf32>
        %add3A_1003 = arith.addf %scan3A_415, %mul3A_1002 : vector<16xf32>
        %get3A_1004 = arith.index_cast %scan3A_408 : i32 to index
        %get3A_1005 = arith.constant 96 : index
        %get3A_1006 = tpu.vector_load %arg14[%get3A_1004, %get3A_1005] {strides = array<i32>} : memref<56x128xf32, #tpu.memory_space<vmem>>, vector<1x16xf32>,
        %get3A_1007 = vector.shape_cast %get3A_1006 : vector<1x16xf32> to vector<16xf32>
        %mul3A_1008 = arith.mulf %broadcast_in_dim3A_951, %get3A_1007 : vector<16xf32>
        %add3A_1009 = arith.addf %add3A_1003, %mul3A_1008 : vector<16xf32>
        %mul3A_1010 = arith.mulf %sub3A_953, %max3A_945 : vector<16xf32>
        %add3A_1011 = arith.addf %scan3A_416, %mul3A_1010 : vector<16xf32>
        %get3A_1012 = arith.index_cast %scan3A_408 : i32 to index
        %get3A_1013 = arith.constant 112 : index
        %get3A_1014 = tpu.vector_load %arg14[%get3A_1012, %get3A_1013] {strides = array<i32>} : memref<56x128xf32, #tpu.memory_space<vmem>>, vector<1x16xf32>,
        %get3A_1015 = vector.shape_cast %get3A_1014 : vector<1x16xf32> to vector<16xf32>
        %mul3A_1016 = arith.mulf %broadcast_in_dim3A_951, %get3A_1015 : vector<16xf32>
        %add3A_1017 = arith.addf %add3A_1011, %mul3A_1016 : vector<16xf32>
        scf.yield %add3A_961, %add3A_969, %add3A_977, %add3A_985, %add3A_993, %add3A_1001, %add3A_1009, %add3A_1017 : vector<16xf32>, vector<16xf32>, vector<16xf32>, vector<16xf32>, vector<16xf32>, vector<16xf32>, vector<16xf32>, vector<16xf32>
      }
      %scan3A_367 = arith.constant 50 : i32
      %swap3A_368 = arith.index_cast %add3A_278 : i32 to index
      %swap3A_369 = arith.constant 0 : index
      %swap3A_370 = tpu.vector_load %arg17[%swap3A_368, %swap3A_369] {strides = array<i32>} : memref<32x128xf32, #tpu.memory_space<vmem>>, vector<1x16xf32>,
      %swap3A_371 = vector.shape_cast %swap3A_370 : vector<1x16xf32> to vector<16xf32>
      %swap3A_372 = vector.shape_cast %scan3A_366#0 : vector<16xf32> to vector<1x16xf32>
      tpu.vector_store %arg17[%swap3A_368, %swap3A_369], %swap3A_372 {strides = array<i32>} : memref<32x128xf32, #tpu.memory_space<vmem>>, vector<1x16xf32>,
      %swap3A_373 = arith.index_cast %add3A_278 : i32 to index
      %swap3A_374 = arith.constant 16 : index
      %swap3A_375 = tpu.vector_load %arg17[%swap3A_373, %swap3A_374] {strides = array<i32>} : memref<32x128xf32, #tpu.memory_space<vmem>>, vector<1x16xf32>,
      %swap3A_376 = vector.shape_cast %swap3A_375 : vector<1x16xf32> to vector<16xf32>
      %swap3A_377 = vector.shape_cast %scan3A_366#1 : vector<16xf32> to vector<1x16xf32>
      tpu.vector_store %arg17[%swap3A_373, %swap3A_374], %swap3A_377 {strides = array<i32>} : memref<32x128xf32, #tpu.memory_space<vmem>>, vector<1x16xf32>,
      %swap3A_378 = arith.index_cast %add3A_278 : i32 to index
      %swap3A_379 = arith.constant 32 : index
      %swap3A_380 = tpu.vector_load %arg17[%swap3A_378, %swap3A_379] {strides = array<i32>} : memref<32x128xf32, #tpu.memory_space<vmem>>, vector<1x16xf32>,
      %swap3A_381 = vector.shape_cast %swap3A_380 : vector<1x16xf32> to vector<16xf32>
      %swap3A_382 = vector.shape_cast %scan3A_366#2 : vector<16xf32> to vector<1x16xf32>
      tpu.vector_store %arg17[%swap3A_378, %swap3A_379], %swap3A_382 {strides = array<i32>} : memref<32x128xf32, #tpu.memory_space<vmem>>, vector<1x16xf32>,
      %swap3A_383 = arith.index_cast %add3A_278 : i32 to index
      %swap3A_384 = arith.constant 48 : index
      %swap3A_385 = tpu.vector_load %arg17[%swap3A_383, %swap3A_384] {strides = array<i32>} : memref<32x128xf32, #tpu.memory_space<vmem>>, vector<1x16xf32>,
      %swap3A_386 = vector.shape_cast %swap3A_385 : vector<1x16xf32> to vector<16xf32>
      %swap3A_387 = vector.shape_cast %scan3A_366#3 : vector<16xf32> to vector<1x16xf32>
      tpu.vector_store %arg17[%swap3A_383, %swap3A_384], %swap3A_387 {strides = array<i32>} : memref<32x128xf32, #tpu.memory_space<vmem>>, vector<1x16xf32>,
      %swap3A_388 = arith.index_cast %add3A_278 : i32 to index
      %swap3A_389 = arith.constant 64 : index
      %swap3A_390 = tpu.vector_load %arg17[%swap3A_388, %swap3A_389] {strides = array<i32>} : memref<32x128xf32, #tpu.memory_space<vmem>>, vector<1x16xf32>,
      %swap3A_391 = vector.shape_cast %swap3A_390 : vector<1x16xf32> to vector<16xf32>
      %swap3A_392 = vector.shape_cast %scan3A_366#4 : vector<16xf32> to vector<1x16xf32>
      tpu.vector_store %arg17[%swap3A_388, %swap3A_389], %swap3A_392 {strides = array<i32>} : memref<32x128xf32, #tpu.memory_space<vmem>>, vector<1x16xf32>,
      %swap3A_393 = arith.index_cast %add3A_278 : i32 to index
      %swap3A_394 = arith.constant 80 : index
      %swap3A_395 = tpu.vector_load %arg17[%swap3A_393, %swap3A_394] {strides = array<i32>} : memref<32x128xf32, #tpu.memory_space<vmem>>, vector<1x16xf32>,
      %swap3A_396 = vector.shape_cast %swap3A_395 : vector<1x16xf32> to vector<16xf32>
      %swap3A_397 = vector.shape_cast %scan3A_366#5 : vector<16xf32> to vector<1x16xf32>
      tpu.vector_store %arg17[%swap3A_393, %swap3A_394], %swap3A_397 {strides = array<i32>} : memref<32x128xf32, #tpu.memory_space<vmem>>, vector<1x16xf32>,
      %swap3A_398 = arith.index_cast %add3A_278 : i32 to index
      %swap3A_399 = arith.constant 96 : index
      %swap3A_400 = tpu.vector_load %arg17[%swap3A_398, %swap3A_399] {strides = array<i32>} : memref<32x128xf32, #tpu.memory_space<vmem>>, vector<1x16xf32>,
      %swap3A_401 = vector.shape_cast %swap3A_400 : vector<1x16xf32> to vector<16xf32>
      %swap3A_402 = vector.shape_cast %scan3A_366#6 : vector<16xf32> to vector<1x16xf32>
      tpu.vector_store %arg17[%swap3A_398, %swap3A_399], %swap3A_402 {strides = array<i32>} : memref<32x128xf32, #tpu.memory_space<vmem>>, vector<1x16xf32>,
      %swap3A_403 = arith.index_cast %add3A_278 : i32 to index
      %swap3A_404 = arith.constant 112 : index
      %swap3A_405 = tpu.vector_load %arg17[%swap3A_403, %swap3A_404] {strides = array<i32>} : memref<32x128xf32, #tpu.memory_space<vmem>>, vector<1x16xf32>,
      %swap3A_406 = vector.shape_cast %swap3A_405 : vector<1x16xf32> to vector<16xf32>
      %swap3A_407 = vector.shape_cast %scan3A_366#7 : vector<16xf32> to vector<1x16xf32>
      tpu.vector_store %arg17[%swap3A_403, %swap3A_404], %swap3A_407 {strides = array<i32>} : memref<32x128xf32, #tpu.memory_space<vmem>>, vector<1x16xf32>,
    }
    %scan3A_75 = arith.constant 16 : i32
    "tpu.region"() ({
      %run_scoped3A = tpu.sem_alloc : memref<!tpu.dma_semaphore, #tpu.memory_space<semaphore_mem>>
      %dma_start3A_76 = arith.constant 0 : i32
      %dma_start3A_77 = tpu.memref_slice %arg6[%mul3A_2, %dma_start3A_76] : memref<1024x128xf32, #tpu.memory_space<hbm>> -> memref<32x128xf32, #tpu.memory_space<hbm>>
      %dma_start3A_78 = arith.constant 0 : i32
      %dma_start3A_79 = tpu.memref_slice %arg6[%mul3A_2, %dma_start3A_78] : memref<1024x128xf32, #tpu.memory_space<hbm>> -> memref<32x128xf32, #tpu.memory_space<hbm>>
      tpu.enqueue_dma source(%arg17 : memref<32x128xf32, #tpu.memory_space<vmem>>) target(%dma_start3A_79 : memref<32x128xf32, #tpu.memory_space<hbm>>) target_semaphore(%run_scoped3A : memref<!tpu.dma_semaphore, #tpu.memory_space<semaphore_mem>>)
      %dma_wait3A = arith.constant 0 : i32
      %dma_wait3A_80 = tpu.memref_slice %arg6[%mul3A_2, %dma_wait3A] : memref<1024x128xf32, #tpu.memory_space<hbm>> -> memref<32x128xf32, #tpu.memory_space<hbm>>
      %dma_wait3A_81 = arith.constant 0 : i32
      %dma_wait3A_82 = tpu.memref_slice %arg6[%mul3A_2, %dma_wait3A_81] : memref<1024x128xf32, #tpu.memory_space<hbm>> -> memref<32x128xf32, #tpu.memory_space<hbm>>
      tpu.wait_dma2 semaphore(%run_scoped3A : memref<!tpu.dma_semaphore, #tpu.memory_space<semaphore_mem>>) src(%arg17 : memref<32x128xf32, #tpu.memory_space<vmem>>) dst(%dma_wait3A_82 : memref<32x128xf32, #tpu.memory_space<hbm>>)
      tpu.yield
    }) : () -> ()
    return
  }
}

module attributes {stable_mosaic.version = 14 : i64} {
  func.func @_fc_body(%arg0: memref<1024x128xf32, #tpu.memory_space<vmem>>, %arg1: memref<128x20xf32, #tpu.memory_space<vmem>>, %arg2: memref<1x20xf32, #tpu.memory_space<vmem>>, %arg3: memref<1024x20xf32, #tpu.memory_space<vmem>>) attributes {dimension_semantics = [], scalar_prefetch = 0 : i64, scratch_operands = 0 : i64, tpu.core_type = #tpu.core_type<tc>} {
    %get3A = arith.constant 0 : index
    %get3A_0 = arith.constant 0 : index
    %get3A_1 = vector.load %arg0[%get3A, %get3A_0] : memref<1024x128xf32, #tpu.memory_space<vmem>>, vector<1024x128xf32>
    %get3A_2 = arith.constant 0 : index
    %get3A_3 = arith.constant 0 : index
    %get3A_4 = vector.load %arg1[%get3A_2, %get3A_3] : memref<128x20xf32, #tpu.memory_space<vmem>>, vector<128x20xf32>
    %dot_general3A = arith.constant dense<0.000000e+00> : vector<1024x20xf32>
    %dot_general3A_5 = tpu.matmul %get3A_1, %get3A_4, %dot_general3A {dimension_numbers = #tpu.dot_dimension_numbers<[1], [0], [0], [1], [0, 0, 1, 1], [], []>, transpose_lhs_hint = false} : vector<1024x128xf32>, vector<128x20xf32>, vector<1024x20xf32> -> vector<1024x20xf32>
    %get3A_6 = arith.constant 0 : index
    %get3A_7 = arith.constant 0 : index
    %get3A_8 = vector.load %arg2[%get3A_6, %get3A_7] : memref<1x20xf32, #tpu.memory_space<vmem>>, vector<1x20xf32>
    %add3A = vector.broadcast %get3A_8 : vector<1x20xf32> to vector<1024x20xf32>
    %add3A_9 = arith.addf %dot_general3A_5, %add3A : vector<1024x20xf32>
    %max3A = arith.constant 0.000000e+00 : f32
    %max3A_10 = vector.broadcast %max3A : f32 to vector<1024x20xf32>
    %max3A_11 = arith.maximumf %add3A_9, %max3A_10 : vector<1024x20xf32>
    %reduce_max3A = arith.constant dense<0xFF800000> : vector<1024xf32>
    %reduce_max3A_12 = vector.multi_reduction <maximumf>, %max3A_11, %reduce_max3A [1] : vector<1024x20xf32> to vector<1024xf32>
    %broadcast_in_dim3A = vector.shape_cast %reduce_max3A_12 : vector<1024xf32> to vector<1024x1xf32>
    %sub3A = vector.broadcast %broadcast_in_dim3A : vector<1024x1xf32> to vector<1024x20xf32>
    %sub3A_13 = arith.subf %max3A_11, %sub3A : vector<1024x20xf32>
    %exp3A = math.exp %sub3A_13 : vector<1024x20xf32>
    %reduce_sum3A = arith.constant dense<0.000000e+00> : vector<1024xf32>
    %reduce_sum3A_14 = vector.multi_reduction <add>, %exp3A, %reduce_sum3A [1] : vector<1024x20xf32> to vector<1024xf32>
    %broadcast_in_dim3A_15 = vector.shape_cast %reduce_sum3A_14 : vector<1024xf32> to vector<1024x1xf32>
    %log3A = math.log %broadcast_in_dim3A_15 : vector<1024x1xf32>
    %add3A_16 = arith.addf %log3A, %broadcast_in_dim3A : vector<1024x1xf32>
    %sub3A_17 = vector.broadcast %add3A_16 : vector<1024x1xf32> to vector<1024x20xf32>
    %sub3A_18 = arith.subf %max3A_11, %sub3A_17 : vector<1024x20xf32>
    %swap3A = arith.constant 0 : index
    %swap3A_19 = arith.constant 0 : index
    %swap3A_20 = vector.load %arg3[%swap3A, %swap3A_19] : memref<1024x20xf32, #tpu.memory_space<vmem>>, vector<1024x20xf32>
    tpu.vector_store %arg3[%swap3A, %swap3A_19], %sub3A_18 {strides = array<i32>} : memref<1024x20xf32, #tpu.memory_space<vmem>>, vector<1024x20xf32>,
    return
  }
}

</mosaic_0001>

<sc_bundles>
// kernel: kernel.4.cloned.1.call-start
scs
__scs_entry_jumppad:
0x0: {  	(pc) =	sbr.rel $0x88, $3  }
0x1: {  	(tag) =	ssettag $0x0;
	lr =	simm.s32 $0x1  }
0x2: {  	[smem:$0x3F99] =	sst lr;
	_ =	strace $0xD0000000  }
0x3: {  	_ = 	snop  }
0x4: {  	_ = 	snop  }
0x5: {  	_ = 	snop  }
0x6: {  	_ = 	snop  }
0x7: {  	_ = 	snop  }
__scs_overlays_trampoline_lowered:
0x8: {  	[smem:$0x3FA8] =	sst s0  }
0x9: {  	[smem:$0x3FA9] =	sst s1  }
0xa: {  	[smem:$0x3FAA] =	sst s2  }
0xb: {  	[smem:$0x3FAB] =	sst s3  }
0xc: {  	[smem:$0x3FAC] =	sst s4  }
0xd: {  	[smem:$0x3FAD] =	sst s5  }
0xe: {  	[smem:$0x3FAE] =	sst s6  }
0xf: {  	[smem:$0x3FAF] =	sst s7  }
0x10: {  	[smem:$0x3FB0] =	sst s8  }
0x11: {  	[smem:$0x3FB1] =	sst s9;
	s0 =	simm.s32 @!p0 $0x0  }
0x12: {  	s1 =	sld [smem:$0x3F97];
	s0 =	simm.s32 @p0 $0x1  }
0x13: {  	[smem:$0x3FB2] =	sst s0;
	s0 =	simm.s32 @!p1 $0x0  }
0x14: {  	s2 =	sld [smem:$0x3F96];
	s0 =	simm.s32 @p1 $0x1  }
0x15: {  	[smem:$0x3FB3] =	sst s0;
	s0 =	simm.s32 @!p2 $0x0  }
0x16: {  	s3 =	sld [smem:$0x3FDB];
	s0 =	simm.s32 @p2 $0x1  }
0x17: {  	s4 =	simm.s32 $0x1BF5;
	[smem:$0x3FB5] =	sst s0  }
0x18: {  	s0 =	sld [smem:$0x3F98];
	_ =	swait.ge [sflag:s4], $0x0  }
0x19: {  	s7 =	sld [smem:$0x3F99]  }
0x1a: {  	s8 =	sadd.s32 $0xFFFFE003, lr  }
0x1b: {  	s9 =	sadd.s32 $0xFFFFFEF7, lr;
	s5 =	simm.s32 $0xFFFFFFFF;
	p2 =	slt.u32 s8, $0xFFFFF086  }
0x1c: {  	p1 =	slt.u32 s9, $0xF7A;
	s5 =	simm.s32 @!p2 $0x0  }
0x1d: {  	s5 =	simm.s32 @p1 $0x1;
	p0 =	seq.s32 s7, s2  }
0x1e: {  	s7 =	smul.u32 @!p0 $0xF7A, s2;
	p2 =	seq.s32 @!p0 s5, $0x0  }
0x1f: {  	s9 =	smul.u32 $0xF7A, s1;
	s8 =	simm.s32 @!p0 $0x1BF5;
	p2 =	por !p2, p0  }
0x20: {  	[sflag:s8] =	ssyncset.s32 @!p0 $0xFFFFF086;
	s6 =	sadd.s32 @!p0 s3, s7;
	s7 =	simm.s32 @!p0 $0x108  }
0x21: {  	s3 =	sadd.s32 s3, s9;
	s6 =	sadd.s32 @!p0 $0x88, s6;
	s7 =	simm.s32 @p2 $0x1082  }
0x22: {  	[simem:s7], [sflag:s8] =	dma.local @!p0 [hbm:s6], $0xF7A  }
0x23: {  	s9 =	sor.u32 $0xD0000000, s2;
	s6 =	simm.s32 $0x108;
	_ =	swait.ge @!p0 [sflag:s8], $0x0  }
0x24: {  	s3 =	sadd.s32 $0x88, s3;
	s6 =	simm.s32 @!p1 $0x1082;
	[sflag:s4] =	ssyncset.s32 $0xFFFFF086  }
0x25: {  	[simem:s6], [sflag:s4] =	dma.local [hbm:s3], $0xF7A  }
0x26: {  	[smem:$0x3F99] =	sst s1;
	(tag) =	ssettag s2;
	_ =	strace s9  }
0x27: {  	s1 =	sld [smem:$0x3FA9]  }
0x28: {  	s2 =	sld [smem:$0x3FAA]  }
0x29: {  	s4 =	sld [smem:$0x3FAC]  }
0x2a: {  	p0 =	seq.s32 s5, $0x0;
	s5 =	sld [smem:$0x3FAD]  }
0x2b: {  	s6 =	sld [smem:$0x3FAE]  }
0x2c: {  	s7 =	sld [smem:$0x3FAF]  }
0x2d: {  	s3 =	simm.s32 $0x108;
	s8 =	sld [smem:$0x3FB0]  }
0x2e: {  	s3 =	simm.s32 @!p0 $0x1082;
	s9 =	sld [smem:$0x3FB1]  }
0x2f: {  	lr =	sadd.s32 s0, s3;
	s0 =	sld [smem:$0x3FA8]  }
0x30: {  	s3 =	sld [smem:$0x3FAB]  }
0x31: {  	[smem:$0x3FB4] =	sst s10  }
0x32: {  	s10 =	sld [smem:$0x3FB2];
	_ =	sdelay $0x3  }
0x33: {  	p0 =	seq.s32 s10, $0x1;
	s10 =	sld [smem:$0x3FB4];
	_ =	sdelay $0x3  }
0x34: {  	[smem:$0x3FB4] =	sst s10  }
0x35: {  	s10 =	sld [smem:$0x3FB3];
	_ =	sdelay $0x3  }
0x36: {  	p1 =	seq.s32 s10, $0x1;
	s10 =	sld [smem:$0x3FB4];
	_ =	sdelay $0x3  }
0x37: {  	[smem:$0x3FB4] =	sst s10  }
0x38: {  	s10 =	sld [smem:$0x3FB5]  }
0x39: {  	_ = 	snop;
	(pc) =	sbr.ind lr, $3  }
0x3a: {  	_ = 	snop  }
0x3b: {  	_ = 	snop  }
0x3c: {  	p2 =	seq.s32 s10, $0x1;
	s10 =	sld [smem:$0x3FB4]  }
0x3d: {  	_ =	shalt  }
0x3e: {  	_ =	shalt  }
0x3f: {  	_ =	shalt  }
0x40: {  	_ =	shalt  }
0x41: {  	_ =	shalt  }
0x42: {  	_ =	shalt  }
0x43: {  	_ =	shalt  }
0x44: {  	_ =	shalt  }
0x45: {  	_ =	shalt  }
0x46: {  	_ =	shalt  }
0x47: {  	_ =	shalt  }
0x48: {  	_ =	shalt  }
0x49: {  	_ =	shalt  }
0x4a: {  	_ =	shalt  }
0x4b: {  	_ =	shalt  }
0x4c: {  	_ =	shalt  }
0x4d: {  	_ =	shalt  }
0x4e: {  	_ =	shalt  }
0x4f: {  	_ =	shalt  }
0x50: {  	_ =	shalt  }
0x51: {  	_ =	shalt  }
0x52: {  	_ =	shalt  }
0x53: {  	_ =	shalt  }
0x54: {  	_ =	shalt  }
0x55: {  	_ =	shalt  }
0x56: {  	_ =	shalt  }
0x57: {  	_ =	shalt  }
0x58: {  	_ =	shalt  }
0x59: {  	_ =	shalt  }
0x5a: {  	_ =	shalt  }
0x5b: {  	_ =	shalt  }
0x5c: {  	_ =	shalt  }
0x5d: {  	_ =	shalt  }
0x5e: {  	_ =	shalt  }
0x5f: {  	_ =	shalt  }
0x60: {  	_ =	shalt  }
0x61: {  	_ =	shalt  }
0x62: {  	_ =	shalt  }
0x63: {  	_ =	shalt  }
0x64: {  	_ =	shalt  }
0x65: {  	_ =	shalt  }
0x66: {  	_ =	shalt  }
0x67: {  	_ =	shalt  }
0x68: {  	_ =	shalt  }
0x69: {  	_ =	shalt  }
0x6a: {  	_ =	shalt  }
0x6b: {  	_ =	shalt  }
0x6c: {  	_ =	shalt  }
0x6d: {  	_ =	shalt  }
0x6e: {  	_ =	shalt  }
0x6f: {  	_ =	shalt  }
0x70: {  	_ =	shalt  }
0x71: {  	_ =	shalt  }
0x72: {  	_ =	shalt  }
0x73: {  	_ =	shalt  }
0x74: {  	_ =	shalt  }
0x75: {  	_ =	shalt  }
0x76: {  	_ =	shalt  }
0x77: {  	_ =	shalt  }
0x78: {  	_ =	shalt  }
0x79: {  	_ =	shalt  }
0x7a: {  	_ =	shalt  }
0x7b: {  	_ =	shalt  }
0x7c: {  	_ =	shalt  }
0x7d: {  	_ =	shalt  }
0x7e: {  	_ =	shalt  }
0x7f: {  	_ =	shalt  }
0x80: {  	_ =	shalt  }
0x81: {  	_ =	shalt  }
0x82: {  	_ =	shalt  }
0x83: {  	_ =	shalt  }
0x84: {  	_ =	shalt  }
0x85: {  	_ =	shalt  }
0x86: {  	_ =	shalt  }
0x87: {  	_ =	shalt  }
.Lfunc_end0:
.L_simem_size_0:
called_computation_lowered:
.L_overlay_start_0:
0x88: {  	s2 =	sld [smem:$0x3FD9]  }
0x89: {  	s3 =	sld [smem:$0x3FFE];
	_ =	sdelay $0x1  }
0x8a: {  	s1 =	srdreg.scid  }
0x8b: {  	s0 =	sand.u32 $0x1, s1  }
0x8c: {  	s17 =	sshll.u32 s0, $0xA;
	s2 =	sadd.s32 s3, s2  }
0x8d: {  	s2 =	sadd.s32 s2, s17  }
0x8e: {  	[smem:$0x3FC0] =	sst s2  }
0x8f: {  	_ = 	snop  }
0x90: {  	s2 =	sld [smem:$0x3FC6]  }
0x91: {  	s18 =	sld [smem:$0x3FC4];
	(tm) =	ssettm $0x1  }
0x92: {  	s4 =	sld [smem:$0x3FFB];
	_ =	sdelay $0x3  }
0x93: {  	_ =	strace s4  }
0x94: {  	s4 =	sld [smem:$0x3FFC];
	_ =	sdelay $0x3  }
0x95: {  	_ =	strace s4  }
0x96: {  	s4 =	sld [smem:$0x3FFD];
	_ =	sdelay $0x3  }
0x97: {  	_ =	strace s4  }
0x98: {  	_ =	strace $0x8FFFFFFF  }
0x99: {  	s19 =	sld [smem:$0x3FDB];
	_ =	sdelay $0x1  }
0x9a: {  	s5 =	simm.s32 $_scs_section_size  }
0x9b: {  	s6 =	simm.s32 $_size__tile_overlayer_lowered;
	s7 =	simm.s32 $_tile_overlayer_lowered  }
0x9c: {  	s22 =	simm.s32 $0x1BFF;
	s21 =	sshll.u32 s7, $0x1;
	s4 =	sadd.s32 s5, s19  }
0x9d: {  	s8 =	simm.s32 $0x0;
	s20 =	sshll.u32 s6, $0x1;
	s6 =	sadd.s32 s21, s4  }
0x9e: {  	[timem:s8], [sflag:s22] =	dma.local [hbm:s6], s20  }
0x9f: {  	_ =	swait.ge [sflag:s22], s20  }
0xa0: {  	s5 =	ssub.s32 $0x0, s20;
	[sflag:s22] =	ssyncset.done $0x0  }
0xa1: {  	[sflag:s22] =	ssyncadd.s32 s5;
	_ =	sdelay $0x1  }
0xa2: {  	s23 =	simm.s32 $0x1B8B  }
0xa3: {  	_ =	swait.ge [sflag:s23], $0x1  }
0xa4: {  	[sflag:s23] =	ssyncset.done $0x0  }
0xa5: {  	s25 =	simm.s32 $0x1B8E;
	s24 =	sld [smem:$0x3FFE];
	[sflag:s23] =	ssyncadd.s32 $0xFFFFFFFF  }
0xa6: {  	s26 =	simm.s32 $execute0_lowered;
	[smem:$0x3FD2] =	sst s25  }
0xa7: {  	s6 =	sshll.u32 s26, $0x1;
	_ =	strace $0x80000046;
	[dreg:$0x1] =	wrdreg $0xFFFFFFFF  }
0xa8: {  	s28 =	simm.s32 $_size_execute0_lowered;
	s4 =	sadd.s32 s4, s6;
	[dreg:$0x0] =	wrdreg $0x0  }
0xa9: {  	s6 =	sshll.u32 s28, $0x1;
	[dreg:$0x2] =	wrdreg s4  }
0xaa: {  	[dreg:$0x3] =	wrdreg s6  }
0xab: {  	[dreg:$0x4] =	wrdreg $0xC0  }
0xac: {  	_ =	task [dreg:s8], $0x5FFFF  }
0xad: {  	[dreg:$0x1] =	wrdreg $0xFFFFFFFF  }
0xae: {  	[dreg:$0x0] =	wrdreg $0x60  }
0xaf: {  	[dreg:$0x2] =	wrdreg s2  }
0xb0: {  	[dreg:$0x3] =	wrdreg s24  }
0xb1: {  	[dreg:$0x4] =	wrdreg s18  }
0xb2: {  	[dreg:$0x5] =	wrdreg $0x9  }
0xb3: {  	_ =	task.clear_ibuf [dreg:s8], $0x6FFFF;
	_ =	strace $0x90000046  }
0xb4: {  	s29 =	simm.s32 $0x9;
	_ =	strace $0x80000048  }
0xb5: {  	_ =	swait.ge [sflag:s29], $0x1  }
0xb6: {  	[sflag:s29] =	ssyncadd.s32 $0xFFFFFFFF  }
0xb7: {  	_ =	strace $0x90000048  }
0xb8: {  	_ =	sfence  }
0xb9: {  	s30 =	sld [smem:$0x0];
	_ =	sdelay $0x2  }
0xba: {  	s31 =	sshll.u32 s1, $0xD;
	s1 =	sshrl.u32 s1, $0x2  }
0xbb: {  	s3 =	sand.u32 $0x4000, s31;
	s1 =	sadd.s32 s1, s30  }
0xbc: {  	s0 =	sor.u32 s3, s0;
	s1 =	sshll.u32 s1, $0x11  }
0xbd: {  	s0 =	sor.u32 s1, s0  }
0xbe: {  	s0 =	sadd.s32 $0x8F2B, s0  }
0xbf: {  	[sflag:s0] =	ssyncadd.remote.s32 $0x1  }
0xc0: {  	_ =	sfence.sel $0xFFFF  }
0xc1: {  	[dreg:$0x0] =	wrdreg $0xFFFFFFFF;
	(pc) =	sbr.abs _section_cstart, $3  }
0xc2: {  	[dreg:$0x1] =	wrdreg $0xFFFFFFFF  }
0xc3: {  	_ =	task.clear_ibuf [dreg:s8], $0x2FFFF;
	_ =	strace $0x9FFFFFFF  }
0xc4: {  	(tm) =	ssettm $0x7FFFFFFF  }
0xc5: {  	_ =	shalt  }
tec
execute0_lowered:
.L_overlay_start_1:
0x0: {  	(tag) =	ssettag $0x1  }
0x1: {  	s1 =	rddreg [dreg:$0x0]  }
0x2: {  	s0 =	rddreg [dreg:$0x1]  }
0x3: {  	s3 =	rddreg [dreg:$0x2]  }
0x4: {  	s2 =	srdreg.scid;
	s4 =	stileid.u32  }
0x5: {  	s15 =	simm.s32 $0x0;
	s11 =	simm.s32 $0x80;
	s12 =	simm.s32 $0x400  }
0x6: {  	s13 =	simm.s32 $0x3;
	s24 =	simm.s32 $0x10;
	s30 =	simm.s32 $0x38  }
0x7: {  	s14 =	simm.s32 $0x380;
	s28 =	simm.s32 $0x18F00;
	s29 =	simm.s32 $0x690  }
0x8: {  	s31 =	simm.s32 $0x1D380;
	s9 =	simm.s32 $0x1;
	s10 =	simm.s32 $0x2  }
0x9: {  	s16 =	simm.s32 $0x0;
	s2 =	sand.u32 $0x1, s2;
	s4 =	sshll.u32 s4, $0x6  }
0xa: {  	[smem:$0x7FF] =	sst s15;
	s6 =	sadd.s32 $0x800, s0;
	s5 =	sshll.u32 s2, $0x5  }
0xb: {  	s7 =	sadd.s32 $0x2FB400, s0;
	s2 =	ssub.s32 $0x2, s2;
	s5 =	sor.u32 s5, s4  }
0xc: {  	_ =	strace $0x80000047;
	s25 =	sshrl.u32 s2, $0x1;
	s4 =	sshrl.u32 s5, $0x3  }
0xd: {  	s8 =	sshll.u32 s5, $0x4;
	s2 =	ssub.s32 s2, s25;
	s25 =	simm.s32 $0x19A00  }
0xe: {  	s4 =	smul.u32 $0x380, s4;
	s0 =	sadd.s32 s8, s0;
	s26 =	smax.u32 s2, $0x1  }
0xf: {  	s2 =	simm.s32 $0x6A0;
	s0 =	sadd.s32 $0x317400, s0;
	[dreg:$0x6] =	wrdreg s26  }
0x10: {  	s8 =	simm.s32 $0x1B700;
	s4 =	sadd.s32 s7, s4;
	[dreg:$0x5] =	wrdreg s0  }
0x11: {  	s26 =	simm.s32 $0x500;
	s0 =	simm.s32 $0x19A80;
	[dreg:$0x4] =	wrdreg s4  }
.LBB2_1:
0x12: {  	[dreg:$0x7] =	wrdreg s16  }
0x13: {  	s4 =	rddreg [dreg:$0x4]  }
0x14: {  	[tilespmem:s15], [sflag:$0x3] =	stream.strided.gather [hbm4b:s4+s11], $0x380, s12, s11, $0x38;
	[tilespmem:$0x1E400] =	vst v63  }
0x15: {  	_ =	swait.ge [sflag:s13], $0x380  }
0x16: {  	[sflag:s13] =	ssyncset.done $0x0  }
0x17: {  	s16 =	simm.s32 $0x700;
	[sflag:s13] =	ssyncadd.s32 $0xFFFFFC80  }
0x18: {  	[tilespmem:s16], [sflag:$0x1] =	stream.indirect.gather [hbm4b:s1+s11], $0x80, s15, s11, $0xb8;
	[tilespmem:$0x1E400] =	vst v63  }
0x19: {  	s17 =	simm.s32 $0x190;
	s18 =	simm.s32 $0x19700  }
0x1a: {  	[tilespmem:s18], [sflag:$0x1] =	stream.indirect.gather [hbm4b:s6+s11], $0x1, s17, s11, $0xb8;
	[tilespmem:$0x1E400] =	vst v63  }
0x1b: {  	s19 =	simm.s32 $0x4700  }
0x1c: {  	[tilespmem:s19], [sflag:$0x1] =	stream.indirect.gather [hbm4b:s1+s11], $0x80, s11, s11, $0xb8;
	[tilespmem:$0x1E400] =	vst v63  }
0x1d: {  	s20 =	simm.s32 $0x210;
	s21 =	simm.s32 $0x19780  }
0x1e: {  	[tilespmem:s21], [sflag:$0x1] =	stream.indirect.gather [hbm4b:s6+s11], $0x1, s20, s11, $0xb8;
	[tilespmem:$0x1E400] =	vst v63  }
0x1f: {  	s22 =	simm.s32 $0x100;
	s23 =	simm.s32 $0x8700  }
0x20: {  	[tilespmem:s23], [sflag:$0x1] =	stream.indirect.gather [hbm4b:s1+s11], $0x80, s22, s11, $0xb8;
	[tilespmem:$0x1E400] =	vst v63  }
0x21: {  	s15 =	simm.s32 $0x290;
	s16 =	simm.s32 $0x19800  }
0x22: {  	[tilespmem:s16], [sflag:$0x1] =	stream.indirect.gather [hbm4b:s6+s11], $0x1, s15, s11, $0xb8;
	[tilespmem:$0x1E400] =	vst v63  }
0x23: {  	s17 =	simm.s32 $0x180;
	s18 =	simm.s32 $0xC700  }
0x24: {  	[tilespmem:s18], [sflag:$0x1] =	stream.indirect.gather [hbm4b:s1+s24], $0x80, s17, s24, $0xb8;
	[tilespmem:$0x1E400] =	vst v63  }
0x25: {  	s19 =	simm.s32 $0x310;
	s20 =	simm.s32 $0x19880  }
0x26: {  	[tilespmem:s20], [sflag:$0x1] =	stream.indirect.gather [hbm4b:s6+s24], $0x1, s19, s24, $0xb8;
	[tilespmem:$0x1E400] =	vst v63  }
0x27: {  	s21 =	simm.s32 $0x320;
	s22 =	simm.s32 $0x19B00  }
0x28: {  	[tilespmem:s22], [sflag:$0x1] =	stream.indirect.gather [hbm4b:s1+s30], $0x80, s21, s30, $0xb8;
	[tilespmem:$0x1E400] =	vst v63  }
0x29: {  	s4 =	simm.s32 $0x0;
	s23 =	simm.s32 $0x1D300  }
0x2a: {  	[tilespmem:s23], [sflag:$0x1] =	stream.indirect.gather [hbm4b:s3+s30], $0x1, s21, s30, $0xb8;
	[tilespmem:$0x1E400] =	vst v63  }
.LBB2_2:
0x2b: {  	s16 =	sshll.u32 s4, $0x1  }
0x2c: {  	s15 =	sor.u32 s5, s16  }
0x2d: {  	s17 =	sshll.u32 s4, $0x8;
	s15 =	sshrl.u32 s15, $0x3  }
0x2e: {  	s18 =	smul.u32 $0x1C00, s15;
	s15 =	sor.u32 $0x80, s17  }
0x2f: {  	s19 =	sand.u32 $0x380, s15  }
0x30: {  	s18 =	sor.u32 s19, s18  }
0x31: {  	s18 =	sshrl.u32 s18, $0x3  }
0x32: {  	s18 =	sadd.s32 s7, s18  }
0x33: {  	[tilespmem:s14], [sflag:$0x3] =	stream.strided.gather [hbm4b:s18+s11], $0x380, s12, s11, $0x38;
	[tilespmem:$0x1E400] =	vst v63  }
0x34: {  	_ =	swait.ge [sflag:s13], $0x380  }
0x35: {  	[sflag:s13] =	ssyncset.done $0x0  }
0x36: {  	s20 =	simm.s32 $0xCF00;
	[sflag:s13] =	ssyncadd.s32 $0xFFFFFC80  }
0x37: {  	[tilespmem:s20], [sflag:$0x2] =	stream.indirect.gather [hbm4b:s1+s11], $0x80, s14, s11, $0xb8;
	[tilespmem:$0x1E400] =	vst v63  }
0x38: {  	s21 =	simm.s32 $0x510;
	s22 =	simm.s32 $0x19900  }
0x39: {  	[tilespmem:s22], [sflag:$0x2] =	stream.indirect.gather [hbm4b:s6+s11], $0x1, s21, s11, $0xb8;
	[tilespmem:$0x1E400] =	vst v63  }
0x3a: {  	s23 =	simm.s32 $0x10F00  }
0x3b: {  	[tilespmem:s23], [sflag:$0x2] =	stream.indirect.gather [hbm4b:s1+s11], $0x80, s12, s11, $0xb8;
	[tilespmem:$0x1E400] =	vst v63  }
0x3c: {  	s19 =	simm.s32 $0x590;
	s20 =	simm.s32 $0x19980  }
0x3d: {  	[tilespmem:s20], [sflag:$0x2] =	stream.indirect.gather [hbm4b:s6+s11], $0x1, s19, s11, $0xb8;
	[tilespmem:$0x1E400] =	vst v63  }
0x3e: {  	s21 =	simm.s32 $0x480;
	s22 =	simm.s32 $0x14F00  }
0x3f: {  	[tilespmem:s22], [sflag:$0x2] =	stream.indirect.gather [hbm4b:s1+s11], $0x80, s21, s11, $0xb8;
	[tilespmem:$0x1E400] =	vst v63  }
0x40: {  	s23 =	simm.s32 $0x610  }
0x41: {  	[tilespmem:s25], [sflag:$0x2] =	stream.indirect.gather [hbm4b:s6+s11], $0x1, s23, s11, $0xb8;
	[tilespmem:$0x1E400] =	vst v63  }
0x42: {  	_ = 	snop  }
0x43: {  	[tilespmem:s28], [sflag:$0x2] =	stream.indirect.gather [hbm4b:s1+s24], $0x80, s26, s24, $0xb8;
	[tilespmem:$0x1E400] =	vst v63  }
0x44: {  	_ = 	snop  }
0x45: {  	[tilespmem:s0], [sflag:$0x2] =	stream.indirect.gather [hbm4b:s6+s24], $0x1, s29, s24, $0xb8;
	[tilespmem:$0x1E400] =	vst v63  }
0x46: {  	_ = 	snop  }
0x47: {  	[tilespmem:s8], [sflag:$0x2] =	stream.indirect.gather [hbm4b:s1+s30], $0x80, s2, s30, $0xb8;
	[tilespmem:$0x1E400] =	vst v63  }
0x48: {  	_ = 	snop  }
0x49: {  	[tilespmem:s31], [sflag:$0x2] =	stream.indirect.gather [hbm4b:s3+s30], $0x1, s2, s30, $0xb8;
	[tilespmem:$0x1E400] =	vst v63  }
0x4a: {  	_ =	swait.ge [sflag:s9], $0x4000  }
0x4b: {  	[sflag:s9] =	ssyncset.done $0x0  }
0x4c: {  	[sflag:s9] =	ssyncadd.s32 $0xFFFFC000  }
0x4d: {  	_ =	swait.ge [sflag:s9], $0x80  }
0x4e: {  	[sflag:s9] =	ssyncset.done $0x0  }
0x4f: {  	[sflag:s9] =	ssyncadd.s32 $0xFFFFFF80  }
0x50: {  	_ =	swait.ge [sflag:s9], $0x4000  }
0x51: {  	[sflag:s9] =	ssyncset.done $0x0  }
0x52: {  	[sflag:s9] =	ssyncadd.s32 $0xFFFFC000  }
0x53: {  	_ =	swait.ge [sflag:s9], $0x80  }
0x54: {  	[sflag:s9] =	ssyncset.done $0x0  }
0x55: {  	[sflag:s9] =	ssyncadd.s32 $0xFFFFFF80  }
0x56: {  	_ =	swait.ge [sflag:s9], $0x4000  }
0x57: {  	[sflag:s9] =	ssyncset.done $0x0  }
0x58: {  	[sflag:s9] =	ssyncadd.s32 $0xFFFFC000  }
0x59: {  	_ =	swait.ge [sflag:s9], $0x80  }
0x5a: {  	[sflag:s9] =	ssyncset.done $0x0  }
0x5b: {  	[sflag:s9] =	ssyncadd.s32 $0xFFFFFF80  }
0x5c: {  	_ =	swait.ge [sflag:s9], $0x800  }
0x5d: {  	[sflag:s9] =	ssyncset.done $0x0  }
0x5e: {  	[sflag:s9] =	ssyncadd.s32 $0xFFFFF800  }
0x5f: {  	_ =	swait.ge [sflag:s9], $0x10  }
0x60: {  	[sflag:s9] =	ssyncset.done $0x0  }
0x61: {  	[sflag:s9] =	ssyncadd.s32 $0xFFFFFFF0  }
0x62: {  	_ =	swait.ge [sflag:s9], $0x1C00  }
0x63: {  	[sflag:s9] =	ssyncset.done $0x0  }
0x64: {  	[sflag:s9] =	ssyncadd.s32 $0xFFFFE400  }
0x65: {  	_ =	swait.ge [sflag:s9], $0x38  }
0x66: {  	[sflag:s9] =	ssyncset.done $0x0  }
0x67: {  	s18 =	simm.s32 $0x900;
	[sflag:s9] =	ssyncadd.s32 $0xFFFFFFC8  }
0x68: {  	v0 =	vld [tilespmem:s18+$0x180]  }
0x69: {  	v1 =	vld [tilespmem:s18+$0x190]  }
0x6a: {  	v2 =	vld [tilespmem:s18+$0x1A0]  }
0x6b: {  	v3 =	vld [tilespmem:s18+$0x1B0]  }
0x6c: {  	v4 =	vld [tilespmem:s18+$0x1C0]  }
0x6d: {  	v5 =	vld [tilespmem:s18+$0x1D0]  }
0x6e: {  	v6 =	vld [tilespmem:s18+$0x1E0]  }
0x6f: {  	v7 =	vld [tilespmem:s18+$0x1F0]  }
0x70: {  	v8 =	vld [tilespmem:s18+$0x100]  }
0x71: {  	v9 =	vld [tilespmem:s18+$0x110]  }
0x72: {  	v17 =	vld [tilespmem:s18+$0x120]  }
0x73: {  	v18 =	vld [tilespmem:s18+$0x130]  }
0x74: {  	v19 =	vld [tilespmem:s18+$0x140]  }
0x75: {  	v20 =	vld [tilespmem:s18+$0x150]  }
0x76: {  	v21 =	vld [tilespmem:s18+$0x160]  }
0x77: {  	v26 =	vld [tilespmem:s18+$0x170]  }
0x78: {  	v31 =	vld [tilespmem:s18+$0x80]  }
0x79: {  	v33 =	vld [tilespmem:s18+$0x90]  }
0x7a: {  	v34 =	vld [tilespmem:s18+$0xA0]  }
0x7b: {  	v35 =	vld [tilespmem:s18+$0xB0]  }
0x7c: {  	v36 =	vld [tilespmem:s18+$0xC0]  }
0x7d: {  	v37 =	vld [tilespmem:s18+$0xD0]  }
0x7e: {  	v38 =	vld [tilespmem:s18+$0xE0]  }
0x7f: {  	v39 =	vld [tilespmem:s18+$0xF0]  }
0x80: {  	v40 =	vld [tilespmem:s18+$0x0]  }
0x81: {  	s19 =	simm.s32 $0x19700;
	v41 =	vld [tilespmem:s18+$0x10]  }
0x82: {  	v10 =	vld [tilespmem:s19+$0x0]  }
0x83: {  	v42 =	vld [tilespmem:s18+$0x20]  }
0x84: {  	v43 =	vld [tilespmem:s18+$0x30]  }
0x85: {  	v44 =	vld [tilespmem:s18+$0x40]  }
0x86: {  	v45 =	vld [tilespmem:s18+$0x50]  }
0x87: {  	v46 =	vld [tilespmem:s18+$0x60]  }
0x88: {  	v47 =	vld [tilespmem:s18+$0x70]  }
0x89: {  	v48 =	vld [tilespmem:s18+$0xFFFFFF80]  }
0x8a: {  	v49 =	vld [tilespmem:s18+$0xFFFFFF90];
	v30 =	vbroadcast v10, $0x6;
	v22 =	vbroadcast v10, $0x7  }
0x8b: {  	v52 =	vld [tilespmem:s18+$0xFFFFFFA0];
	v50 =	vbroadcast v10, $0x4;
	v51 =	vbroadcast v10, $0x5  }
0x8c: {  	v55 =	vld [tilespmem:s18+$0xFFFFFFB0];
	v53 =	vbroadcast v10, $0x2;
	v54 =	vbroadcast v10, $0x3  }
0x8d: {  	v58 =	vld [tilespmem:s18+$0xFFFFFFC0];
	v56 =	vbroadcast v10, $0x0;
	v57 =	vbroadcast v10, $0x1  }
0x8e: {  	v59 =	vld [tilespmem:s18+$0xFFFFFFD0];
	v10 =	vmul.f32 v0, v22;
	v11 =	vmul.f32 v1, v22  }
0x8f: {  	v63 =	vld [tilespmem:s18+$0xFFFFFF10];
	v13 =	vmul.f32 v2, v22;
	v12 =	vmul.f32 v3, v22  }
0x90: {  	v60 =	vld [tilespmem:s18+$0xFFFFFE80];
	v14 =	vmul.f32 v4, v22;
	v15 =	vmul.f32 v5, v22  }
0x91: {  	v0 =	vld [tilespmem:s18+$0xFFFFFFE0];
	v16 =	vmul.f32 v6, v22;
	v62 =	vmul.f32 v7, v22  }
0x92: {  	v1 =	vld [tilespmem:s18+$0xFFFFFFF0];
	v22 =	vmul.f32 v8, v30;
	v23 =	vmul.f32 v9, v30  }
0x93: {  	v3 =	vld [tilespmem:s18+$0xFFFFFF00];
	v24 =	vmul.f32 v17, v30;
	v25 =	vmul.f32 v18, v30  }
0x94: {  	v4 =	vld [tilespmem:s18+$0xFFFFFF20];
	v28 =	vmul.f32 v19, v30;
	v27 =	vmul.f32 v20, v30  }
0x95: {  	v5 =	vld [tilespmem:s18+$0xFFFFFF30];
	v29 =	vmul.f32 v21, v30;
	v30 =	vmul.f32 v26, v30  }
0x96: {  	v6 =	vld [tilespmem:s18+$0xFFFFFF40];
	v32 =	vmul.f32 v31, v51;
	v31 =	vmul.f32 v33, v51  }
0x97: {  	v8 =	vld [tilespmem:s18+$0xFFFFFF50];
	v33 =	vmul.f32 v34, v51;
	v34 =	vmul.f32 v35, v51  }
0x98: {  	v9 =	vld [tilespmem:s18+$0xFFFFFF60];
	v35 =	vmul.f32 v36, v51;
	v36 =	vmul.f32 v37, v51  }
0x99: {  	v17 =	vld [tilespmem:s18+$0xFFFFFF70];
	v38 =	vmul.f32 v38, v51;
	v37 =	vmul.f32 v39, v51  }
0x9a: {  	v18 =	vld [tilespmem:s18+$0xFFFFFE00];
	v39 =	vmul.f32 v40, v50;
	v40 =	vmul.f32 v41, v50  }
0x9b: {  	v19 =	vld [tilespmem:s18+$0xFFFFFE10];
	v42 =	vmul.f32 v42, v50;
	v2 =	vmul.f32 v48, v54  }
0x9c: {  	v20 =	vld [tilespmem:s18+$0xFFFFFE20];
	v41 =	vmul.f32 v43, v50;
	v43 =	vmul.f32 v44, v50  }
0x9d: {  	v21 =	vld [tilespmem:s18+$0xFFFFFE30];
	v44 =	vmul.f32 v45, v50;
	[tilespmem:$0x1FFB0] =	vst v2;
	v2 =	vmul.f32 v49, v54  }
0x9e: {  	v26 =	vld [tilespmem:s18+$0xFFFFFE40];
	v45 =	vmul.f32 v46, v50;
	v46 =	vmul.f32 v47, v50  }
0x9f: {  	v47 =	vld [tilespmem:s18+$0xFFFFFE50];
	v59 =	vmul.f32 v59, v54;
	[tilespmem:$0x1FFC0] =	vst v2;
	v2 =	vmul.f32 v52, v54  }
0xa0: {  	v50 =	vld [tilespmem:s18+$0xFFFFFE60];
	v61 =	vmul.f32 v0, v54;
	v48 =	vmul.f32 v3, v53  }
0xa1: {  	v51 =	vld [tilespmem:s18+$0xFFFFFE70];
	v52 =	vmul.f32 v4, v53;
	v49 =	vmul.f32 v5, v53  }
0xa2: {  	v3 =	vld [tilespmem:s18+$0xFFFFFEB0];
	v6 =	vmul.f32 v6, v53;
	v8 =	vmul.f32 v8, v53  }
0xa3: {  	v9 =	vmul.f32 v9, v53;
	v17 =	vmul.f32 v17, v53;
	v0 =	vld [tilespmem:s18+$0xFFFFFEF0]  }
0xa4: {  	[tilespmem:$0x1FFD0] =	vst v2;
	v2 =	vmul.f32 v55, v54;
	v55 =	vmul.f32 v63, v53;
	v63 =	vld [tilespmem:s18+$0xFFFFFEC0]  }
0xa5: {  	v18 =	vmul.f32 v56, v18;
	v19 =	vmul.f32 v19, v56;
	v53 =	vld [tilespmem:s18+$0xFFFFFED0]  }
0xa6: {  	[tilespmem:$0x1FFE0] =	vst v2;
	v2 =	vmul.f32 v58, v54;
	v58 =	vmul.f32 v1, v54;
	v54 =	vld [tilespmem:s18+$0xFFFFFEA0]  }
0xa7: {  	v20 =	vmul.f32 v20, v56;
	v21 =	vmul.f32 v21, v56;
	v1 =	vld [tilespmem:s18+$0xFFFFFEE0]  }
0xa8: {  	v26 =	vmul.f32 v26, v56;
	v47 =	vmul.f32 v47, v56;
	[tilespmem:$0x1FFF0] =	vst v2;
	v2 =	vld [tilespmem:s18+$0xFFFFFE90]  }
0xa9: {  	v50 =	vmul.f32 v50, v56;
	v51 =	vmul.f32 v51, v56  }
0xaa: {  	v56 =	vmul.f32 v60, v57;
	v7 =	vmul.f32 v3, v57  }
0xab: {  	s20 =	simm.s32 $0x19B40;
	v63 =	vmul.f32 v63, v57;
	v53 =	vmul.f32 v53, v57  }
0xac: {  	s21 =	simm.s32 $0x0;
	v3 =	vld [tilespmem:s20+$0xFFFFFFF0];
	v54 =	vmul.f32 v54, v57;
	v1 =	vmul.f32 v1, v57  }
0xad: {  	v2 =	vmul.f32 v2, v57;
	v57 =	vmul.f32 v0, v57;
	v0 =	vld.msk [tilespmem:s21+$0x1D300 ss:$0x0], $0xffff;
	_ =	sdelay $0x2  }
0xae: {  	v2 =	vmax.f32 v19, v2  }
0xaf: {  	v19 =	vmax.f32 v20, v54;
	v20 =	vmax.f32 v21, v7;
	v21 =	vmax.f32 v26, v63  }
0xb0: {  	v6 =	vmax.f32 v21, v6;
	v21 =	vmul.f32 v3, v0;
	v3 =	vld [tilespmem:$0x1FFB0];
	_ =	sdelay $0x2  }
0xb1: {  	v18 =	vmax.f32 v18, v56  }
0xb2: {  	v48 =	vmax.f32 v18, v48  }
0xb3: {  	v56 =	vmax.f32 v51, v57;
	v51 =	vmax.f32 v48, v3;
	v3 =	vld [tilespmem:$0x1FFC0];
	_ =	sdelay $0x3  }
0xb4: {  	v2 =	vmax.f32 v2, v55  }
0xb5: {  	v54 =	vmax.f32 v2, v3;
	v2 =	vld [tilespmem:$0x1FFD0];
	_ =	sdelay $0x2  }
0xb6: {  	v60 =	vld [tilespmem:s20+$0xFFFFFFC0]  }
0xb7: {  	v4 =	vld [tilespmem:s20+$0xFFFFFFD0];
	v1 =	vmax.f32 v50, v1;
	v52 =	vmax.f32 v19, v52  }
0xb8: {  	v1 =	vmax.f32 v1, v9;
	v9 =	vmax.f32 v56, v17;
	v56 =	vmax.f32 v52, v2;
	v2 =	vld [tilespmem:$0x1FFE0]  }
0xb9: {  	v5 =	vld [tilespmem:s20+$0xFFFFFFE0]  }
0xba: {  	v26 =	vmax.f32 v47, v53;
	v47 =	vld [tilespmem:s20+$0x0]  }
0xbb: {  	v57 =	vld [tilespmem:s20+$0x10]  }
0xbc: {  	v18 =	vimm.f32 $0.0e+00;
	v49 =	vmax.f32 v20, v49;
	v8 =	vmax.f32 v26, v8  }
0xbd: {  	v17 =	vimm.f32 $0.0e+00;
	v55 =	vmax.f32 v8, v59;
	v52 =	vmax.f32 v49, v2;
	v2 =	vld [tilespmem:$0x1FFF0]  }
0xbe: {  	v50 =	vmax.f32 v9, v58;
	v59 =	vimm.f32 $0.0e+00;
	v26 =	vmul.f32 v60, v0  }
0xbf: {  	v58 =	vimm.f32 $0.0e+00;
	v4 =	vmul.f32 v4, v0;
	v63 =	vmul.f32 v5, v0  }
0xc0: {  	v60 =	vimm.f32 $0.0e+00;
	v20 =	vmul.f32 v47, v0;
	v19 =	vmul.f32 v57, v0  }
0xc1: {  	[tilespmem:$0x1FFA0] =	vst v63;
	v47 =	vsub.f32 $1.000000000e+00, v0;
	v63 =	vimm.f32 $0.0e+00;
	v57 =	vimm.f32 $0.0e+00  }
0xc2: {  	s22 =	simm.s32 $0x4;
	s21 =	simm.s32 $0x19BC0;
	[tilespmem:$0x1FF90] =	vst v4;
	v49 =	vmax.f32 v1, v61;
	v61 =	vimm.f32 $0.0e+00;
	v53 =	vmax.f32 v6, v2  }
.LBB2_3:
0xc3: {  	v48 =	vld [tilespmem:s21+$0xFFFFFFC0]  }
0xc4: {  	v51 =	vmax.f32 v51, v39;
	v39 =	vld [tilespmem:s21+$0xFFFFFFD0]  }
0xc5: {  	v54 =	vmax.f32 v54, v40;
	v40 =	vld [tilespmem:s21+$0xFFFFFFE0]  }
0xc6: {  	v5 =	vmax.f32 v51, v32;
	v32 =	vld [tilespmem:s21+$0xFFFFFFF0]  }
0xc7: {  	v42 =	vmax.f32 v56, v42;
	v6 =	vmax.f32 v54, v31;
	v31 =	vld [tilespmem:s21+$0x0]  }
0xc8: {  	v44 =	vmax.f32 v55, v44;
	v42 =	vmax.f32 v42, v33;
	v33 =	vld [tilespmem:s21+$0x10]  }
0xc9: {  	v45 =	vmax.f32 v49, v45;
	v36 =	vmax.f32 v44, v36;
	v44 =	vld [tilespmem:s20+$0x20]  }
0xca: {  	v41 =	vmax.f32 v52, v41;
	s18 =	sadd.s32 $0x400, s18;
	v38 =	vmax.f32 v45, v38;
	v45 =	vld [tilespmem:s20+$0x30]  }
0xcb: {  	v43 =	vmax.f32 v53, v43;
	v34 =	vmax.f32 v41, v34;
	v41 =	vld [tilespmem:s18+$0x150]  }
0xcc: {  	v35 =	vmax.f32 v43, v35;
	v43 =	vld [tilespmem:s18+$0x170]  }
0xcd: {  	v49 =	vld [tilespmem:s18+$0xB0]  }
0xce: {  	v46 =	vmax.f32 v50, v46;
	v50 =	vld [tilespmem:s18+$0xC0]  }
0xcf: {  	v51 =	vld [tilespmem:s18+$0xD0]  }
0xd0: {  	v52 =	vld [tilespmem:s18+$0xE0]  }
0xd1: {  	v53 =	vld [tilespmem:s18+$0xF0]  }
0xd2: {  	v54 =	vld [tilespmem:s18+$0x0]  }
0xd3: {  	v55 =	vld [tilespmem:s18+$0x10]  }
0xd4: {  	v56 =	vld [tilespmem:s18+$0x20]  }
0xd5: {  	v7 =	vmax.f32 v5, v22;
	v22 =	vld [tilespmem:s18+$0x180]  }
0xd6: {  	v27 =	vmax.f32 v36, v27;
	v36 =	vld [tilespmem:s18+$0x100]  }
0xd7: {  	v25 =	vmax.f32 v34, v25;
	v34 =	vld [tilespmem:s18+$0x110]  }
0xd8: {  	v37 =	vmax.f32 v46, v37;
	v28 =	vmax.f32 v35, v28;
	v35 =	vld [tilespmem:s18+$0x120]  }
0xd9: {  	v30 =	vmax.f32 v37, v30;
	v37 =	vld [tilespmem:s18+$0x130]  }
0xda: {  	v29 =	vmax.f32 v38, v29;
	v38 =	vld [tilespmem:s18+$0x140]  }
0xdb: {  	v24 =	vmax.f32 v42, v24;
	v42 =	vld [tilespmem:s18+$0x160]  }
0xdc: {  	v13 =	vmax.f32 v24, v13;
	v24 =	vld [tilespmem:s18+$0x1A0]  }
0xdd: {  	v12 =	vmax.f32 v25, v12;
	v25 =	vld [tilespmem:s18+$0x1B0]  }
0xde: {  	v15 =	vmax.f32 v27, v15;
	v27 =	vld [tilespmem:s18+$0x1C0]  }
0xdf: {  	v23 =	vmax.f32 v6, v23;
	v14 =	vmax.f32 v28, v14;
	v28 =	vld [tilespmem:s18+$0x1D0]  }
0xe0: {  	v10 =	vmax.f32 v7, v10;
	v11 =	vmax.f32 v23, v11;
	v23 =	vld [tilespmem:s18+$0x190]  }
0xe1: {  	v16 =	vmax.f32 v29, v16;
	v13 =	vmul.f32 v47, v13;
	v29 =	vld [tilespmem:s18+$0x1E0];
	v10 =	vmul.f32 v47, v10  }
0xe2: {  	v7 =	vmax.f32 v30, v62;
	v12 =	vmul.f32 v47, v12;
	v30 =	vld [tilespmem:s18+$0x1F0];
	v11 =	vmul.f32 v47, v11  }
0xe3: {  	v7 =	vmul.f32 v47, v7;
	v8 =	vadd.f32 v13, v18;
	v13 =	vld [tilespmem:s18+$0xFFFFFF00];
	v4 =	vadd.f32 v10, v60  }
0xe4: {  	s19 =	sadd.s32 $0x8, s19;
	v6 =	vadd.f32 v12, v61;
	v12 =	vmul.f32 v47, v16;
	v16 =	vld [tilespmem:s18+$0xFFFFFF40];
	v9 =	vadd.f32 v11, v63  }
0xe5: {  	v10 =	vmul.f32 v47, v14;
	v11 =	vmul.f32 v47, v15;
	v47 =	vld [tilespmem:s19+$0x0];
	v1 =	vadd.f32 v4, v26  }
0xe6: {  	v60 =	vld [tilespmem:s18+$0x60]  }
0xe7: {  	[tilespmem:$0x1FF00] =	vst v1;
	v1 =	vld [tilespmem:$0x1FF90]  }
0xe8: {  	v15 =	vld [tilespmem:s18+$0xFFFFFF30]  }
0xe9: {  	v2 =	vadd.f32 v12, v57;
	v57 =	vld [tilespmem:s18+$0x30];
	v5 =	vadd.f32 v10, v59;
	v10 =	vmul.f32 v44, v0  }
0xea: {  	v12 =	vld [tilespmem:s18+$0xFFFFFFF0]  }
0xeb: {  	v44 =	vld [tilespmem:s18+$0x80];
	v2 =	vadd.f32 v10, v2  }
0xec: {  	v0 =	vmul.f32 v45, v0;
	v45 =	vld [tilespmem:s18+$0x90];
	v61 =	vbroadcast v47, $0x6;
	v1 =	vadd.f32 v9, v1  }
0xed: {  	v3 =	vadd.f32 v11, v58;
	v58 =	vld [tilespmem:s18+$0x40];
	v62 =	vbroadcast v47, $0x7;
	v63 =	vbroadcast v47, $0x4;
	[tilespmem:$0x1FEF0] =	vst v2  }
0xee: {  	v4 =	vbroadcast v47, $0x3;
	v2 =	vbroadcast v47, $0x5;
	[tilespmem:$0x1FEA0] =	vst v1;
	v1 =	vld [tilespmem:$0x1FFA0]  }
0xef: {  	v59 =	vld [tilespmem:s18+$0x50];
	v46 =	vadd.f32 v20, v5;
	v11 =	vmul.f32 v22, v62;
	v20 =	vmul.f32 v24, v62  }
0xf0: {  	v5 =	vld [tilespmem:s18+$0xFFFFFF80];
	v26 =	vmul.f32 v28, v62;
	v14 =	vmul.f32 v29, v62  }
0xf1: {  	v3 =	vadd.f32 v19, v3;
	[tilespmem:$0x1FEC0] =	vst v46;
	v46 =	vld [tilespmem:s18+$0xA0];
	v18 =	vmul.f32 v30, v62;
	v22 =	vmul.f32 v36, v61  }
0xf2: {  	v29 =	vmul.f32 v42, v61;
	v42 =	vmul.f32 v56, v63;
	v56 =	vld [tilespmem:s18+$0xFFFFFE80]  }
0xf3: {  	[tilespmem:$0x1FEB0] =	vst v3;
	v30 =	vmul.f32 v43, v61;
	v43 =	vmul.f32 v58, v63;
	v58 =	vld [tilespmem:s18+$0xFFFFFEA0];
	v1 =	vadd.f32 v1, v8  }
0xf4: {  	v24 =	vmul.f32 v35, v61;
	v35 =	vmul.f32 v50, v2;
	v50 =	vld [tilespmem:s18+$0xFFFFFE00];
	[tilespmem:$0x1FF60] =	vst v11  }
0xf5: {  	v28 =	vmul.f32 v38, v61;
	v36 =	vmul.f32 v51, v2;
	v51 =	vld [tilespmem:s18+$0xFFFFFE20];
	[tilespmem:$0x1FEE0] =	vst v1;
	v1 =	vadd.f32 v21, v6  }
0xf6: {  	v38 =	vmul.f32 v52, v2;
	v52 =	vld [tilespmem:s18+$0xFFFFFE30];
	v11 =	vmul.f32 v23, v62;
	[tilespmem:$0x1FF70] =	vst v14  }
0xf7: {  	v3 =	vbroadcast v47, $0x2;
	v19 =	vmul.f32 v25, v62;
	v14 =	vld [tilespmem:s18+$0xFFFFFF20];
	[tilespmem:$0x1FED0] =	vst v1;
	v1 =	vadd.f32 v7, v17  }
0xf8: {  	v25 =	vmul.f32 v37, v61;
	v37 =	vmul.f32 v53, v2;
	[tilespmem:$0x1FF80] =	vst v11;
	v11 =	vld [tilespmem:s18+$0xFFFFFFE0]  }
0xf9: {  	v13 =	vmul.f32 v13, v3;
	v21 =	vmul.f32 v27, v62;
	v62 =	vld [tilespmem:s18+$0xFFFFFF10];
	v0 =	vadd.f32 v0, v1  }
0xfa: {  	s23 =	sshra.s32 s22, $0x2;
	v15 =	vmul.f32 v15, v3;
	v16 =	vmul.f32 v16, v3;
	v17 =	vld [tilespmem:s18+$0xFFFFFF60]  }
0xfb: {  	v23 =	vmul.f32 v34, v61;
	v34 =	vmul.f32 v49, v2;
	[tilespmem:$0x1FF10] =	vst v0;
	v0 =	vld.msk [tilespmem:s23+$0x1D300 ss:$0x0], $0xffff  }
0xfc: {  	v53 =	vld [tilespmem:s18+$0xFFFFFE40];
	v5 =	vmul.f32 v5, v4;
	v14 =	vmul.f32 v14, v3  }
0xfd: {  	v11 =	vmul.f32 v11, v4;
	v27 =	vmul.f32 v41, v61;
	v61 =	vld [tilespmem:s18+$0xFFFFFF50]  }
0xfe: {  	v49 =	vld [tilespmem:s18+$0xFFFFFF70];
	v6 =	vbroadcast v47, $0x0;
	v47 =	vbroadcast v47, $0x1  }
0xff: {  	v8 =	vld [tilespmem:s18+$0xFFFFFFA0];
	v41 =	vmul.f32 v57, v63;
	v57 =	vmul.f32 v62, v3  }
0x100: {  	v1 =	vld [tilespmem:s18+$0x70];
	v17 =	vmul.f32 v17, v3;
	v9 =	vmul.f32 v48, v0  }
0x101: {  	v7 =	vld [tilespmem:s18+$0xFFFFFF90];
	v10 =	vmul.f32 v31, v0;
	v31 =	vmul.f32 v45, v2  }
0x102: {  	v62 =	vld [tilespmem:s18+$0xFFFFFEE0];
	v45 =	vmul.f32 v60, v63;
	v60 =	vmul.f32 v61, v3  }
0x103: {  	v48 =	vld [tilespmem:s18+$0xFFFFFFB0];
	v3 =	vmul.f32 v49, v3;
	v49 =	vmul.f32 v6, v50;
	[tilespmem:$0x1FF50] =	vst v9  }
0x104: {  	v50 =	vld [tilespmem:s18+$0xFFFFFED0];
	v9 =	vmul.f32 v39, v0;
	[tilespmem:$0x1FF20] =	vst v10;
	v10 =	vmul.f32 v33, v0  }
0x105: {  	v33 =	vmul.f32 v46, v2;
	v46 =	vmul.f32 v1, v63;
	v1 =	vld [tilespmem:s18+$0xFFFFFE50]  }
0x106: {  	v51 =	vmul.f32 v51, v6;
	v39 =	vmul.f32 v54, v63;
	v54 =	vld [tilespmem:s18+$0xFFFFFE60];
	[tilespmem:$0x1FF90] =	vst v9  }
0x107: {  	v52 =	vmul.f32 v52, v6;
	v9 =	vmul.f32 v40, v0;
	[tilespmem:$0x1FF30] =	vst v10;
	v10 =	vld [tilespmem:s18+$0xFFFFFFD0]  }
0x108: {  	v53 =	vmul.f32 v53, v6;
	v40 =	vmul.f32 v55, v63;
	v55 =	vld [tilespmem:s18+$0xFFFFFE70]  }
0x109: {  	[tilespmem:$0x1FFA0] =	vst v9;
	v9 =	vmul.f32 v32, v0;
	v32 =	vmul.f32 v44, v2;
	v2 =	vld [tilespmem:s18+$0xFFFFFE10]  }
0x10a: {  	v8 =	vmul.f32 v8, v4;
	v7 =	vmul.f32 v7, v4;
	v61 =	vld [tilespmem:s18+$0xFFFFFEC0]  }
0x10b: {  	v48 =	vmul.f32 v48, v4;
	v50 =	vmul.f32 v50, v47;
	[tilespmem:$0x1FF40] =	vst v9;
	v9 =	vld [tilespmem:s18+$0xFFFFFFC0]  }
0x10c: {  	v44 =	vmul.f32 v59, v63;
	v59 =	vld [tilespmem:s18+$0xFFFFFEB0];
	v1 =	vmul.f32 v1, v6  }
0x10d: {  	v63 =	vld [tilespmem:s18+$0xFFFFFEF0];
	v54 =	vmul.f32 v54, v6;
	v10 =	vmul.f32 v10, v4  }
0x10e: {  	v2 =	vmul.f32 v2, v6;
	v6 =	vmul.f32 v55, v6  }
0x10f: {  	v55 =	vmul.f32 v56, v47;
	v56 =	vmul.f32 v58, v47  }
0x110: {  	v9 =	vmul.f32 v9, v4;
	v4 =	vmul.f32 v12, v4;
	v12 =	vld [tilespmem:s18+$0xFFFFFE90]  }
0x111: {  	v58 =	vmul.f32 v59, v47;
	v59 =	vmul.f32 v61, v47  }
0x112: {  	v1 =	vmax.f32 v1, v50;
	v61 =	vmul.f32 v62, v47;
	v62 =	vmul.f32 v63, v47  }
0x113: {  	v1 =	vmax.f32 v1, v60;
	v60 =	vld [tilespmem:$0x1FF00]  }
0x114: {  	v63 =	vld [tilespmem:$0x1FEA0]  }
0x115: {  	v49 =	vmax.f32 v49, v55;
	v55 =	vmax.f32 v54, v61;
	v61 =	vld [tilespmem:$0x1FED0];
	v12 =	vmul.f32 v12, v47  }
0x116: {  	v6 =	vmax.f32 v6, v62;
	v62 =	vmov v18;
	v18 =	vld [tilespmem:$0x1FEE0]  }
0x117: {  	v2 =	vmax.f32 v2, v12;
	v12 =	vmax.f32 v51, v56;
	v51 =	vmax.f32 v52, v58;
	v58 =	vld [tilespmem:$0x1FEB0]  }
0x118: {  	v13 =	vmax.f32 v49, v13;
	v52 =	vmax.f32 v53, v59;
	v59 =	vld [tilespmem:$0x1FEC0]  }
0x119: {  	v2 =	vmax.f32 v2, v57;
	v57 =	vld [tilespmem:$0x1FEF0]  }
0x11a: {  	v49 =	vmax.f32 v52, v16;
	v16 =	vmax.f32 v55, v17;
	v17 =	vld [tilespmem:$0x1FF10]  }
0x11b: {  	v12 =	vmax.f32 v12, v14;
	v14 =	vmax.f32 v51, v15;
	v51 =	vmax.f32 v13, v5;
	v13 =	vmovc v20;
	v20 =	vld [tilespmem:$0x1FF20]  }
0x11c: {  	p0 =	sne.s32 s22, $0xC4;
	v15 =	vmov v26;
	v26 =	vld [tilespmem:$0x1FF50]  }
.Ltmp0:
0x11d: {  	v55 =	vmax.f32 v1, v10;
	v10 =	vld [tilespmem:$0x1FF60];
	(pc) =	sbr.rel @p0 .LBB2_3-.Ltmp0, $4  }
0x11e: {  	v53 =	vmax.f32 v49, v9;
	v49 =	vmax.f32 v16, v11;
	v16 =	vld [tilespmem:$0x1FF70]  }
0x11f: {  	v3 =	vmax.f32 v6, v3;
	v11 =	vld [tilespmem:$0x1FF80]  }
0x120: {  	v50 =	vmax.f32 v3, v4;
	v56 =	vmax.f32 v12, v8;
	v12 =	vmov v19;
	v19 =	vld [tilespmem:$0x1FF30]  }
0x121: {  	s22 =	sadd.s32 $0x4, s22;
	s20 =	smov.u32 s21;
	s21 =	sadd.s32 $0x80, s21;
	v47 =	vsub.f32 $1.000000000e+00, v0;
	v54 =	vmax.f32 v2, v7;
	v52 =	vmax.f32 v14, v48;
	v14 =	vmovc v21;
	v21 =	vld [tilespmem:$0x1FF40]  }
0x122: {  	v1 =	vmax.f32 v51, v39;
	v2 =	vmax.f32 v54, v40  }
0x123: {  	v3 =	vmax.f32 v56, v42;
	v4 =	vmax.f32 v52, v41;
	v5 =	vmax.f32 v53, v43  }
0x124: {  	v6 =	vmax.f32 v55, v44;
	v7 =	vmax.f32 v49, v45;
	v8 =	vmax.f32 v50, v46  }
0x125: {  	v1 =	vmax.f32 v1, v32;
	v2 =	vmax.f32 v2, v31;
	v3 =	vmax.f32 v3, v33  }
0x126: {  	v4 =	vmax.f32 v4, v34;
	v5 =	vmax.f32 v5, v35;
	v6 =	vmax.f32 v6, v36  }
0x127: {  	v7 =	vmax.f32 v7, v38;
	v8 =	vmax.f32 v8, v37;
	v2 =	vmax.f32 v2, v23  }
0x128: {  	v1 =	vmax.f32 v1, v22;
	v3 =	vmax.f32 v3, v24;
	v2 =	vmax.f32 v2, v11;
	v11 =	vld [tilespmem:$0x1FF90]  }
0x129: {  	v4 =	vmax.f32 v4, v25;
	v5 =	vmax.f32 v5, v28;
	v2 =	vmul.f32 v47, v2  }
0x12a: {  	v6 =	vmax.f32 v6, v27;
	v7 =	vmax.f32 v7, v29;
	v1 =	vmax.f32 v1, v10  }
0x12b: {  	v8 =	vmax.f32 v8, v30;
	v1 =	vmul.f32 v47, v1;
	v2 =	vadd.f32 v2, v63  }
0x12c: {  	v3 =	vmax.f32 v3, v13;
	v4 =	vmax.f32 v4, v12;
	v5 =	vmax.f32 v5, v14  }
0x12d: {  	v5 =	vmul.f32 v47, v5;
	v1 =	vadd.f32 v1, v60;
	v2 =	vadd.f32 v2, v11;
	v11 =	vld [tilespmem:$0x1FFA0]  }
0x12e: {  	v9 =	vld [tilespmem:s20+$0x20];
	v6 =	vmax.f32 v6, v15;
	v7 =	vmax.f32 v7, v16;
	v3 =	vmul.f32 v47, v3  }
0x12f: {  	v10 =	vld [tilespmem:s20+$0x30];
	v4 =	vmul.f32 v47, v4;
	v5 =	vadd.f32 v5, v59;
	v1 =	vadd.f32 v1, v26  }
0x130: {  	p0 =	seq.s32 s4, $0xF;
	s17 =	sand.u32 $0x3FFFFF00, s17;
	v8 =	vmax.f32 v8, v62;
	v6 =	vmul.f32 v47, v6;
	v3 =	vadd.f32 v3, v18  }
0x131: {  	s16 =	sadd.s32 @!p0 $0x2, s16;
	v7 =	vmul.f32 v47, v7;
	v4 =	vadd.f32 v4, v61;
	v5 =	vadd.f32 v20, v5;
	[tilespmem:s17+$0x1D400] =	vst v1  }
0x132: {  	s18 =	sadd.s32 @!p0 s5, s16;
	v56 =	vmul.f32 v47, v8;
	v6 =	vadd.f32 v6, v58;
	[tilespmem:s17+$0x1D410] =	vst v2;
	v3 =	vadd.f32 v11, v3  }
0x133: {  	s18 =	sshrl.u32 @!p0 s18, $0x3;
	v7 =	vadd.f32 v7, v57;
	v1 =	vadd.f32 v21, v4;
	v2 =	vmul.f32 v9, v0;
	[tilespmem:s17+$0x1D440] =	vst v5  }
0x134: {  	s16 =	sshll.u32 @!p0 s16, $0x7;
	s18 =	smul.u32 @!p0 $0x1C00, s18;
	v59 =	vadd.f32 v19, v6;
	v0 =	vmul.f32 v10, v0;
	[tilespmem:s17+$0x1D420] =	vst v3;
	v3 =	vadd.f32 v56, v17  }
0x135: {  	s16 =	sand.u32 @!p0 $0x300, s16;
	[tilespmem:s17+$0x1D430] =	vst v1;
	v1 =	vadd.f32 v2, v7  }
0x136: {  	s16 =	sor.u32 @!p0 s16, s18;
	[tilespmem:s17+$0x1D450] =	vst v59;
	v0 =	vadd.f32 v0, v3  }
0x137: {  	s19 =	simm.s32 @!p0 $0x0;
	s16 =	sshrl.u32 @!p0 s16, $0x3;
	[tilespmem:s17+$0x1D460] =	vst v1  }
0x138: {  	s18 =	simm.s32 @!p0 $0x400;
	s16 =	sadd.s32 @!p0 s7, s16;
	[tilespmem:s17+$0x1D470] =	vst v0;
	s17 =	simm.s32 @!p0 $0x80  }
0x139: {  	[tilespmem:s19], [sflag:$0x3] =	stream.strided.gather @!p0 [hbm4b:s16+s17], $0x380, s18, s17, $0x38;
	[tilespmem:$0x1E400] =	vst v63  }
0x13a: {  	s16 =	simm.s32 @!p0 $0x3  }
0x13b: {  	_ =	swait.ge @!p0 [sflag:s16], $0x380  }
0x13c: {  	[sflag:s16] =	ssyncset.done @!p0 $0x0  }
0x13d: {  	[sflag:s16] =	ssyncadd.s32 @!p0 $0xFFFFFC80;
	s16 =	simm.s32 @!p0 $0x700  }
0x13e: {  	[tilespmem:s16], [sflag:$0x1] =	stream.indirect.gather @!p0 [hbm4b:s1+s17], $0x80, s19, s17, $0xb8;
	[tilespmem:$0x1E400] =	vst v63  }
0x13f: {  	s18 =	simm.s32 @!p0 $0x19700;
	s16 =	simm.s32 @!p0 $0x190  }
0x140: {  	[tilespmem:s18], [sflag:$0x1] =	stream.indirect.gather @!p0 [hbm4b:s6+s17], $0x1, s16, s17, $0xb8;
	[tilespmem:$0x1E400] =	vst v63  }
0x141: {  	s16 =	simm.s32 @!p0 $0x4700  }
0x142: {  	[tilespmem:s16], [sflag:$0x1] =	stream.indirect.gather @!p0 [hbm4b:s1+s17], $0x80, s17, s17, $0xb8;
	[tilespmem:$0x1E400] =	vst v63  }
0x143: {  	s18 =	simm.s32 @!p0 $0x19780;
	s16 =	simm.s32 @!p0 $0x210  }
0x144: {  	[tilespmem:s18], [sflag:$0x1] =	stream.indirect.gather @!p0 [hbm4b:s6+s17], $0x1, s16, s17, $0xb8;
	[tilespmem:$0x1E400] =	vst v63  }
0x145: {  	s16 =	simm.s32 @!p0 $0x100;
	s18 =	simm.s32 @!p0 $0x8700  }
0x146: {  	[tilespmem:s18], [sflag:$0x1] =	stream.indirect.gather @!p0 [hbm4b:s1+s17], $0x80, s16, s17, $0xb8;
	[tilespmem:$0x1E400] =	vst v63  }
0x147: {  	s16 =	simm.s32 @!p0 $0x290;
	s18 =	simm.s32 @!p0 $0x19800  }
0x148: {  	[tilespmem:s18], [sflag:$0x1] =	stream.indirect.gather @!p0 [hbm4b:s6+s17], $0x1, s16, s17, $0xb8;
	[tilespmem:$0x1E400] =	vst v63  }
0x149: {  	s16 =	simm.s32 @!p0 $0x10;
	s17 =	simm.s32 @!p0 $0x180;
	s18 =	simm.s32 @!p0 $0xC700  }
0x14a: {  	[tilespmem:s18], [sflag:$0x1] =	stream.indirect.gather @!p0 [hbm4b:s1+s16], $0x80, s17, s16, $0xb8;
	[tilespmem:$0x1E400] =	vst v63  }
0x14b: {  	s17 =	simm.s32 @!p0 $0x310;
	s18 =	simm.s32 @!p0 $0x19880  }
0x14c: {  	[tilespmem:s18], [sflag:$0x1] =	stream.indirect.gather @!p0 [hbm4b:s6+s16], $0x1, s17, s16, $0xb8;
	[tilespmem:$0x1E400] =	vst v63  }
0x14d: {  	s16 =	simm.s32 @!p0 $0x38;
	s17 =	simm.s32 @!p0 $0x320;
	s18 =	simm.s32 @!p0 $0x19B00  }
0x14e: {  	[tilespmem:s18], [sflag:$0x1] =	stream.indirect.gather @!p0 [hbm4b:s1+s16], $0x80, s17, s16, $0xb8;
	[tilespmem:$0x1E400] =	vst v63  }
0x14f: {  	s18 =	simm.s32 @!p0 $0x1D300  }
0x150: {  	[tilespmem:s18], [sflag:$0x1] =	stream.indirect.gather @!p0 [hbm4b:s3+s16], $0x1, s17, s16, $0xb8;
	[tilespmem:$0x1E400] =	vst v63  }
0x151: {  	_ =	swait.ge [sflag:s10], $0x4000  }
0x152: {  	[sflag:s10] =	ssyncset.done $0x0  }
0x153: {  	[sflag:s10] =	ssyncadd.s32 $0xFFFFC000  }
0x154: {  	_ =	swait.ge [sflag:s10], $0x80  }
0x155: {  	[sflag:s10] =	ssyncset.done $0x0  }
0x156: {  	[sflag:s10] =	ssyncadd.s32 $0xFFFFFF80  }
0x157: {  	_ =	swait.ge [sflag:s10], $0x4000  }
0x158: {  	[sflag:s10] =	ssyncset.done $0x0  }
0x159: {  	[sflag:s10] =	ssyncadd.s32 $0xFFFFC000  }
0x15a: {  	_ =	swait.ge [sflag:s10], $0x80  }
0x15b: {  	[sflag:s10] =	ssyncset.done $0x0  }
0x15c: {  	[sflag:s10] =	ssyncadd.s32 $0xFFFFFF80  }
0x15d: {  	_ =	swait.ge [sflag:s10], $0x4000  }
0x15e: {  	[sflag:s10] =	ssyncset.done $0x0  }
0x15f: {  	[sflag:s10] =	ssyncadd.s32 $0xFFFFC000  }
0x160: {  	_ =	swait.ge [sflag:s10], $0x80  }
0x161: {  	[sflag:s10] =	ssyncset.done $0x0  }
0x162: {  	[sflag:s10] =	ssyncadd.s32 $0xFFFFFF80  }
0x163: {  	_ =	swait.ge [sflag:s10], $0x800  }
0x164: {  	[sflag:s10] =	ssyncset.done $0x0  }
0x165: {  	[sflag:s10] =	ssyncadd.s32 $0xFFFFF800  }
0x166: {  	_ =	swait.ge [sflag:s10], $0x10  }
0x167: {  	[sflag:s10] =	ssyncset.done $0x0  }
0x168: {  	[sflag:s10] =	ssyncadd.s32 $0xFFFFFFF0  }
0x169: {  	_ =	swait.ge [sflag:s10], $0x1C00  }
0x16a: {  	[sflag:s10] =	ssyncset.done $0x0  }
0x16b: {  	[sflag:s10] =	ssyncadd.s32 $0xFFFFE400  }
0x16c: {  	_ =	swait.ge [sflag:s10], $0x38  }
0x16d: {  	[sflag:s10] =	ssyncset.done $0x0  }
0x16e: {  	s16 =	simm.s32 $0xD100;
	[sflag:s10] =	ssyncadd.s32 $0xFFFFFFC8  }
0x16f: {  	v0 =	vld [tilespmem:s16+$0x180]  }
0x170: {  	v1 =	vld [tilespmem:s16+$0x190]  }
0x171: {  	v2 =	vld [tilespmem:s16+$0x1A0]  }
0x172: {  	v3 =	vld [tilespmem:s16+$0x1B0]  }
0x173: {  	v60 =	vld [tilespmem:s16+$0x1C0]  }
0x174: {  	v61 =	vld [tilespmem:s16+$0x1D0]  }
0x175: {  	v62 =	vld [tilespmem:s16+$0x1E0]  }
0x176: {  	v63 =	vld [tilespmem:s16+$0x1F0]  }
0x177: {  	v8 =	vld [tilespmem:s16+$0x100]  }
0x178: {  	v9 =	vld [tilespmem:s16+$0x110]  }
0x179: {  	v17 =	vld [tilespmem:s16+$0x120]  }
0x17a: {  	v18 =	vld [tilespmem:s16+$0x130]  }
0x17b: {  	v19 =	vld [tilespmem:s16+$0x140]  }
0x17c: {  	v22 =	vld [tilespmem:s16+$0x150]  }
0x17d: {  	v23 =	vld [tilespmem:s16+$0x160]  }
0x17e: {  	v26 =	vld [tilespmem:s16+$0x170]  }
0x17f: {  	v31 =	vld [tilespmem:s16+$0x80]  }
0x180: {  	v33 =	vld [tilespmem:s16+$0x90]  }
0x181: {  	v34 =	vld [tilespmem:s16+$0xA0]  }
0x182: {  	v35 =	vld [tilespmem:s16+$0xB0]  }
0x183: {  	v36 =	vld [tilespmem:s16+$0xC0]  }
0x184: {  	v37 =	vld [tilespmem:s16+$0xD0]  }
0x185: {  	v38 =	vld [tilespmem:s16+$0xE0]  }
0x186: {  	v39 =	vld [tilespmem:s16+$0xF0]  }
0x187: {  	v40 =	vld [tilespmem:s16+$0x0]  }
0x188: {  	s17 =	simm.s32 $0x19900;
	v41 =	vld [tilespmem:s16+$0x10]  }
0x189: {  	v10 =	vld [tilespmem:s17+$0x0]  }
0x18a: {  	v42 =	vld [tilespmem:s16+$0x20]  }
0x18b: {  	v43 =	vld [tilespmem:s16+$0x30]  }
0x18c: {  	v44 =	vld [tilespmem:s16+$0x40]  }
0x18d: {  	v45 =	vld [tilespmem:s16+$0x50]  }
0x18e: {  	v46 =	vld [tilespmem:s16+$0x60]  }
0x18f: {  	v47 =	vld [tilespmem:s16+$0x70]  }
0x190: {  	v48 =	vld [tilespmem:s16+$0xFFFFFF80]  }
0x191: {  	v49 =	vld [tilespmem:s16+$0xFFFFFF90];
	v30 =	vbroadcast v10, $0x6;
	v20 =	vbroadcast v10, $0x7  }
0x192: {  	v52 =	vld [tilespmem:s16+$0xFFFFFFA0];
	v50 =	vbroadcast v10, $0x4;
	v51 =	vbroadcast v10, $0x5  }
0x193: {  	v55 =	vld [tilespmem:s16+$0xFFFFFFB0];
	v53 =	vbroadcast v10, $0x2;
	v54 =	vbroadcast v10, $0x3  }
0x194: {  	v58 =	vld [tilespmem:s16+$0xFFFFFFC0];
	v56 =	vbroadcast v10, $0x0;
	v57 =	vbroadcast v10, $0x1  }
0x195: {  	v59 =	vld [tilespmem:s16+$0xFFFFFFD0];
	v10 =	vmul.f32 v0, v20;
	v11 =	vmul.f32 v1, v20  }
0x196: {  	v4 =	vld [tilespmem:s16+$0xFFFFFF20];
	v13 =	vmul.f32 v2, v20;
	v12 =	vmul.f32 v3, v20  }
0x197: {  	v5 =	vld [tilespmem:s16+$0xFFFFFF30];
	v14 =	vmul.f32 v60, v20;
	v15 =	vmul.f32 v61, v20  }
0x198: {  	v7 =	vld [tilespmem:s16+$0xFFFFFF40];
	v16 =	vmul.f32 v62, v20;
	v62 =	vmul.f32 v63, v20  }
0x199: {  	v0 =	vld [tilespmem:s16+$0xFFFFFFE0];
	v20 =	vmul.f32 v8, v30;
	v21 =	vmul.f32 v9, v30  }
0x19a: {  	v1 =	vld [tilespmem:s16+$0xFFFFFFF0];
	v24 =	vmul.f32 v17, v30;
	v25 =	vmul.f32 v18, v30  }
0x19b: {  	v3 =	vld [tilespmem:s16+$0xFFFFFF00];
	v28 =	vmul.f32 v19, v30;
	v27 =	vmul.f32 v22, v30  }
0x19c: {  	v63 =	vld [tilespmem:s16+$0xFFFFFF10];
	v29 =	vmul.f32 v23, v30;
	v30 =	vmul.f32 v26, v30  }
0x19d: {  	v8 =	vld [tilespmem:s16+$0xFFFFFF50];
	v32 =	vmul.f32 v31, v51;
	v31 =	vmul.f32 v33, v51  }
0x19e: {  	v9 =	vld [tilespmem:s16+$0xFFFFFF60];
	v33 =	vmul.f32 v34, v51;
	v34 =	vmul.f32 v35, v51  }
0x19f: {  	v17 =	vld [tilespmem:s16+$0xFFFFFF70];
	v35 =	vmul.f32 v36, v51;
	v36 =	vmul.f32 v37, v51  }
0x1a0: {  	v18 =	vld [tilespmem:s16+$0xFFFFFE00];
	v38 =	vmul.f32 v38, v51;
	v37 =	vmul.f32 v39, v51  }
0x1a1: {  	v19 =	vld [tilespmem:s16+$0xFFFFFE10];
	v39 =	vmul.f32 v40, v50;
	v40 =	vmul.f32 v41, v50  }
0x1a2: {  	v22 =	vld [tilespmem:s16+$0xFFFFFE20];
	v42 =	vmul.f32 v42, v50;
	v41 =	vmul.f32 v43, v50  }
0x1a3: {  	v23 =	vld [tilespmem:s16+$0xFFFFFE30];
	v43 =	vmul.f32 v44, v50;
	v2 =	vmul.f32 v48, v54  }
0x1a4: {  	v44 =	vmul.f32 v45, v50;
	v26 =	vld [tilespmem:s16+$0xFFFFFE40];
	v45 =	vmul.f32 v46, v50  }
0x1a5: {  	v46 =	vmul.f32 v47, v50;
	v47 =	vld [tilespmem:s16+$0xFFFFFE50];
	[tilespmem:$0x1FE50] =	vst v2;
	v2 =	vmul.f32 v49, v54  }
0x1a6: {  	v50 =	vld [tilespmem:s16+$0xFFFFFE60];
	v59 =	vmul.f32 v59, v54;
	v7 =	vmul.f32 v7, v53  }
0x1a7: {  	v51 =	vld [tilespmem:s16+$0xFFFFFE70];
	v49 =	vmul.f32 v4, v53;
	[tilespmem:$0x1FE60] =	vst v2;
	v2 =	vmul.f32 v52, v54  }
0x1a8: {  	v60 =	vld [tilespmem:s16+$0xFFFFFE80];
	v52 =	vmul.f32 v5, v53;
	v61 =	vmul.f32 v0, v54  }
0x1a9: {  	v48 =	vmul.f32 v3, v53;
	v3 =	vld [tilespmem:s16+$0xFFFFFEB0];
	v8 =	vmul.f32 v8, v53  }
0x1aa: {  	v9 =	vmul.f32 v9, v53;
	v17 =	vmul.f32 v17, v53;
	v0 =	vld [tilespmem:s16+$0xFFFFFEF0]  }
0x1ab: {  	[tilespmem:$0x1FE70] =	vst v2;
	v2 =	vmul.f32 v55, v54;
	v55 =	vmul.f32 v63, v53;
	v63 =	vld [tilespmem:s16+$0xFFFFFEC0]  }
0x1ac: {  	v18 =	vmul.f32 v56, v18;
	v19 =	vmul.f32 v19, v56;
	v53 =	vld [tilespmem:s16+$0xFFFFFED0]  }
0x1ad: {  	[tilespmem:$0x1FE80] =	vst v2;
	v2 =	vmul.f32 v58, v54;
	v58 =	vmul.f32 v1, v54;
	v54 =	vld [tilespmem:s16+$0xFFFFFEA0]  }
0x1ae: {  	v22 =	vmul.f32 v22, v56;
	v23 =	vmul.f32 v23, v56;
	v1 =	vld [tilespmem:s16+$0xFFFFFEE0]  }
0x1af: {  	v26 =	vmul.f32 v26, v56;
	v47 =	vmul.f32 v47, v56;
	[tilespmem:$0x1FE90] =	vst v2;
	v2 =	vld [tilespmem:s16+$0xFFFFFE90]  }
0x1b0: {  	v50 =	vmul.f32 v50, v56;
	v51 =	vmul.f32 v51, v56  }
0x1b1: {  	v56 =	vmul.f32 v60, v57;
	v6 =	vmul.f32 v3, v57  }
0x1b2: {  	s18 =	simm.s32 $0x1B740;
	v63 =	vmul.f32 v63, v57;
	v53 =	vmul.f32 v53, v57  }
0x1b3: {  	s23 =	simm.s32 $0x0;
	v3 =	vld [tilespmem:s18+$0xFFFFFFD0];
	v54 =	vmul.f32 v54, v57;
	v1 =	vmul.f32 v1, v57  }
0x1b4: {  	v2 =	vmul.f32 v2, v57;
	v57 =	vmul.f32 v0, v57;
	v0 =	vld.msk [tilespmem:s23+$0x1D380 ss:$0x0], $0xffff;
	_ =	sdelay $0x1  }
0x1b5: {  	v5 =	vld [tilespmem:s18+$0xFFFFFFE0];
	_ =	sdelay $0x2  }
0x1b6: {  	v3 =	vmul.f32 v3, v0;
	_ =	sdelay $0x1  }
0x1b7: {  	[tilespmem:$0x1FE30] =	vst v3;
	v3 =	vmul.f32 v5, v0;
	_ =	sdelay $0x1  }
0x1b8: {  	[tilespmem:$0x1FE40] =	vst v3;
	v3 =	vld [tilespmem:$0x1FE50];
	_ =	sdelay $0x2  }
0x1b9: {  	v18 =	vmax.f32 v18, v56  }
0x1ba: {  	v48 =	vmax.f32 v18, v48  }
0x1bb: {  	v56 =	vmax.f32 v51, v57;
	v51 =	vmax.f32 v48, v3;
	v3 =	vld [tilespmem:$0x1FE60];
	_ =	sdelay $0x2  }
0x1bc: {  	v2 =	vmax.f32 v19, v2  }
0x1bd: {  	v2 =	vmax.f32 v2, v55  }
0x1be: {  	v19 =	vmax.f32 v22, v54;
	v54 =	vmax.f32 v2, v3;
	v2 =	vld [tilespmem:$0x1FE70];
	_ =	sdelay $0x3  }
0x1bf: {  	v1 =	vmax.f32 v50, v1;
	v49 =	vmax.f32 v19, v49  }
0x1c0: {  	v1 =	vmax.f32 v1, v9;
	v9 =	vmax.f32 v56, v17;
	v56 =	vmax.f32 v49, v2;
	v2 =	vld [tilespmem:$0x1FE80]  }
0x1c1: {  	v4 =	vld [tilespmem:s18+$0xFFFFFFF0]  }
0x1c2: {  	v60 =	vld [tilespmem:s18+$0xFFFFFFC0]  }
0x1c3: {  	v22 =	vmax.f32 v23, v6;
	v23 =	vmax.f32 v26, v63;
	v26 =	vmax.f32 v47, v53;
	v47 =	vld [tilespmem:s18+$0x0]  }
0x1c4: {  	v18 =	vimm.f32 $0.0e+00;
	v57 =	vld [tilespmem:s18+$0x10];
	v63 =	vimm.f32 $0.0e+00;
	v52 =	vmax.f32 v22, v52  }
0x1c5: {  	v7 =	vmax.f32 v23, v7;
	v8 =	vmax.f32 v26, v8;
	v52 =	vmax.f32 v52, v2;
	v2 =	vld [tilespmem:$0x1FE90]  }
0x1c6: {  	v17 =	vimm.f32 $0.0e+00;
	v55 =	vmax.f32 v8, v59;
	v50 =	vmax.f32 v9, v58  }
0x1c7: {  	v59 =	vimm.f32 $0.0e+00;
	v58 =	vimm.f32 $0.0e+00;
	v26 =	vmul.f32 v60, v0  }
0x1c8: {  	v60 =	vimm.f32 $0.0e+00;
	v23 =	vmul.f32 v4, v0;
	v22 =	vmul.f32 v47, v0  }
0x1c9: {  	v19 =	vmul.f32 v57, v0;
	v47 =	vsub.f32 $1.000000000e+00, v0;
	v57 =	vimm.f32 $0.0e+00  }
0x1ca: {  	s20 =	simm.s32 $0x4;
	s19 =	simm.s32 $0x1B7C0;
	v49 =	vmax.f32 v1, v61;
	v61 =	vimm.f32 $0.0e+00;
	v53 =	vmax.f32 v7, v2  }
.LBB2_5:
0x1cb: {  	v48 =	vld [tilespmem:s19+$0xFFFFFFC0]  }
0x1cc: {  	v51 =	vmax.f32 v51, v39;
	v39 =	vld [tilespmem:s19+$0xFFFFFFD0]  }
0x1cd: {  	v54 =	vmax.f32 v54, v40;
	v40 =	vld [tilespmem:s19+$0xFFFFFFE0]  }
0x1ce: {  	v6 =	vmax.f32 v51, v32;
	v32 =	vld [tilespmem:s19+$0xFFFFFFF0]  }
0x1cf: {  	v42 =	vmax.f32 v56, v42;
	v7 =	vmax.f32 v54, v31;
	v31 =	vld [tilespmem:s19+$0x0]  }
0x1d0: {  	v45 =	vmax.f32 v49, v45;
	v42 =	vmax.f32 v42, v33;
	v33 =	vld [tilespmem:s19+$0x10]  }
0x1d1: {  	v46 =	vmax.f32 v50, v46;
	v38 =	vmax.f32 v45, v38;
	v45 =	vld [tilespmem:s18+$0x20]  }
0x1d2: {  	v41 =	vmax.f32 v52, v41;
	s16 =	sadd.s32 $0x400, s16;
	v37 =	vmax.f32 v46, v37;
	v46 =	vld [tilespmem:s18+$0x30]  }
0x1d3: {  	v43 =	vmax.f32 v53, v43;
	v34 =	vmax.f32 v41, v34;
	v41 =	vld [tilespmem:s16+$0x150]  }
0x1d4: {  	v35 =	vmax.f32 v43, v35;
	v43 =	vld [tilespmem:s16+$0x170]  }
0x1d5: {  	v49 =	vld [tilespmem:s16+$0xB0]  }
0x1d6: {  	v50 =	vld [tilespmem:s16+$0xC0]  }
0x1d7: {  	v51 =	vld [tilespmem:s16+$0xD0]  }
0x1d8: {  	v52 =	vld [tilespmem:s16+$0xE0]  }
0x1d9: {  	v53 =	vld [tilespmem:s16+$0xF0]  }
0x1da: {  	v54 =	vld [tilespmem:s16+$0x0]  }
0x1db: {  	v44 =	vmax.f32 v55, v44;
	v55 =	vld [tilespmem:s16+$0x10]  }
0x1dc: {  	v56 =	vld [tilespmem:s16+$0x20]  }
0x1dd: {  	v36 =	vmax.f32 v44, v36;
	v44 =	vmax.f32 v6, v20;
	v20 =	vld [tilespmem:s16+$0x180]  }
0x1de: {  	v27 =	vmax.f32 v36, v27;
	v36 =	vld [tilespmem:s16+$0x100]  }
0x1df: {  	v25 =	vmax.f32 v34, v25;
	v34 =	vld [tilespmem:s16+$0x110]  }
0x1e0: {  	v28 =	vmax.f32 v35, v28;
	v35 =	vld [tilespmem:s16+$0x120]  }
0x1e1: {  	v30 =	vmax.f32 v37, v30;
	v37 =	vld [tilespmem:s16+$0x130]  }
0x1e2: {  	v29 =	vmax.f32 v38, v29;
	v38 =	vld [tilespmem:s16+$0x140]  }
0x1e3: {  	v24 =	vmax.f32 v42, v24;
	v42 =	vld [tilespmem:s16+$0x160]  }
0x1e4: {  	v13 =	vmax.f32 v24, v13;
	v24 =	vld [tilespmem:s16+$0x1A0]  }
0x1e5: {  	v12 =	vmax.f32 v25, v12;
	v25 =	vld [tilespmem:s16+$0x1B0]  }
0x1e6: {  	v15 =	vmax.f32 v27, v15;
	v27 =	vld [tilespmem:s16+$0x1C0]  }
0x1e7: {  	v16 =	vmax.f32 v29, v16;
	v29 =	vld [tilespmem:s16+$0x1E0]  }
0x1e8: {  	v21 =	vmax.f32 v7, v21;
	v6 =	vmax.f32 v30, v62;
	v30 =	vld [tilespmem:s16+$0x1F0];
	v10 =	vmax.f32 v44, v10  }
0x1e9: {  	v11 =	vmax.f32 v21, v11;
	v21 =	vld [tilespmem:s16+$0x190];
	v10 =	vmul.f32 v47, v10  }
0x1ea: {  	v14 =	vmax.f32 v28, v14;
	v12 =	vmul.f32 v47, v12;
	v28 =	vld [tilespmem:s16+$0x1D0];
	v11 =	vmul.f32 v47, v11  }
0x1eb: {  	v13 =	vmul.f32 v47, v13;
	v6 =	vmul.f32 v47, v6;
	v44 =	vld [tilespmem:s16+$0x80];
	v3 =	vadd.f32 v10, v60  }
0x1ec: {  	s17 =	sadd.s32 $0x8, s17;
	v7 =	vadd.f32 v12, v18;
	v12 =	vmul.f32 v47, v16;
	v16 =	vld [tilespmem:s16+$0xFFFFFF40];
	v9 =	vadd.f32 v11, v63  }
0x1ed: {  	v10 =	vmul.f32 v47, v14;
	v11 =	vmul.f32 v47, v15;
	v47 =	vld [tilespmem:s17+$0x0];
	v1 =	vadd.f32 v3, v26  }
0x1ee: {  	v60 =	vld [tilespmem:s16+$0x60]  }
0x1ef: {  	[tilespmem:$0x1FDA0] =	vst v1;
	v1 =	vld [tilespmem:$0x1FE30]  }
0x1f0: {  	v14 =	vld [tilespmem:s16+$0xFFFFFF20]  }
0x1f1: {  	v15 =	vld [tilespmem:s16+$0xFFFFFF30];
	v2 =	vadd.f32 v12, v57;
	v5 =	vadd.f32 v10, v59;
	v10 =	vmul.f32 v45, v0  }
0x1f2: {  	v8 =	vadd.f32 v13, v61;
	v57 =	vld [tilespmem:s16+$0x30]  }
0x1f3: {  	v12 =	vld [tilespmem:s16+$0xFFFFFFF0];
	v4 =	vadd.f32 v11, v58;
	v2 =	vadd.f32 v10, v2  }
0x1f4: {  	v0 =	vmul.f32 v46, v0;
	v45 =	vld [tilespmem:s16+$0x90];
	v62 =	vbroadcast v47, $0x7;
	v1 =	vadd.f32 v9, v1  }
0x1f5: {  	v58 =	vld [tilespmem:s16+$0x40];
	v3 =	vadd.f32 v22, v5;
	v61 =	vbroadcast v47, $0x6;
	v63 =	vbroadcast v47, $0x4;
	[tilespmem:$0x1FD90] =	vst v2  }
0x1f6: {  	v2 =	vbroadcast v47, $0x5;
	v11 =	vmul.f32 v20, v62;
	[tilespmem:$0x1FD40] =	vst v1;
	v1 =	vld [tilespmem:$0x1FE40]  }
0x1f7: {  	v46 =	vld [tilespmem:s16+$0xA0];
	[tilespmem:$0x1FD60] =	vst v3;
	v3 =	vadd.f32 v19, v4;
	v26 =	vmul.f32 v24, v62;
	v19 =	vmul.f32 v25, v62  }
0x1f8: {  	v59 =	vld [tilespmem:s16+$0x50];
	v13 =	vmul.f32 v27, v62;
	v22 =	vmul.f32 v28, v62  }
0x1f9: {  	v5 =	vld [tilespmem:s16+$0xFFFFFF80];
	v18 =	vmul.f32 v30, v62;
	v20 =	vmul.f32 v36, v61  }
0x1fa: {  	v30 =	vmul.f32 v43, v61;
	v43 =	vmul.f32 v58, v63;
	v58 =	vld [tilespmem:s16+$0xFFFFFEA0]  }
0x1fb: {  	v24 =	vmul.f32 v35, v61;
	[tilespmem:$0x1FD50] =	vst v3;
	v35 =	vmul.f32 v50, v2;
	v50 =	vld [tilespmem:s16+$0xFFFFFE00];
	v1 =	vadd.f32 v1, v8  }
0x1fc: {  	v25 =	vmul.f32 v37, v61;
	v36 =	vmul.f32 v51, v2;
	v51 =	vld [tilespmem:s16+$0xFFFFFE20];
	[tilespmem:$0x1FE00] =	vst v11  }
0x1fd: {  	v28 =	vmul.f32 v38, v61;
	v38 =	vmul.f32 v52, v2;
	v52 =	vld [tilespmem:s16+$0xFFFFFE30];
	[tilespmem:$0x1FD70] =	vst v1;
	v1 =	vadd.f32 v23, v7  }
0x1fe: {  	v37 =	vmul.f32 v53, v2;
	v53 =	vld [tilespmem:s16+$0xFFFFFE40];
	v11 =	vmul.f32 v21, v62;
	[tilespmem:$0x1FDE0] =	vst v13  }
0x1ff: {  	v4 =	vbroadcast v47, $0x3;
	v27 =	vmul.f32 v41, v61;
	v13 =	vld [tilespmem:s16+$0xFFFFFF00];
	[tilespmem:$0x1FD80] =	vst v1;
	v1 =	vadd.f32 v6, v17  }
0x200: {  	v41 =	vmul.f32 v57, v63;
	v3 =	vbroadcast v47, $0x2;
	[tilespmem:$0x1FE20] =	vst v11;
	v11 =	vld [tilespmem:s16+$0xFFFFFFE0]  }
0x201: {  	v21 =	vmul.f32 v34, v61;
	v23 =	vmul.f32 v29, v62;
	v62 =	vld [tilespmem:s16+$0xFFFFFF10];
	v0 =	vadd.f32 v0, v1  }
0x202: {  	s21 =	sshra.s32 s20, $0x2;
	v34 =	vmul.f32 v49, v2;
	v5 =	vmul.f32 v5, v4;
	v17 =	vld [tilespmem:s16+$0xFFFFFF60]  }
0x203: {  	v14 =	vmul.f32 v14, v3;
	v15 =	vmul.f32 v15, v3;
	[tilespmem:$0x1FDB0] =	vst v0;
	v0 =	vld.msk [tilespmem:s21+$0x1D380 ss:$0x0], $0xffff  }
0x204: {  	v49 =	vld [tilespmem:s16+$0xFFFFFF70];
	v16 =	vmul.f32 v16, v3;
	v13 =	vmul.f32 v13, v3  }
0x205: {  	v11 =	vmul.f32 v11, v4;
	v29 =	vmul.f32 v42, v61;
	v61 =	vld [tilespmem:s16+$0xFFFFFF50]  }
0x206: {  	v8 =	vld [tilespmem:s16+$0xFFFFFFA0];
	v7 =	vbroadcast v47, $0x0;
	v47 =	vbroadcast v47, $0x1  }
0x207: {  	v42 =	vmul.f32 v56, v63;
	v56 =	vld [tilespmem:s16+$0xFFFFFE80];
	v57 =	vmul.f32 v62, v3  }
0x208: {  	v1 =	vld [tilespmem:s16+$0x70];
	v17 =	vmul.f32 v17, v3;
	v9 =	vmul.f32 v48, v0  }
0x209: {  	v6 =	vld [tilespmem:s16+$0xFFFFFF90];
	v10 =	vmul.f32 v31, v0;
	v31 =	vmul.f32 v45, v2  }
0x20a: {  	v62 =	vld [tilespmem:s16+$0xFFFFFEE0];
	v45 =	vmul.f32 v60, v63;
	v60 =	vmul.f32 v61, v3  }
0x20b: {  	v48 =	vld [tilespmem:s16+$0xFFFFFFB0];
	v3 =	vmul.f32 v49, v3;
	v49 =	vmul.f32 v7, v50;
	[tilespmem:$0x1FDC0] =	vst v9  }
0x20c: {  	v50 =	vld [tilespmem:s16+$0xFFFFFED0];
	v9 =	vmul.f32 v39, v0;
	[tilespmem:$0x1FDF0] =	vst v10;
	v10 =	vmul.f32 v33, v0  }
0x20d: {  	v33 =	vmul.f32 v46, v2;
	v46 =	vmul.f32 v1, v63;
	v1 =	vld [tilespmem:s16+$0xFFFFFE50]  }
0x20e: {  	v51 =	vmul.f32 v51, v7;
	v39 =	vmul.f32 v54, v63;
	v54 =	vld [tilespmem:s16+$0xFFFFFE60];
	[tilespmem:$0x1FE30] =	vst v9  }
0x20f: {  	v52 =	vmul.f32 v52, v7;
	v9 =	vmul.f32 v40, v0;
	[tilespmem:$0x1FDD0] =	vst v10;
	v10 =	vld [tilespmem:s16+$0xFFFFFFD0]  }
0x210: {  	v53 =	vmul.f32 v53, v7;
	v40 =	vmul.f32 v55, v63;
	v55 =	vld [tilespmem:s16+$0xFFFFFE70]  }
0x211: {  	[tilespmem:$0x1FE40] =	vst v9;
	v9 =	vmul.f32 v32, v0;
	v32 =	vmul.f32 v44, v2;
	v2 =	vld [tilespmem:s16+$0xFFFFFE10]  }
0x212: {  	v8 =	vmul.f32 v8, v4;
	v6 =	vmul.f32 v6, v4;
	v61 =	vld [tilespmem:s16+$0xFFFFFEC0]  }
0x213: {  	v48 =	vmul.f32 v48, v4;
	v50 =	vmul.f32 v50, v47;
	[tilespmem:$0x1FE10] =	vst v9;
	v9 =	vld [tilespmem:s16+$0xFFFFFFC0]  }
0x214: {  	v44 =	vmul.f32 v59, v63;
	v59 =	vld [tilespmem:s16+$0xFFFFFEB0];
	v1 =	vmul.f32 v1, v7  }
0x215: {  	v63 =	vld [tilespmem:s16+$0xFFFFFEF0];
	v54 =	vmul.f32 v54, v7;
	v10 =	vmul.f32 v10, v4  }
0x216: {  	v2 =	vmul.f32 v2, v7;
	v7 =	vmul.f32 v55, v7  }
0x217: {  	v55 =	vmul.f32 v56, v47;
	v56 =	vmul.f32 v58, v47  }
0x218: {  	v9 =	vmul.f32 v9, v4;
	v4 =	vmul.f32 v12, v4;
	v12 =	vld [tilespmem:s16+$0xFFFFFE90]  }
0x219: {  	v58 =	vmul.f32 v59, v47;
	v59 =	vmul.f32 v61, v47  }
0x21a: {  	v1 =	vmax.f32 v1, v50;
	v61 =	vmul.f32 v62, v47;
	v62 =	vmul.f32 v63, v47  }
0x21b: {  	v1 =	vmax.f32 v1, v60;
	v60 =	vld [tilespmem:$0x1FDA0]  }
0x21c: {  	v63 =	vld [tilespmem:$0x1FD40]  }
0x21d: {  	v49 =	vmax.f32 v49, v55;
	v55 =	vmax.f32 v54, v61;
	v61 =	vld [tilespmem:$0x1FD70];
	v12 =	vmul.f32 v12, v47  }
0x21e: {  	v7 =	vmax.f32 v7, v62;
	v62 =	vmov v18;
	v18 =	vld [tilespmem:$0x1FD80]  }
0x21f: {  	v2 =	vmax.f32 v2, v12;
	v12 =	vmax.f32 v51, v56;
	v51 =	vmax.f32 v52, v58;
	v58 =	vld [tilespmem:$0x1FD50]  }
0x220: {  	v13 =	vmax.f32 v49, v13;
	v52 =	vmax.f32 v53, v59;
	v59 =	vld [tilespmem:$0x1FD60]  }
0x221: {  	v2 =	vmax.f32 v2, v57;
	v57 =	vld [tilespmem:$0x1FD90]  }
0x222: {  	v49 =	vmax.f32 v52, v16;
	v16 =	vmax.f32 v55, v17;
	v17 =	vld [tilespmem:$0x1FDB0]  }
0x223: {  	v12 =	vmax.f32 v12, v14;
	v14 =	vmax.f32 v51, v15;
	v51 =	vmax.f32 v13, v5;
	v13 =	vmovc v26;
	v26 =	vld [tilespmem:$0x1FDC0]  }
0x224: {  	p0 =	sne.s32 s20, $0xC4;
	v15 =	vmov v22;
	v22 =	vld [tilespmem:$0x1FDF0]  }
.Ltmp1:
0x225: {  	v55 =	vmax.f32 v1, v10;
	v10 =	vld [tilespmem:$0x1FE00];
	(pc) =	sbr.rel @p0 .LBB2_5-.Ltmp1, $4  }
0x226: {  	v52 =	vmax.f32 v14, v48;
	v14 =	vld [tilespmem:$0x1FDE0]  }
0x227: {  	v53 =	vmax.f32 v49, v9;
	v49 =	vmax.f32 v16, v11;
	v11 =	vld [tilespmem:$0x1FE20]  }
0x228: {  	v3 =	vmax.f32 v7, v3;
	v56 =	vmax.f32 v12, v8;
	v12 =	vmov v19;
	v19 =	vld [tilespmem:$0x1FDD0]  }
0x229: {  	s20 =	sadd.s32 $0x4, s20;
	s18 =	smov.u32 s19;
	s19 =	sadd.s32 $0x80, s19;
	v50 =	vmax.f32 v3, v4;
	v47 =	vsub.f32 $1.000000000e+00, v0;
	v54 =	vmax.f32 v2, v6;
	v16 =	vmovc v23;
	v23 =	vld [tilespmem:$0x1FE10]  }
0x22a: {  	v1 =	vmax.f32 v51, v39;
	v2 =	vmax.f32 v54, v40  }
0x22b: {  	v3 =	vmax.f32 v56, v42;
	v4 =	vmax.f32 v52, v41;
	v5 =	vmax.f32 v53, v43  }
0x22c: {  	v6 =	vmax.f32 v55, v44;
	v7 =	vmax.f32 v49, v45;
	v8 =	vmax.f32 v50, v46  }
0x22d: {  	v1 =	vmax.f32 v1, v32;
	v2 =	vmax.f32 v2, v31;
	v3 =	vmax.f32 v3, v33  }
0x22e: {  	v4 =	vmax.f32 v4, v34;
	v5 =	vmax.f32 v5, v35;
	v6 =	vmax.f32 v6, v36  }
0x22f: {  	v7 =	vmax.f32 v7, v38;
	v8 =	vmax.f32 v8, v37;
	v1 =	vmax.f32 v1, v20  }
0x230: {  	v2 =	vmax.f32 v2, v21;
	v3 =	vmax.f32 v3, v24;
	v4 =	vmax.f32 v4, v25  }
0x231: {  	v5 =	vmax.f32 v5, v28;
	v6 =	vmax.f32 v6, v27;
	v7 =	vmax.f32 v7, v29  }
0x232: {  	v8 =	vmax.f32 v8, v30;
	v1 =	vmax.f32 v1, v10;
	v2 =	vmax.f32 v2, v11  }
0x233: {  	v53 =	vld [tilespmem:$0x1FE30];
	v3 =	vmax.f32 v3, v13;
	v4 =	vmax.f32 v4, v12;
	v1 =	vmul.f32 v47, v1  }
0x234: {  	v54 =	vld [tilespmem:$0x1FE40];
	v5 =	vmax.f32 v5, v14;
	v6 =	vmax.f32 v6, v15;
	v2 =	vmul.f32 v47, v2  }
0x235: {  	v7 =	vmax.f32 v7, v16;
	v3 =	vmul.f32 v47, v3;
	v1 =	vadd.f32 v1, v60  }
0x236: {  	v9 =	vld [tilespmem:s18+$0x20];
	v8 =	vmax.f32 v8, v62;
	v4 =	vmul.f32 v47, v4;
	v2 =	vadd.f32 v2, v63  }
0x237: {  	v52 =	vld [tilespmem:s18+$0x30];
	v5 =	vmul.f32 v47, v5;
	v3 =	vadd.f32 v3, v61;
	v1 =	vadd.f32 v1, v26  }
0x238: {  	v6 =	vmul.f32 v47, v6;
	v4 =	vadd.f32 v4, v18;
	v2 =	vadd.f32 v2, v53  }
0x239: {  	v7 =	vmul.f32 v47, v7;
	v5 =	vadd.f32 v5, v59;
	v3 =	vadd.f32 v54, v3;
	[tilespmem:s15+$0x1D400] =	vst v1  }
0x23a: {  	s4 =	sadd.s32 $0x1, s4;
	v56 =	vmul.f32 v47, v8;
	v6 =	vadd.f32 v6, v58;
	v55 =	vadd.f32 v23, v4;
	[tilespmem:s15+$0x1D410] =	vst v2  }
0x23b: {  	p0 =	sne.s32 s4, $0x10;
	v59 =	vmul.f32 v9, v0;
	v7 =	vadd.f32 v7, v57;
	v5 =	vadd.f32 v22, v5;
	[tilespmem:s15+$0x1D420] =	vst v3  }
.Ltmp2:
0x23c: {  	v60 =	vadd.f32 v56, v17;
	v61 =	vmul.f32 v52, v0;
	v62 =	vadd.f32 v19, v6;
	[tilespmem:s15+$0x1D430] =	vst v55;
	(pc) =	sbr.rel @p0 .LBB2_2-.Ltmp2, $4  }
0x23d: {  	v63 =	vadd.f32 v59, v7;
	[tilespmem:s15+$0x1D440] =	vst v5  }
0x23e: {  	v0 =	vadd.f32 v61, v60;
	[tilespmem:s15+$0x1D450] =	vst v62  }
0x23f: {  	[tilespmem:s15+$0x1D460] =	vst v63  }
0x240: {  	[tilespmem:s15+$0x1D470] =	vst v0  }
0x241: {  	s15 =	simm.s32 $0x0;
	s4 =	rddreg [dreg:$0x5];
	s16 =	simm.s32 $0x1D400  }
0x242: {  	[hbm4b:s4+s15] =	stream.linear.scatter [tilespmem:s16], [sflag:$0x3], $0x1000, $0x38;
	[tilespmem:$0x1E400] =	vst v63  }
0x243: {  	_ =	swait.ge [sflag:s13], $0x1000  }
0x244: {  	s22 =	rddreg [dreg:$0x7]  }
0x245: {  	s23 =	rddreg [dreg:$0x6];
	s16 =	sadd.s32 $0x1, s22  }
0x246: {  	p0 =	sne.s32 s16, s23  }
.Ltmp3:
0x247: {  	_ = 	snop;
	(pc) =	sbr.rel @p0 .LBB2_1-.Ltmp3, $3  }
0x248: {  	_ =	sdelay $0x1  }
0x249: {  	[sflag:s13] =	ssyncset.done $0x0  }
0x24a: {  	[sflag:s13] =	ssyncadd.s32 $0xFFFFF000  }
0x24b: {  	_ =	sfence.sel $0x180000  }
0x24c: {  	[bflag:$0x0] =	sbarrier.arrive $0xFFFF  }
0x24d: {  	_ =	strace $0x90000047  }
0x24e: {  	s0 =	stileid.u32;
	[bflag:$0x2] =	sbarrier.arrive $0xFFFF  }
0x24f: {  	p0 =	sne.s32 s0, $0x0;
	s0 =	rddreg [dreg:$0x3]  }
0x250: {  	s0 =	sadd.s32 @!p0 $0x100000, s0  }
0x251: {  	[sflag:s0] =	ssyncadd.tile.s32 @!p0 $0x1;
	_ =	shalt  }
.Lfunc_end2:
_tile_overlayer_lowered:
.L_overlay_start_2:
0x252: {  	(tag) =	ssettag $0x2  }
0x253: {  	s0 =	rddreg [dreg:$0x0];
	s2 =	stileid.u32  }
0x254: {  	s1 =	rddreg [dreg:$0x1];
	p0 =	sne.s32 s2, $0x0  }
0x255: {  	s3 =	rddreg [dreg:$0x2];
	[bflag:$0x3] =	sbarrier.arrive $0xFFFF;
	s2 =	simm.s32 @!p0 $0x1C03  }
0x256: {  	[timem:s3], [sflag:s2] =	dma.local @!p0 [hbm:s0], s1  }
0x257: {  	s0 =	simm.s32 @!p0 $0x3  }
0x258: {  	_ =	swait.ge @!p0 [sflag:s0], s1  }
0x259: {  	s1 =	ssub.s32 @!p0 $0x0, s1;
	[sflag:s0] =	ssyncset.done @!p0 $0x0  }
0x25a: {  	[sflag:s0] =	ssyncadd.s32 @!p0 s1  }
0x25b: {  	[bflag:$0x3] =	sbarrier.arrive $0xFFFF  }
0x25c: {  	_ =	shalt  }

</sc_bundles>
